<compile_context>
chip_gen: v7x
topology: tpu7x:2x2x1
jax: 0.10.2.dev20260603
libtpu: 0.0.44.dev20260713+nightly
codegen_flags: <defaults>
</compile_context>

<pallas_src>
import functools

import jax
import jax.numpy as jnp
from jax import lax
from jax.experimental import pallas as pl
from jax.experimental.pallas import tpu as pltpu
from jax.experimental.pallas import tpu_sc as plsc

HID = 512


def _gather_half(table, i_arr, j_arr, row0, SH, S, T):
    info = plsc.get_sparse_core_info()
    NC, NS = info.num_cores, info.num_subcores
    NW = NC * NS
    per_w = SH // NW
    C = 64
    n_ch = per_w // C
    tsh = (T - 1).bit_length()
    assert T == (1 << tsh)
    mesh = plsc.VectorSubcoreMesh(core_axis_name="c", subcore_axis_name="s")

    @functools.partial(
        pl.kernel,
        mesh=mesh,
        out_type=jax.ShapeDtypeStruct((SH, 4 * HID), jnp.float32),
        scratch_types=[
            pltpu.VMEM((per_w,), jnp.int32),
            pltpu.VMEM((per_w,), jnp.int32),
            pltpu.VMEM((4 * n_ch, C), jnp.int32),
            pltpu.VMEM((C, HID), jnp.float32),
            pltpu.VMEM((C, HID), jnp.float32),
            pltpu.SemaphoreType.DMA,
            pltpu.SemaphoreType.DMA,
        ],
    )
    def k(table_h, i_h, j_h, a_h, iv, jv, idx, buf0, buf1, sem0, sem1):
        wid = lax.axis_index("s") * NC + lax.axis_index("c")
        base = wid * per_w
        pltpu.sync_copy(i_h.at[pl.ds(base, per_w)], iv)
        pltpu.sync_copy(j_h.at[pl.ds(base, per_w)], jv)

        for h in range(n_ch):
            def comp(p, _, h=h):
                off = h * C + p * 16
                i16 = iv[pl.ds(off, 16)]
                j16 = jv[pl.ds(off, 16)]
                lanes = row0 + base + off + lax.iota(jnp.int32, 16)
                q = (lanes >> tsh) << tsh
                e0 = 2 * (q + j16)
                e1 = 2 * (q + i16) + 1
                e2 = 2 * (q + jnp.maximum(i16 - 1, 0))
                e3 = 2 * (q + jnp.minimum(j16 + 1, T - 1)) + 1
                idx[0 * n_ch + h, pl.ds(p * 16, 16)] = e0
                idx[1 * n_ch + h, pl.ds(p * 16, 16)] = e1
                idx[2 * n_ch + h, pl.ds(p * 16, 16)] = e2
                idx[3 * n_ch + h, pl.ds(p * 16, 16)] = e3
                return _

            lax.fori_loop(0, C // 16, comp, None)

        order = [(h, blk) for h in range(n_ch) for blk in range(4)]
        bufs = (buf0, buf1)
        sems = (sem0, sem1)
        prev = None
        for t, (h, blk) in enumerate(order):
            p = t % 2
            cp = pltpu.async_copy(
                table_h.at[idx.at[blk * n_ch + h]], bufs[p], sems[p])
            if prev is not None:
                pt, pcp = prev
                pcp.wait()
                ph, pblk = order[pt]
                pltpu.sync_copy(
                    bufs[pt % 2],
                    a_h.at[pl.ds(base + ph * C, C),
                           pl.ds(pblk * HID, HID)])
            prev = (t, cp)
        pt, pcp = prev
        pcp.wait()
        ph, pblk = order[pt]
        pltpu.sync_copy(
            bufs[pt % 2],
            a_h.at[pl.ds(base + ph * C, C), pl.ds(pblk * HID, HID)])

    return k(table, i_arr, j_arr)


def _matmul_half(A, masks, Wr, b2, S, OUT, m_off, prev_out=None):
    BM = 512
    K = 4 * HID
    SH = A.shape[0]

    def mm(*refs):
        if prev_out is None:
            a_ref, m_ref, w_ref, b_ref, o_ref = refs
        else:
            a_ref, m_ref, w_ref, b_ref, _prev, o_ref = refs
        parts = []
        for c in range(4):
            blk = a_ref[:, c * HID:(c + 1) * HID] * m_ref[:, c][:, None]
            parts.append(blk.astype(jnp.bfloat16))
        a = jnp.concatenate(parts, axis=1)
        o_ref[...] = lax.dot_general(
            a, w_ref[...],
            (((1,), (1,)), ((), ())),
            preferred_element_type=jnp.float32) + b_ref[...]

    in_specs = [
        pl.BlockSpec((BM, K), lambda m: (m, 0)),
        pl.BlockSpec((BM, 4), lambda m: (m, 0)),
        pl.BlockSpec((OUT, K), lambda m: (0, 0)),
        pl.BlockSpec((1, OUT), lambda m: (0, 0)),
    ]
    operands = [A, masks, Wr, b2]
    kwargs = {}
    if prev_out is not None:
        in_specs.append(pl.BlockSpec(memory_space=pltpu.MemorySpace.HBM))
        operands.append(prev_out)
        kwargs["input_output_aliases"] = {4: 0}

    moff_tiles = m_off // BM
    return pl.pallas_call(
        mm,
        grid=(SH // BM,),
        in_specs=in_specs,
        out_specs=pl.BlockSpec((BM, OUT), lambda m: (m + moff_tiles, 0)),
        out_shape=jax.ShapeDtypeStruct((S, OUT), jnp.float32),
        compiler_params=pltpu.CompilerParams(
            dimension_semantics=("parallel",)),
        **kwargs,
    )(*operands)


def kernel(input, span_idxs, W, b):
    B, T, two_h = input.shape
    OUT = W.shape[0]
    S = B * T
    SH = S // 2

    table = input.reshape(2 * S, HID)

    si = span_idxs.astype(jnp.int32)
    i_arr = si[..., 0].reshape(S)
    j_arr = si[..., 1].reshape(S)

    skip = (i_arr == 0) & (j_arr == 0)
    m01 = ~skip
    m2 = i_arr > 0
    m3 = m01 & (j_arr < T - 1)
    masks = jnp.stack([m01, m01, m2, m3], axis=1).astype(jnp.float32)

    W1 = W[:, 0:HID]
    W2 = W[:, HID:2 * HID]
    W3 = W[:, 2 * HID:3 * HID]
    W4 = W[:, 3 * HID:4 * HID]
    Wr = jnp.concatenate([W1, W2, W3 - W1, W4 - W2],
                         axis=1).astype(jnp.bfloat16)
    b2 = b.reshape(1, OUT)

    A1 = _gather_half(table, i_arr[:SH], j_arr[:SH], 0, SH, S, T)
    A2 = _gather_half(table, i_arr[SH:], j_arr[SH:], SH, SH, S, T)

    out1 = _matmul_half(A1, masks[:SH], Wr, b2, S, OUT, 0)
    out = _matmul_half(A2, masks[SH:], Wr, b2, S, OUT, SH, prev_out=out1)
    return out.reshape(B, T, OUT)

# --- scband reference (transcript-rebuilt; emitter-appended) ---
"""Pipeline reference for scband-minus-span-44693429682758 (READ-ONLY COPY).

The authoritative reference and input builder live on the scoring server;
editing this copy changes nothing except your own understanding.
"""

import jax, jax.numpy as jnp
import numpy as np

HIDDEN = 512
OUT = HIDDEN * 4


def setup_inputs(seed: int = 0) -> dict:
    key = jax.random.key(seed)
    k1, k2, k3 = jax.random.split(key, 3)
    inp = jax.random.normal(k1, (16, 512, 2 * HIDDEN), dtype=jnp.float32)
    span_idxs = jnp.sort(jax.random.randint(k2, (16, 512, 2), 0, 512), axis=-1).astype(jnp.int64)
    W = jax.random.normal(k3, (OUT, OUT), dtype=jnp.float32) * 0.02
    b = jnp.zeros((OUT,), dtype=jnp.float32)
    return {"input": inp, "span_idxs": span_idxs, "W": W, "b": b}


def reference(input, span_idxs, W, b):
    B, T, _ = input.shape
    fwd = input[..., :HIDDEN]
    bwd = input[..., HIDDEN:]
    i = span_idxs[..., 0]  # [B, N]
    j = span_idxs[..., 1]  # [B, N]

    def gather(h, idx):
        return jnp.take_along_axis(h, idx[..., None], axis=1)

    # f_pre = forward[i-1] or zeros when i == 0
    f_pre = jnp.where((i == 0)[..., None], 0.0, gather(fwd, jnp.clip(i - 1, 0, T - 1)))
    # b_post = backward[j+1] or zeros when j+1 >= T
    b_post = jnp.where((j + 1 >= T)[..., None], 0.0, gather(bwd, jnp.clip(j + 1, 0, T - 1)))
    f_end = gather(fwd, j)
    b_start = gather(bwd, i)

    reps = jnp.concatenate([f_end - f_pre, b_start - b_post, f_pre, b_post], axis=-1)
    # spans with i == 0 and j == 0 are skipped (left as zeros in minus_reps)
    skip = ((i == 0) & (j == 0))[..., None]
    reps = jnp.where(skip, 0.0, reps)

    # fine_tune Linear applied to the whole tensor (including skipped/zero rows)
    out = reps @ W.T + b
    return out

if __name__ == "__main__":
    import jax
    _d = setup_inputs()
    print(jax.jit(kernel)(*tuple(_d.values())))

</pallas_src>

<mosaic_0001>
#map = affine_map<(d0, d1) -> (0, 0)>
#map1 = affine_map<(d0, d1) -> (0)>
module attributes {stable_mosaic.version = 14 : i64} {
  func.func @k(%arg0: i32, %arg1: i32, %arg2: memref<16384x512xf32, #tpu.memory_space<hbm>>, %arg3: memref<4096xi32, #tpu.memory_space<hbm>>, %arg4: memref<4096xi32, #tpu.memory_space<hbm>>, %arg5: memref<4096x2048xf32, #tpu.memory_space<hbm>>, %arg6: memref<128xi32, #tpu.memory_space<vmem>>, %arg7: memref<128xi32, #tpu.memory_space<vmem>>, %arg8: memref<8x64xi32, #tpu.memory_space<vmem>>, %arg9: memref<64x512xf32, #tpu.memory_space<vmem>>, %arg10: memref<64x512xf32, #tpu.memory_space<vmem>>, %arg11: memref<!tpu.dma_semaphore, #tpu.memory_space<semaphore_mem>>, %arg12: memref<!tpu.dma_semaphore, #tpu.memory_space<semaphore_mem>>) attributes {dimension_semantics = [#tpu.dimension_semantics<core_parallel>, #tpu.dimension_semantics<subcore_parallel>], iteration_bounds = array<i64: 2, 16>, scalar_prefetch = 0 : i64, scratch_operands = 7 : i64, tpu.core_type = #tpu.core_type<sc_vector_subcore>, window_params = [{transform_indices = #map}, {transform_indices = #map1}, {transform_indices = #map1}, {transform_indices = #map}]} {
    %mul3A = arith.constant 2 : i32
    %mul3A_0 = arith.muli %arg1, %mul3A : i32
    %add3A = arith.addi %mul3A_0, %arg0 : i32
    %mul3A_1 = arith.constant 128 : i32
    %mul3A_2 = arith.muli %add3A, %mul3A_1 : i32
    "tpu.region"() ({
      %run_scoped3A = tpu.sem_alloc : memref<!tpu.dma_semaphore, #tpu.memory_space<semaphore_mem>>
      %dma_start3A_138 = tpu.memref_slice %arg3[%mul3A_2] : memref<4096xi32, #tpu.memory_space<hbm>> -> memref<128xi32, #tpu.memory_space<hbm>>
      %dma_start3A_139 = tpu.memref_slice %arg3[%mul3A_2] : memref<4096xi32, #tpu.memory_space<hbm>> -> memref<128xi32, #tpu.memory_space<hbm>>
      tpu.enqueue_dma source(%dma_start3A_139 : memref<128xi32, #tpu.memory_space<hbm>>) target(%arg6 : memref<128xi32, #tpu.memory_space<vmem>>) target_semaphore(%run_scoped3A : memref<!tpu.dma_semaphore, #tpu.memory_space<semaphore_mem>>)
      %dma_wait3A_140 = tpu.memref_slice %arg3[%mul3A_2] : memref<4096xi32, #tpu.memory_space<hbm>> -> memref<128xi32, #tpu.memory_space<hbm>>
      %dma_wait3A_141 = tpu.memref_slice %arg3[%mul3A_2] : memref<4096xi32, #tpu.memory_space<hbm>> -> memref<128xi32, #tpu.memory_space<hbm>>
      tpu.wait_dma2 semaphore(%run_scoped3A : memref<!tpu.dma_semaphore, #tpu.memory_space<semaphore_mem>>) src(%dma_wait3A_141 : memref<128xi32, #tpu.memory_space<hbm>>) dst(%arg6 : memref<128xi32, #tpu.memory_space<vmem>>)
      tpu.yield
    }) : () -> ()
    "tpu.region"() ({
      %run_scoped3A = tpu.sem_alloc : memref<!tpu.dma_semaphore, #tpu.memory_space<semaphore_mem>>
      %dma_start3A_138 = tpu.memref_slice %arg4[%mul3A_2] : memref<4096xi32, #tpu.memory_space<hbm>> -> memref<128xi32, #tpu.memory_space<hbm>>
      %dma_start3A_139 = tpu.memref_slice %arg4[%mul3A_2] : memref<4096xi32, #tpu.memory_space<hbm>> -> memref<128xi32, #tpu.memory_space<hbm>>
      tpu.enqueue_dma source(%dma_start3A_139 : memref<128xi32, #tpu.memory_space<hbm>>) target(%arg7 : memref<128xi32, #tpu.memory_space<vmem>>) target_semaphore(%run_scoped3A : memref<!tpu.dma_semaphore, #tpu.memory_space<semaphore_mem>>)
      %dma_wait3A_140 = tpu.memref_slice %arg4[%mul3A_2] : memref<4096xi32, #tpu.memory_space<hbm>> -> memref<128xi32, #tpu.memory_space<hbm>>
      %dma_wait3A_141 = tpu.memref_slice %arg4[%mul3A_2] : memref<4096xi32, #tpu.memory_space<hbm>> -> memref<128xi32, #tpu.memory_space<hbm>>
      tpu.wait_dma2 semaphore(%run_scoped3A : memref<!tpu.dma_semaphore, #tpu.memory_space<semaphore_mem>>) src(%dma_wait3A_141 : memref<128xi32, #tpu.memory_space<hbm>>) dst(%arg7 : memref<128xi32, #tpu.memory_space<vmem>>)
      tpu.yield
    }) : () -> ()
    %scan3A = arith.constant 0 : i32
    %scan3A_3 = arith.constant 4 : i32
    %scan3A_4 = arith.addi %scan3A, %scan3A_3 : i32
    %scan3A_5 = arith.constant 1 : i32
    scf.for %scan3A_138 = %scan3A to %scan3A_4 step %scan3A_5  : i32 {
      %mul3A_139 = arith.constant 16 : i32
      %mul3A_140 = arith.muli %scan3A_138, %mul3A_139 : i32
      %add3A_141 = arith.constant 0 : i32
      %add3A_142 = arith.addi %add3A_141, %mul3A_140 : i32
      %get3A = arith.index_cast %add3A_142 : i32 to index
      %get3A_143 = tpu.vector_load %arg6[%get3A] {strides = array<i32>} : memref<128xi32, #tpu.memory_space<vmem>>, vector<16xi32>,
      %get3A_144 = vector.shape_cast %get3A_143 : vector<16xi32> to vector<16xi32>
      %get3A_145 = arith.index_cast %add3A_142 : i32 to index
      %get3A_146 = tpu.vector_load %arg7[%get3A_145] {strides = array<i32>} : memref<128xi32, #tpu.memory_space<vmem>>, vector<16xi32>,
      %get3A_147 = vector.shape_cast %get3A_146 : vector<16xi32> to vector<16xi32>
      %add3A_148 = arith.constant 4096 : i32
      %add3A_149 = arith.addi %add3A_148, %mul3A_2 : i32
      %add3A_150 = arith.addi %add3A_149, %add3A_142 : i32
      %iota3A = tpu.iota {dimensions = array<i32: 0>} : vector<16xi32>
      %add3A_151 = vector.broadcast %add3A_150 : i32 to vector<16xi32>
      %add3A_152 = arith.addi %add3A_151, %iota3A : vector<16xi32>
      %shift_right_arithmetic3A = arith.constant 9 : i32
      %shift_right_arithmetic3A_153 = vector.broadcast %shift_right_arithmetic3A : i32 to vector<16xi32>
      %shift_right_arithmetic3A_154 = arith.shrsi %add3A_152, %shift_right_arithmetic3A_153 : vector<16xi32>
      %shift_left3A = arith.constant 9 : i32
      %shift_left3A_155 = vector.broadcast %shift_left3A : i32 to vector<16xi32>
      %shift_left3A_156 = arith.shli %shift_right_arithmetic3A_154, %shift_left3A_155 : vector<16xi32>
      %add3A_157 = arith.addi %shift_left3A_156, %get3A_147 : vector<16xi32>
      %mul3A_158 = arith.constant 2 : i32
      %mul3A_159 = vector.broadcast %mul3A_158 : i32 to vector<16xi32>
      %mul3A_160 = arith.muli %mul3A_159, %add3A_157 : vector<16xi32>
      %add3A_161 = arith.addi %shift_left3A_156, %get3A_144 : vector<16xi32>
      %mul3A_162 = arith.constant 2 : i32
      %mul3A_163 = vector.broadcast %mul3A_162 : i32 to vector<16xi32>
      %mul3A_164 = arith.muli %mul3A_163, %add3A_161 : vector<16xi32>
      %add3A_165 = arith.constant 1 : i32
      %add3A_166 = vector.broadcast %add3A_165 : i32 to vector<16xi32>
      %add3A_167 = arith.addi %mul3A_164, %add3A_166 : vector<16xi32>
      %sub3A = arith.constant 1 : i32
      %sub3A_168 = vector.broadcast %sub3A : i32 to vector<16xi32>
      %sub3A_169 = arith.subi %get3A_144, %sub3A_168 : vector<16xi32>
      %max3A = arith.constant 0 : i32
      %max3A_170 = vector.broadcast %max3A : i32 to vector<16xi32>
      %max3A_171 = arith.maxsi %sub3A_169, %max3A_170 : vector<16xi32>
      %add3A_172 = arith.addi %shift_left3A_156, %max3A_171 : vector<16xi32>
      %mul3A_173 = arith.constant 2 : i32
      %mul3A_174 = vector.broadcast %mul3A_173 : i32 to vector<16xi32>
      %mul3A_175 = arith.muli %mul3A_174, %add3A_172 : vector<16xi32>
      %add3A_176 = arith.constant 1 : i32
      %add3A_177 = vector.broadcast %add3A_176 : i32 to vector<16xi32>
      %add3A_178 = arith.addi %get3A_147, %add3A_177 : vector<16xi32>
      %min3A = arith.constant 511 : i32
      %min3A_179 = vector.broadcast %min3A : i32 to vector<16xi32>
      %min3A_180 = arith.minsi %add3A_178, %min3A_179 : vector<16xi32>
      %add3A_181 = arith.addi %shift_left3A_156, %min3A_180 : vector<16xi32>
      %mul3A_182 = arith.constant 2 : i32
      %mul3A_183 = vector.broadcast %mul3A_182 : i32 to vector<16xi32>
      %mul3A_184 = arith.muli %mul3A_183, %add3A_181 : vector<16xi32>
      %add3A_185 = arith.constant 1 : i32
      %add3A_186 = vector.broadcast %add3A_185 : i32 to vector<16xi32>
      %add3A_187 = arith.addi %mul3A_184, %add3A_186 : vector<16xi32>
      %mul3A_188 = arith.constant 16 : i32
      %mul3A_189 = arith.muli %scan3A_138, %mul3A_188 : i32
      %swap3A = arith.constant 0 : i32
      %swap3A_190 = arith.index_cast %swap3A : i32 to index
      %swap3A_191 = arith.index_cast %mul3A_189 : i32 to index
      %swap3A_192 = tpu.vector_load %arg8[%swap3A_190, %swap3A_191] {strides = array<i32>} : memref<8x64xi32, #tpu.memory_space<vmem>>, vector<1x16xi32>,
      %swap3A_193 = vector.shape_cast %swap3A_192 : vector<1x16xi32> to vector<16xi32>
      %swap3A_194 = vector.shape_cast %mul3A_160 : vector<16xi32> to vector<1x16xi32>
      tpu.vector_store %arg8[%swap3A_190, %swap3A_191], %swap3A_194 {strides = array<i32>} : memref<8x64xi32, #tpu.memory_space<vmem>>, vector<1x16xi32>,
      %mul3A_195 = arith.constant 16 : i32
      %mul3A_196 = arith.muli %scan3A_138, %mul3A_195 : i32
      %swap3A_197 = arith.constant 2 : i32
      %swap3A_198 = arith.index_cast %swap3A_197 : i32 to index
      %swap3A_199 = arith.index_cast %mul3A_196 : i32 to index
      %swap3A_200 = tpu.vector_load %arg8[%swap3A_198, %swap3A_199] {strides = array<i32>} : memref<8x64xi32, #tpu.memory_space<vmem>>, vector<1x16xi32>,
      %swap3A_201 = vector.shape_cast %swap3A_200 : vector<1x16xi32> to vector<16xi32>
      %swap3A_202 = vector.shape_cast %add3A_167 : vector<16xi32> to vector<1x16xi32>
      tpu.vector_store %arg8[%swap3A_198, %swap3A_199], %swap3A_202 {strides = array<i32>} : memref<8x64xi32, #tpu.memory_space<vmem>>, vector<1x16xi32>,
      %mul3A_203 = arith.constant 16 : i32
      %mul3A_204 = arith.muli %scan3A_138, %mul3A_203 : i32
      %swap3A_205 = arith.constant 4 : i32
      %swap3A_206 = arith.index_cast %swap3A_205 : i32 to index
      %swap3A_207 = arith.index_cast %mul3A_204 : i32 to index
      %swap3A_208 = tpu.vector_load %arg8[%swap3A_206, %swap3A_207] {strides = array<i32>} : memref<8x64xi32, #tpu.memory_space<vmem>>, vector<1x16xi32>,
      %swap3A_209 = vector.shape_cast %swap3A_208 : vector<1x16xi32> to vector<16xi32>
      %swap3A_210 = vector.shape_cast %mul3A_175 : vector<16xi32> to vector<1x16xi32>
      tpu.vector_store %arg8[%swap3A_206, %swap3A_207], %swap3A_210 {strides = array<i32>} : memref<8x64xi32, #tpu.memory_space<vmem>>, vector<1x16xi32>,
      %mul3A_211 = arith.constant 16 : i32
      %mul3A_212 = arith.muli %scan3A_138, %mul3A_211 : i32
      %swap3A_213 = arith.constant 6 : i32
      %swap3A_214 = arith.index_cast %swap3A_213 : i32 to index
      %swap3A_215 = arith.index_cast %mul3A_212 : i32 to index
      %swap3A_216 = tpu.vector_load %arg8[%swap3A_214, %swap3A_215] {strides = array<i32>} : memref<8x64xi32, #tpu.memory_space<vmem>>, vector<1x16xi32>,
      %swap3A_217 = vector.shape_cast %swap3A_216 : vector<1x16xi32> to vector<16xi32>
      %swap3A_218 = vector.shape_cast %add3A_187 : vector<16xi32> to vector<1x16xi32>
      tpu.vector_store %arg8[%swap3A_214, %swap3A_215], %swap3A_218 {strides = array<i32>} : memref<8x64xi32, #tpu.memory_space<vmem>>, vector<1x16xi32>,
    }
    %scan3A_6 = arith.constant 4 : i32
    %scan3A_7 = arith.constant 0 : i32
    %scan3A_8 = arith.constant 4 : i32
    %scan3A_9 = arith.addi %scan3A_7, %scan3A_8 : i32
    %scan3A_10 = arith.constant 1 : i32
    scf.for %scan3A_138 = %scan3A_7 to %scan3A_9 step %scan3A_10  : i32 {
      %mul3A_139 = arith.constant 16 : i32
      %mul3A_140 = arith.muli %scan3A_138, %mul3A_139 : i32
      %add3A_141 = arith.constant 64 : i32
      %add3A_142 = arith.addi %add3A_141, %mul3A_140 : i32
      %get3A = arith.index_cast %add3A_142 : i32 to index
      %get3A_143 = tpu.vector_load %arg6[%get3A] {strides = array<i32>} : memref<128xi32, #tpu.memory_space<vmem>>, vector<16xi32>,
      %get3A_144 = vector.shape_cast %get3A_143 : vector<16xi32> to vector<16xi32>
      %get3A_145 = arith.index_cast %add3A_142 : i32 to index
      %get3A_146 = tpu.vector_load %arg7[%get3A_145] {strides = array<i32>} : memref<128xi32, #tpu.memory_space<vmem>>, vector<16xi32>,
      %get3A_147 = vector.shape_cast %get3A_146 : vector<16xi32> to vector<16xi32>
      %add3A_148 = arith.constant 4096 : i32
      %add3A_149 = arith.addi %add3A_148, %mul3A_2 : i32
      %add3A_150 = arith.addi %add3A_149, %add3A_142 : i32
      %iota3A = tpu.iota {dimensions = array<i32: 0>} : vector<16xi32>
      %add3A_151 = vector.broadcast %add3A_150 : i32 to vector<16xi32>
      %add3A_152 = arith.addi %add3A_151, %iota3A : vector<16xi32>
      %shift_right_arithmetic3A = arith.constant 9 : i32
      %shift_right_arithmetic3A_153 = vector.broadcast %shift_right_arithmetic3A : i32 to vector<16xi32>
      %shift_right_arithmetic3A_154 = arith.shrsi %add3A_152, %shift_right_arithmetic3A_153 : vector<16xi32>
      %shift_left3A = arith.constant 9 : i32
      %shift_left3A_155 = vector.broadcast %shift_left3A : i32 to vector<16xi32>
      %shift_left3A_156 = arith.shli %shift_right_arithmetic3A_154, %shift_left3A_155 : vector<16xi32>
      %add3A_157 = arith.addi %shift_left3A_156, %get3A_147 : vector<16xi32>
      %mul3A_158 = arith.constant 2 : i32
      %mul3A_159 = vector.broadcast %mul3A_158 : i32 to vector<16xi32>
      %mul3A_160 = arith.muli %mul3A_159, %add3A_157 : vector<16xi32>
      %add3A_161 = arith.addi %shift_left3A_156, %get3A_144 : vector<16xi32>
      %mul3A_162 = arith.constant 2 : i32
      %mul3A_163 = vector.broadcast %mul3A_162 : i32 to vector<16xi32>
      %mul3A_164 = arith.muli %mul3A_163, %add3A_161 : vector<16xi32>
      %add3A_165 = arith.constant 1 : i32
      %add3A_166 = vector.broadcast %add3A_165 : i32 to vector<16xi32>
      %add3A_167 = arith.addi %mul3A_164, %add3A_166 : vector<16xi32>
      %sub3A = arith.constant 1 : i32
      %sub3A_168 = vector.broadcast %sub3A : i32 to vector<16xi32>
      %sub3A_169 = arith.subi %get3A_144, %sub3A_168 : vector<16xi32>
      %max3A = arith.constant 0 : i32
      %max3A_170 = vector.broadcast %max3A : i32 to vector<16xi32>
      %max3A_171 = arith.maxsi %sub3A_169, %max3A_170 : vector<16xi32>
      %add3A_172 = arith.addi %shift_left3A_156, %max3A_171 : vector<16xi32>
      %mul3A_173 = arith.constant 2 : i32
      %mul3A_174 = vector.broadcast %mul3A_173 : i32 to vector<16xi32>
      %mul3A_175 = arith.muli %mul3A_174, %add3A_172 : vector<16xi32>
      %add3A_176 = arith.constant 1 : i32
      %add3A_177 = vector.broadcast %add3A_176 : i32 to vector<16xi32>
      %add3A_178 = arith.addi %get3A_147, %add3A_177 : vector<16xi32>
      %min3A = arith.constant 511 : i32
      %min3A_179 = vector.broadcast %min3A : i32 to vector<16xi32>
      %min3A_180 = arith.minsi %add3A_178, %min3A_179 : vector<16xi32>
      %add3A_181 = arith.addi %shift_left3A_156, %min3A_180 : vector<16xi32>
      %mul3A_182 = arith.constant 2 : i32
      %mul3A_183 = vector.broadcast %mul3A_182 : i32 to vector<16xi32>
      %mul3A_184 = arith.muli %mul3A_183, %add3A_181 : vector<16xi32>
      %add3A_185 = arith.constant 1 : i32
      %add3A_186 = vector.broadcast %add3A_185 : i32 to vector<16xi32>
      %add3A_187 = arith.addi %mul3A_184, %add3A_186 : vector<16xi32>
      %mul3A_188 = arith.constant 16 : i32
      %mul3A_189 = arith.muli %scan3A_138, %mul3A_188 : i32
      %swap3A = arith.constant 1 : i32
      %swap3A_190 = arith.index_cast %swap3A : i32 to index
      %swap3A_191 = arith.index_cast %mul3A_189 : i32 to index
      %swap3A_192 = tpu.vector_load %arg8[%swap3A_190, %swap3A_191] {strides = array<i32>} : memref<8x64xi32, #tpu.memory_space<vmem>>, vector<1x16xi32>,
      %swap3A_193 = vector.shape_cast %swap3A_192 : vector<1x16xi32> to vector<16xi32>
      %swap3A_194 = vector.shape_cast %mul3A_160 : vector<16xi32> to vector<1x16xi32>
      tpu.vector_store %arg8[%swap3A_190, %swap3A_191], %swap3A_194 {strides = array<i32>} : memref<8x64xi32, #tpu.memory_space<vmem>>, vector<1x16xi32>,
      %mul3A_195 = arith.constant 16 : i32
      %mul3A_196 = arith.muli %scan3A_138, %mul3A_195 : i32
      %swap3A_197 = arith.constant 3 : i32
      %swap3A_198 = arith.index_cast %swap3A_197 : i32 to index
      %swap3A_199 = arith.index_cast %mul3A_196 : i32 to index
      %swap3A_200 = tpu.vector_load %arg8[%swap3A_198, %swap3A_199] {strides = array<i32>} : memref<8x64xi32, #tpu.memory_space<vmem>>, vector<1x16xi32>,
      %swap3A_201 = vector.shape_cast %swap3A_200 : vector<1x16xi32> to vector<16xi32>
      %swap3A_202 = vector.shape_cast %add3A_167 : vector<16xi32> to vector<1x16xi32>
      tpu.vector_store %arg8[%swap3A_198, %swap3A_199], %swap3A_202 {strides = array<i32>} : memref<8x64xi32, #tpu.memory_space<vmem>>, vector<1x16xi32>,
      %mul3A_203 = arith.constant 16 : i32
      %mul3A_204 = arith.muli %scan3A_138, %mul3A_203 : i32
      %swap3A_205 = arith.constant 5 : i32
      %swap3A_206 = arith.index_cast %swap3A_205 : i32 to index
      %swap3A_207 = arith.index_cast %mul3A_204 : i32 to index
      %swap3A_208 = tpu.vector_load %arg8[%swap3A_206, %swap3A_207] {strides = array<i32>} : memref<8x64xi32, #tpu.memory_space<vmem>>, vector<1x16xi32>,
      %swap3A_209 = vector.shape_cast %swap3A_208 : vector<1x16xi32> to vector<16xi32>
      %swap3A_210 = vector.shape_cast %mul3A_175 : vector<16xi32> to vector<1x16xi32>
      tpu.vector_store %arg8[%swap3A_206, %swap3A_207], %swap3A_210 {strides = array<i32>} : memref<8x64xi32, #tpu.memory_space<vmem>>, vector<1x16xi32>,
      %mul3A_211 = arith.constant 16 : i32
      %mul3A_212 = arith.muli %scan3A_138, %mul3A_211 : i32
      %swap3A_213 = arith.constant 7 : i32
      %swap3A_214 = arith.index_cast %swap3A_213 : i32 to index
      %swap3A_215 = arith.index_cast %mul3A_212 : i32 to index
      %swap3A_216 = tpu.vector_load %arg8[%swap3A_214, %swap3A_215] {strides = array<i32>} : memref<8x64xi32, #tpu.memory_space<vmem>>, vector<1x16xi32>,
      %swap3A_217 = vector.shape_cast %swap3A_216 : vector<1x16xi32> to vector<16xi32>
      %swap3A_218 = vector.shape_cast %add3A_187 : vector<16xi32> to vector<1x16xi32>
      tpu.vector_store %arg8[%swap3A_214, %swap3A_215], %swap3A_218 {strides = array<i32>} : memref<8x64xi32, #tpu.memory_space<vmem>>, vector<1x16xi32>,
    }
    %scan3A_11 = arith.constant 4 : i32
    %dma_start3A = arith.constant 0 : i32
    %dma_start3A_12 = arith.constant 0 : i32
    %dma_start3A_13 = tpu.memref_slice %arg8[%dma_start3A, %dma_start3A_12] : memref<8x64xi32, #tpu.memory_space<vmem>> -> memref<1x64xi32, #tpu.memory_space<vmem>>
    %dma_start3A_14 = tpu.memref_squeeze %dma_start3A_13 : memref<1x64xi32, #tpu.memory_space<vmem>> -> memref<64xi32, #tpu.memory_space<vmem>>
    %dma_start3A_15 = arith.constant 0 : i32
    %dma_start3A_16 = arith.constant 0 : i32
    %dma_start3A_17 = tpu.memref_slice %arg2[%dma_start3A_15, %dma_start3A_16] : memref<16384x512xf32, #tpu.memory_space<hbm>> -> memref<16384x512xf32, #tpu.memory_space<hbm>>
    tpu.enqueue_indirect_dma source(%dma_start3A_17 : memref<16384x512xf32, #tpu.memory_space<hbm>>) target(%arg9 : memref<64x512xf32, #tpu.memory_space<vmem>>) offsets(%dma_start3A_14 : memref<64xi32, #tpu.memory_space<vmem>>) semaphore(%arg11 : memref<!tpu.dma_semaphore, #tpu.memory_space<semaphore_mem>>)
    %dma_start3A_18 = arith.constant 2 : i32
    %dma_start3A_19 = arith.constant 0 : i32
    %dma_start3A_20 = tpu.memref_slice %arg8[%dma_start3A_18, %dma_start3A_19] : memref<8x64xi32, #tpu.memory_space<vmem>> -> memref<1x64xi32, #tpu.memory_space<vmem>>
    %dma_start3A_21 = tpu.memref_squeeze %dma_start3A_20 : memref<1x64xi32, #tpu.memory_space<vmem>> -> memref<64xi32, #tpu.memory_space<vmem>>
    %dma_start3A_22 = arith.constant 0 : i32
    %dma_start3A_23 = arith.constant 0 : i32
    %dma_start3A_24 = tpu.memref_slice %arg2[%dma_start3A_22, %dma_start3A_23] : memref<16384x512xf32, #tpu.memory_space<hbm>> -> memref<16384x512xf32, #tpu.memory_space<hbm>>
    tpu.enqueue_indirect_dma source(%dma_start3A_24 : memref<16384x512xf32, #tpu.memory_space<hbm>>) target(%arg10 : memref<64x512xf32, #tpu.memory_space<vmem>>) offsets(%dma_start3A_21 : memref<64xi32, #tpu.memory_space<vmem>>) semaphore(%arg12 : memref<!tpu.dma_semaphore, #tpu.memory_space<semaphore_mem>>)
    %dma_wait3A = arith.constant 0 : i32
    %dma_wait3A_25 = arith.constant 0 : i32
    %dma_wait3A_26 = tpu.memref_slice %arg8[%dma_wait3A, %dma_wait3A_25] : memref<8x64xi32, #tpu.memory_space<vmem>> -> memref<1x64xi32, #tpu.memory_space<vmem>>
    %dma_wait3A_27 = tpu.memref_squeeze %dma_wait3A_26 : memref<1x64xi32, #tpu.memory_space<vmem>> -> memref<64xi32, #tpu.memory_space<vmem>>
    %dma_wait3A_28 = arith.constant 0 : i32
    %dma_wait3A_29 = arith.constant 0 : i32
    %dma_wait3A_30 = tpu.memref_slice %arg2[%dma_wait3A_28, %dma_wait3A_29] : memref<16384x512xf32, #tpu.memory_space<hbm>> -> memref<16384x512xf32, #tpu.memory_space<hbm>>
    tpu.wait_indirect_dma semaphore(%arg11 : memref<!tpu.dma_semaphore, #tpu.memory_space<semaphore_mem>>) src(%dma_wait3A_30 : memref<16384x512xf32, #tpu.memory_space<hbm>>) dst(%arg9 : memref<64x512xf32, #tpu.memory_space<vmem>>)
    %add3A_31 = arith.constant 0 : i32
    %add3A_32 = arith.addi %mul3A_2, %add3A_31 : i32
    "tpu.region"() ({
      %run_scoped3A = tpu.sem_alloc : memref<!tpu.dma_semaphore, #tpu.memory_space<semaphore_mem>>
      %dma_start3A_138 = arith.constant 0 : i32
      %dma_start3A_139 = tpu.memref_slice %arg5[%add3A_32, %dma_start3A_138] : memref<4096x2048xf32, #tpu.memory_space<hbm>> -> memref<64x512xf32, #tpu.memory_space<hbm>>
      %dma_start3A_140 = arith.constant 0 : i32
      %dma_start3A_141 = tpu.memref_slice %arg5[%add3A_32, %dma_start3A_140] : memref<4096x2048xf32, #tpu.memory_space<hbm>> -> memref<64x512xf32, #tpu.memory_space<hbm>>
      tpu.enqueue_dma source(%arg9 : memref<64x512xf32, #tpu.memory_space<vmem>>) target(%dma_start3A_141 : memref<64x512xf32, #tpu.memory_space<hbm>>) target_semaphore(%run_scoped3A : memref<!tpu.dma_semaphore, #tpu.memory_space<semaphore_mem>>)
      %dma_wait3A_142 = arith.constant 0 : i32
      %dma_wait3A_143 = tpu.memref_slice %arg5[%add3A_32, %dma_wait3A_142] : memref<4096x2048xf32, #tpu.memory_space<hbm>> -> memref<64x512xf32, #tpu.memory_space<hbm>>
      %dma_wait3A_144 = arith.constant 0 : i32
      %dma_wait3A_145 = tpu.memref_slice %arg5[%add3A_32, %dma_wait3A_144] : memref<4096x2048xf32, #tpu.memory_space<hbm>> -> memref<64x512xf32, #tpu.memory_space<hbm>>
      tpu.wait_dma2 semaphore(%run_scoped3A : memref<!tpu.dma_semaphore, #tpu.memory_space<semaphore_mem>>) src(%arg9 : memref<64x512xf32, #tpu.memory_space<vmem>>) dst(%dma_wait3A_145 : memref<64x512xf32, #tpu.memory_space<hbm>>)
      tpu.yield
    }) : () -> ()
    %dma_start3A_33 = arith.constant 4 : i32
    %dma_start3A_34 = arith.constant 0 : i32
    %dma_start3A_35 = tpu.memref_slice %arg8[%dma_start3A_33, %dma_start3A_34] : memref<8x64xi32, #tpu.memory_space<vmem>> -> memref<1x64xi32, #tpu.memory_space<vmem>>
    %dma_start3A_36 = tpu.memref_squeeze %dma_start3A_35 : memref<1x64xi32, #tpu.memory_space<vmem>> -> memref<64xi32, #tpu.memory_space<vmem>>
    %dma_start3A_37 = arith.constant 0 : i32
    %dma_start3A_38 = arith.constant 0 : i32
    %dma_start3A_39 = tpu.memref_slice %arg2[%dma_start3A_37, %dma_start3A_38] : memref<16384x512xf32, #tpu.memory_space<hbm>> -> memref<16384x512xf32, #tpu.memory_space<hbm>>
    tpu.enqueue_indirect_dma source(%dma_start3A_39 : memref<16384x512xf32, #tpu.memory_space<hbm>>) target(%arg9 : memref<64x512xf32, #tpu.memory_space<vmem>>) offsets(%dma_start3A_36 : memref<64xi32, #tpu.memory_space<vmem>>) semaphore(%arg11 : memref<!tpu.dma_semaphore, #tpu.memory_space<semaphore_mem>>)
    %dma_wait3A_40 = arith.constant 2 : i32
    %dma_wait3A_41 = arith.constant 0 : i32
    %dma_wait3A_42 = tpu.memref_slice %arg8[%dma_wait3A_40, %dma_wait3A_41] : memref<8x64xi32, #tpu.memory_space<vmem>> -> memref<1x64xi32, #tpu.memory_space<vmem>>
    %dma_wait3A_43 = tpu.memref_squeeze %dma_wait3A_42 : memref<1x64xi32, #tpu.memory_space<vmem>> -> memref<64xi32, #tpu.memory_space<vmem>>
    %dma_wait3A_44 = arith.constant 0 : i32
    %dma_wait3A_45 = arith.constant 0 : i32
    %dma_wait3A_46 = tpu.memref_slice %arg2[%dma_wait3A_44, %dma_wait3A_45] : memref<16384x512xf32, #tpu.memory_space<hbm>> -> memref<16384x512xf32, #tpu.memory_space<hbm>>
    tpu.wait_indirect_dma semaphore(%arg12 : memref<!tpu.dma_semaphore, #tpu.memory_space<semaphore_mem>>) src(%dma_wait3A_46 : memref<16384x512xf32, #tpu.memory_space<hbm>>) dst(%arg10 : memref<64x512xf32, #tpu.memory_space<vmem>>)
    %add3A_47 = arith.constant 0 : i32
    %add3A_48 = arith.addi %mul3A_2, %add3A_47 : i32
    "tpu.region"() ({
      %run_scoped3A = tpu.sem_alloc : memref<!tpu.dma_semaphore, #tpu.memory_space<semaphore_mem>>
      %dma_start3A_138 = arith.constant 512 : i32
      %dma_start3A_139 = tpu.memref_slice %arg5[%add3A_48, %dma_start3A_138] : memref<4096x2048xf32, #tpu.memory_space<hbm>> -> memref<64x512xf32, #tpu.memory_space<hbm>>
      %dma_start3A_140 = arith.constant 512 : i32
      %dma_start3A_141 = tpu.memref_slice %arg5[%add3A_48, %dma_start3A_140] : memref<4096x2048xf32, #tpu.memory_space<hbm>> -> memref<64x512xf32, #tpu.memory_space<hbm>>
      tpu.enqueue_dma source(%arg10 : memref<64x512xf32, #tpu.memory_space<vmem>>) target(%dma_start3A_141 : memref<64x512xf32, #tpu.memory_space<hbm>>) target_semaphore(%run_scoped3A : memref<!tpu.dma_semaphore, #tpu.memory_space<semaphore_mem>>)
      %dma_wait3A_142 = arith.constant 512 : i32
      %dma_wait3A_143 = tpu.memref_slice %arg5[%add3A_48, %dma_wait3A_142] : memref<4096x2048xf32, #tpu.memory_space<hbm>> -> memref<64x512xf32, #tpu.memory_space<hbm>>
      %dma_wait3A_144 = arith.constant 512 : i32
      %dma_wait3A_145 = tpu.memref_slice %arg5[%add3A_48, %dma_wait3A_144] : memref<4096x2048xf32, #tpu.memory_space<hbm>> -> memref<64x512xf32, #tpu.memory_space<hbm>>
      tpu.wait_dma2 semaphore(%run_scoped3A : memref<!tpu.dma_semaphore, #tpu.memory_space<semaphore_mem>>) src(%arg10 : memref<64x512xf32, #tpu.memory_space<vmem>>) dst(%dma_wait3A_145 : memref<64x512xf32, #tpu.memory_space<hbm>>)
      tpu.yield
    }) : () -> ()
    %dma_start3A_49 = arith.constant 6 : i32
    %dma_start3A_50 = arith.constant 0 : i32
    %dma_start3A_51 = tpu.memref_slice %arg8[%dma_start3A_49, %dma_start3A_50] : memref<8x64xi32, #tpu.memory_space<vmem>> -> memref<1x64xi32, #tpu.memory_space<vmem>>
    %dma_start3A_52 = tpu.memref_squeeze %dma_start3A_51 : memref<1x64xi32, #tpu.memory_space<vmem>> -> memref<64xi32, #tpu.memory_space<vmem>>
    %dma_start3A_53 = arith.constant 0 : i32
    %dma_start3A_54 = arith.constant 0 : i32
    %dma_start3A_55 = tpu.memref_slice %arg2[%dma_start3A_53, %dma_start3A_54] : memref<16384x512xf32, #tpu.memory_space<hbm>> -> memref<16384x512xf32, #tpu.memory_space<hbm>>
    tpu.enqueue_indirect_dma source(%dma_start3A_55 : memref<16384x512xf32, #tpu.memory_space<hbm>>) target(%arg10 : memref<64x512xf32, #tpu.memory_space<vmem>>) offsets(%dma_start3A_52 : memref<64xi32, #tpu.memory_space<vmem>>) semaphore(%arg12 : memref<!tpu.dma_semaphore, #tpu.memory_space<semaphore_mem>>)
    %dma_wait3A_56 = arith.constant 4 : i32
    %dma_wait3A_57 = arith.constant 0 : i32
    %dma_wait3A_58 = tpu.memref_slice %arg8[%dma_wait3A_56, %dma_wait3A_57] : memref<8x64xi32, #tpu.memory_space<vmem>> -> memref<1x64xi32, #tpu.memory_space<vmem>>
    %dma_wait3A_59 = tpu.memref_squeeze %dma_wait3A_58 : memref<1x64xi32, #tpu.memory_space<vmem>> -> memref<64xi32, #tpu.memory_space<vmem>>
    %dma_wait3A_60 = arith.constant 0 : i32
    %dma_wait3A_61 = arith.constant 0 : i32
    %dma_wait3A_62 = tpu.memref_slice %arg2[%dma_wait3A_60, %dma_wait3A_61] : memref<16384x512xf32, #tpu.memory_space<hbm>> -> memref<16384x512xf32, #tpu.memory_space<hbm>>
    tpu.wait_indirect_dma semaphore(%arg11 : memref<!tpu.dma_semaphore, #tpu.memory_space<semaphore_mem>>) src(%dma_wait3A_62 : memref<16384x512xf32, #tpu.memory_space<hbm>>) dst(%arg9 : memref<64x512xf32, #tpu.memory_space<vmem>>)
    %add3A_63 = arith.constant 0 : i32
    %add3A_64 = arith.addi %mul3A_2, %add3A_63 : i32
    "tpu.region"() ({
      %run_scoped3A = tpu.sem_alloc : memref<!tpu.dma_semaphore, #tpu.memory_space<semaphore_mem>>
      %dma_start3A_138 = arith.constant 1024 : i32
      %dma_start3A_139 = tpu.memref_slice %arg5[%add3A_64, %dma_start3A_138] : memref<4096x2048xf32, #tpu.memory_space<hbm>> -> memref<64x512xf32, #tpu.memory_space<hbm>>
      %dma_start3A_140 = arith.constant 1024 : i32
      %dma_start3A_141 = tpu.memref_slice %arg5[%add3A_64, %dma_start3A_140] : memref<4096x2048xf32, #tpu.memory_space<hbm>> -> memref<64x512xf32, #tpu.memory_space<hbm>>
      tpu.enqueue_dma source(%arg9 : memref<64x512xf32, #tpu.memory_space<vmem>>) target(%dma_start3A_141 : memref<64x512xf32, #tpu.memory_space<hbm>>) target_semaphore(%run_scoped3A : memref<!tpu.dma_semaphore, #tpu.memory_space<semaphore_mem>>)
      %dma_wait3A_142 = arith.constant 1024 : i32
      %dma_wait3A_143 = tpu.memref_slice %arg5[%add3A_64, %dma_wait3A_142] : memref<4096x2048xf32, #tpu.memory_space<hbm>> -> memref<64x512xf32, #tpu.memory_space<hbm>>
      %dma_wait3A_144 = arith.constant 1024 : i32
      %dma_wait3A_145 = tpu.memref_slice %arg5[%add3A_64, %dma_wait3A_144] : memref<4096x2048xf32, #tpu.memory_space<hbm>> -> memref<64x512xf32, #tpu.memory_space<hbm>>
      tpu.wait_dma2 semaphore(%run_scoped3A : memref<!tpu.dma_semaphore, #tpu.memory_space<semaphore_mem>>) src(%arg9 : memref<64x512xf32, #tpu.memory_space<vmem>>) dst(%dma_wait3A_145 : memref<64x512xf32, #tpu.memory_space<hbm>>)
      tpu.yield
    }) : () -> ()
    %dma_start3A_65 = arith.constant 1 : i32
    %dma_start3A_66 = arith.constant 0 : i32
    %dma_start3A_67 = tpu.memref_slice %arg8[%dma_start3A_65, %dma_start3A_66] : memref<8x64xi32, #tpu.memory_space<vmem>> -> memref<1x64xi32, #tpu.memory_space<vmem>>
    %dma_start3A_68 = tpu.memref_squeeze %dma_start3A_67 : memref<1x64xi32, #tpu.memory_space<vmem>> -> memref<64xi32, #tpu.memory_space<vmem>>
    %dma_start3A_69 = arith.constant 0 : i32
    %dma_start3A_70 = arith.constant 0 : i32
    %dma_start3A_71 = tpu.memref_slice %arg2[%dma_start3A_69, %dma_start3A_70] : memref<16384x512xf32, #tpu.memory_space<hbm>> -> memref<16384x512xf32, #tpu.memory_space<hbm>>
    tpu.enqueue_indirect_dma source(%dma_start3A_71 : memref<16384x512xf32, #tpu.memory_space<hbm>>) target(%arg9 : memref<64x512xf32, #tpu.memory_space<vmem>>) offsets(%dma_start3A_68 : memref<64xi32, #tpu.memory_space<vmem>>) semaphore(%arg11 : memref<!tpu.dma_semaphore, #tpu.memory_space<semaphore_mem>>)
    %dma_wait3A_72 = arith.constant 6 : i32
    %dma_wait3A_73 = arith.constant 0 : i32
    %dma_wait3A_74 = tpu.memref_slice %arg8[%dma_wait3A_72, %dma_wait3A_73] : memref<8x64xi32, #tpu.memory_space<vmem>> -> memref<1x64xi32, #tpu.memory_space<vmem>>
    %dma_wait3A_75 = tpu.memref_squeeze %dma_wait3A_74 : memref<1x64xi32, #tpu.memory_space<vmem>> -> memref<64xi32, #tpu.memory_space<vmem>>
    %dma_wait3A_76 = arith.constant 0 : i32
    %dma_wait3A_77 = arith.constant 0 : i32
    %dma_wait3A_78 = tpu.memref_slice %arg2[%dma_wait3A_76, %dma_wait3A_77] : memref<16384x512xf32, #tpu.memory_space<hbm>> -> memref<16384x512xf32, #tpu.memory_space<hbm>>
    tpu.wait_indirect_dma semaphore(%arg12 : memref<!tpu.dma_semaphore, #tpu.memory_space<semaphore_mem>>) src(%dma_wait3A_78 : memref<16384x512xf32, #tpu.memory_space<hbm>>) dst(%arg10 : memref<64x512xf32, #tpu.memory_space<vmem>>)
    %add3A_79 = arith.constant 0 : i32
    %add3A_80 = arith.addi %mul3A_2, %add3A_79 : i32
    "tpu.region"() ({
      %run_scoped3A = tpu.sem_alloc : memref<!tpu.dma_semaphore, #tpu.memory_space<semaphore_mem>>
      %dma_start3A_138 = arith.constant 1536 : i32
      %dma_start3A_139 = tpu.memref_slice %arg5[%add3A_80, %dma_start3A_138] : memref<4096x2048xf32, #tpu.memory_space<hbm>> -> memref<64x512xf32, #tpu.memory_space<hbm>>
      %dma_start3A_140 = arith.constant 1536 : i32
      %dma_start3A_141 = tpu.memref_slice %arg5[%add3A_80, %dma_start3A_140] : memref<4096x2048xf32, #tpu.memory_space<hbm>> -> memref<64x512xf32, #tpu.memory_space<hbm>>
      tpu.enqueue_dma source(%arg10 : memref<64x512xf32, #tpu.memory_space<vmem>>) target(%dma_start3A_141 : memref<64x512xf32, #tpu.memory_space<hbm>>) target_semaphore(%run_scoped3A : memref<!tpu.dma_semaphore, #tpu.memory_space<semaphore_mem>>)
      %dma_wait3A_142 = arith.constant 1536 : i32
      %dma_wait3A_143 = tpu.memref_slice %arg5[%add3A_80, %dma_wait3A_142] : memref<4096x2048xf32, #tpu.memory_space<hbm>> -> memref<64x512xf32, #tpu.memory_space<hbm>>
      %dma_wait3A_144 = arith.constant 1536 : i32
      %dma_wait3A_145 = tpu.memref_slice %arg5[%add3A_80, %dma_wait3A_144] : memref<4096x2048xf32, #tpu.memory_space<hbm>> -> memref<64x512xf32, #tpu.memory_space<hbm>>
      tpu.wait_dma2 semaphore(%run_scoped3A : memref<!tpu.dma_semaphore, #tpu.memory_space<semaphore_mem>>) src(%arg10 : memref<64x512xf32, #tpu.memory_space<vmem>>) dst(%dma_wait3A_145 : memref<64x512xf32, #tpu.memory_space<hbm>>)
      tpu.yield
    }) : () -> ()
    %dma_start3A_81 = arith.constant 3 : i32
    %dma_start3A_82 = arith.constant 0 : i32
    %dma_start3A_83 = tpu.memref_slice %arg8[%dma_start3A_81, %dma_start3A_82] : memref<8x64xi32, #tpu.memory_space<vmem>> -> memref<1x64xi32, #tpu.memory_space<vmem>>
    %dma_start3A_84 = tpu.memref_squeeze %dma_start3A_83 : memref<1x64xi32, #tpu.memory_space<vmem>> -> memref<64xi32, #tpu.memory_space<vmem>>
    %dma_start3A_85 = arith.constant 0 : i32
    %dma_start3A_86 = arith.constant 0 : i32
    %dma_start3A_87 = tpu.memref_slice %arg2[%dma_start3A_85, %dma_start3A_86] : memref<16384x512xf32, #tpu.memory_space<hbm>> -> memref<16384x512xf32, #tpu.memory_space<hbm>>
    tpu.enqueue_indirect_dma source(%dma_start3A_87 : memref<16384x512xf32, #tpu.memory_space<hbm>>) target(%arg10 : memref<64x512xf32, #tpu.memory_space<vmem>>) offsets(%dma_start3A_84 : memref<64xi32, #tpu.memory_space<vmem>>) semaphore(%arg12 : memref<!tpu.dma_semaphore, #tpu.memory_space<semaphore_mem>>)
    %dma_wait3A_88 = arith.constant 1 : i32
    %dma_wait3A_89 = arith.constant 0 : i32
    %dma_wait3A_90 = tpu.memref_slice %arg8[%dma_wait3A_88, %dma_wait3A_89] : memref<8x64xi32, #tpu.memory_space<vmem>> -> memref<1x64xi32, #tpu.memory_space<vmem>>
    %dma_wait3A_91 = tpu.memref_squeeze %dma_wait3A_90 : memref<1x64xi32, #tpu.memory_space<vmem>> -> memref<64xi32, #tpu.memory_space<vmem>>
    %dma_wait3A_92 = arith.constant 0 : i32
    %dma_wait3A_93 = arith.constant 0 : i32
    %dma_wait3A_94 = tpu.memref_slice %arg2[%dma_wait3A_92, %dma_wait3A_93] : memref<16384x512xf32, #tpu.memory_space<hbm>> -> memref<16384x512xf32, #tpu.memory_space<hbm>>
    tpu.wait_indirect_dma semaphore(%arg11 : memref<!tpu.dma_semaphore, #tpu.memory_space<semaphore_mem>>) src(%dma_wait3A_94 : memref<16384x512xf32, #tpu.memory_space<hbm>>) dst(%arg9 : memref<64x512xf32, #tpu.memory_space<vmem>>)
    %add3A_95 = arith.constant 64 : i32
    %add3A_96 = arith.addi %mul3A_2, %add3A_95 : i32
    "tpu.region"() ({
      %run_scoped3A = tpu.sem_alloc : memref<!tpu.dma_semaphore, #tpu.memory_space<semaphore_mem>>
      %dma_start3A_138 = arith.constant 0 : i32
      %dma_start3A_139 = tpu.memref_slice %arg5[%add3A_96, %dma_start3A_138] : memref<4096x2048xf32, #tpu.memory_space<hbm>> -> memref<64x512xf32, #tpu.memory_space<hbm>>
      %dma_start3A_140 = arith.constant 0 : i32
      %dma_start3A_141 = tpu.memref_slice %arg5[%add3A_96, %dma_start3A_140] : memref<4096x2048xf32, #tpu.memory_space<hbm>> -> memref<64x512xf32, #tpu.memory_space<hbm>>
      tpu.enqueue_dma source(%arg9 : memref<64x512xf32, #tpu.memory_space<vmem>>) target(%dma_start3A_141 : memref<64x512xf32, #tpu.memory_space<hbm>>) target_semaphore(%run_scoped3A : memref<!tpu.dma_semaphore, #tpu.memory_space<semaphore_mem>>)
      %dma_wait3A_142 = arith.constant 0 : i32
      %dma_wait3A_143 = tpu.memref_slice %arg5[%add3A_96, %dma_wait3A_142] : memref<4096x2048xf32, #tpu.memory_space<hbm>> -> memref<64x512xf32, #tpu.memory_space<hbm>>
      %dma_wait3A_144 = arith.constant 0 : i32
      %dma_wait3A_145 = tpu.memref_slice %arg5[%add3A_96, %dma_wait3A_144] : memref<4096x2048xf32, #tpu.memory_space<hbm>> -> memref<64x512xf32, #tpu.memory_space<hbm>>
      tpu.wait_dma2 semaphore(%run_scoped3A : memref<!tpu.dma_semaphore, #tpu.memory_space<semaphore_mem>>) src(%arg9 : memref<64x512xf32, #tpu.memory_space<vmem>>) dst(%dma_wait3A_145 : memref<64x512xf32, #tpu.memory_space<hbm>>)
      tpu.yield
    }) : () -> ()
    %dma_start3A_97 = arith.constant 5 : i32
    %dma_start3A_98 = arith.constant 0 : i32
    %dma_start3A_99 = tpu.memref_slice %arg8[%dma_start3A_97, %dma_start3A_98] : memref<8x64xi32, #tpu.memory_space<vmem>> -> memref<1x64xi32, #tpu.memory_space<vmem>>
    %dma_start3A_100 = tpu.memref_squeeze %dma_start3A_99 : memref<1x64xi32, #tpu.memory_space<vmem>> -> memref<64xi32, #tpu.memory_space<vmem>>
    %dma_start3A_101 = arith.constant 0 : i32
    %dma_start3A_102 = arith.constant 0 : i32
    %dma_start3A_103 = tpu.memref_slice %arg2[%dma_start3A_101, %dma_start3A_102] : memref<16384x512xf32, #tpu.memory_space<hbm>> -> memref<16384x512xf32, #tpu.memory_space<hbm>>
    tpu.enqueue_indirect_dma source(%dma_start3A_103 : memref<16384x512xf32, #tpu.memory_space<hbm>>) target(%arg9 : memref<64x512xf32, #tpu.memory_space<vmem>>) offsets(%dma_start3A_100 : memref<64xi32, #tpu.memory_space<vmem>>) semaphore(%arg11 : memref<!tpu.dma_semaphore, #tpu.memory_space<semaphore_mem>>)
    %dma_wait3A_104 = arith.constant 3 : i32
    %dma_wait3A_105 = arith.constant 0 : i32
    %dma_wait3A_106 = tpu.memref_slice %arg8[%dma_wait3A_104, %dma_wait3A_105] : memref<8x64xi32, #tpu.memory_space<vmem>> -> memref<1x64xi32, #tpu.memory_space<vmem>>
    %dma_wait3A_107 = tpu.memref_squeeze %dma_wait3A_106 : memref<1x64xi32, #tpu.memory_space<vmem>> -> memref<64xi32, #tpu.memory_space<vmem>>
    %dma_wait3A_108 = arith.constant 0 : i32
    %dma_wait3A_109 = arith.constant 0 : i32
    %dma_wait3A_110 = tpu.memref_slice %arg2[%dma_wait3A_108, %dma_wait3A_109] : memref<16384x512xf32, #tpu.memory_space<hbm>> -> memref<16384x512xf32, #tpu.memory_space<hbm>>
    tpu.wait_indirect_dma semaphore(%arg12 : memref<!tpu.dma_semaphore, #tpu.memory_space<semaphore_mem>>) src(%dma_wait3A_110 : memref<16384x512xf32, #tpu.memory_space<hbm>>) dst(%arg10 : memref<64x512xf32, #tpu.memory_space<vmem>>)
    %add3A_111 = arith.constant 64 : i32
    %add3A_112 = arith.addi %mul3A_2, %add3A_111 : i32
    "tpu.region"() ({
      %run_scoped3A = tpu.sem_alloc : memref<!tpu.dma_semaphore, #tpu.memory_space<semaphore_mem>>
      %dma_start3A_138 = arith.constant 512 : i32
      %dma_start3A_139 = tpu.memref_slice %arg5[%add3A_112, %dma_start3A_138] : memref<4096x2048xf32, #tpu.memory_space<hbm>> -> memref<64x512xf32, #tpu.memory_space<hbm>>
      %dma_start3A_140 = arith.constant 512 : i32
      %dma_start3A_141 = tpu.memref_slice %arg5[%add3A_112, %dma_start3A_140] : memref<4096x2048xf32, #tpu.memory_space<hbm>> -> memref<64x512xf32, #tpu.memory_space<hbm>>
      tpu.enqueue_dma source(%arg10 : memref<64x512xf32, #tpu.memory_space<vmem>>) target(%dma_start3A_141 : memref<64x512xf32, #tpu.memory_space<hbm>>) target_semaphore(%run_scoped3A : memref<!tpu.dma_semaphore, #tpu.memory_space<semaphore_mem>>)
      %dma_wait3A_142 = arith.constant 512 : i32
      %dma_wait3A_143 = tpu.memref_slice %arg5[%add3A_112, %dma_wait3A_142] : memref<4096x2048xf32, #tpu.memory_space<hbm>> -> memref<64x512xf32, #tpu.memory_space<hbm>>
      %dma_wait3A_144 = arith.constant 512 : i32
      %dma_wait3A_145 = tpu.memref_slice %arg5[%add3A_112, %dma_wait3A_144] : memref<4096x2048xf32, #tpu.memory_space<hbm>> -> memref<64x512xf32, #tpu.memory_space<hbm>>
      tpu.wait_dma2 semaphore(%run_scoped3A : memref<!tpu.dma_semaphore, #tpu.memory_space<semaphore_mem>>) src(%arg10 : memref<64x512xf32, #tpu.memory_space<vmem>>) dst(%dma_wait3A_145 : memref<64x512xf32, #tpu.memory_space<hbm>>)
      tpu.yield
    }) : () -> ()
    %dma_start3A_113 = arith.constant 7 : i32
    %dma_start3A_114 = arith.constant 0 : i32
    %dma_start3A_115 = tpu.memref_slice %arg8[%dma_start3A_113, %dma_start3A_114] : memref<8x64xi32, #tpu.memory_space<vmem>> -> memref<1x64xi32, #tpu.memory_space<vmem>>
    %dma_start3A_116 = tpu.memref_squeeze %dma_start3A_115 : memref<1x64xi32, #tpu.memory_space<vmem>> -> memref<64xi32, #tpu.memory_space<vmem>>
    %dma_start3A_117 = arith.constant 0 : i32
    %dma_start3A_118 = arith.constant 0 : i32
    %dma_start3A_119 = tpu.memref_slice %arg2[%dma_start3A_117, %dma_start3A_118] : memref<16384x512xf32, #tpu.memory_space<hbm>> -> memref<16384x512xf32, #tpu.memory_space<hbm>>
    tpu.enqueue_indirect_dma source(%dma_start3A_119 : memref<16384x512xf32, #tpu.memory_space<hbm>>) target(%arg10 : memref<64x512xf32, #tpu.memory_space<vmem>>) offsets(%dma_start3A_116 : memref<64xi32, #tpu.memory_space<vmem>>) semaphore(%arg12 : memref<!tpu.dma_semaphore, #tpu.memory_space<semaphore_mem>>)
    %dma_wait3A_120 = arith.constant 5 : i32
    %dma_wait3A_121 = arith.constant 0 : i32
    %dma_wait3A_122 = tpu.memref_slice %arg8[%dma_wait3A_120, %dma_wait3A_121] : memref<8x64xi32, #tpu.memory_space<vmem>> -> memref<1x64xi32, #tpu.memory_space<vmem>>
    %dma_wait3A_123 = tpu.memref_squeeze %dma_wait3A_122 : memref<1x64xi32, #tpu.memory_space<vmem>> -> memref<64xi32, #tpu.memory_space<vmem>>
    %dma_wait3A_124 = arith.constant 0 : i32
    %dma_wait3A_125 = arith.constant 0 : i32
    %dma_wait3A_126 = tpu.memref_slice %arg2[%dma_wait3A_124, %dma_wait3A_125] : memref<16384x512xf32, #tpu.memory_space<hbm>> -> memref<16384x512xf32, #tpu.memory_space<hbm>>
    tpu.wait_indirect_dma semaphore(%arg11 : memref<!tpu.dma_semaphore, #tpu.memory_space<semaphore_mem>>) src(%dma_wait3A_126 : memref<16384x512xf32, #tpu.memory_space<hbm>>) dst(%arg9 : memref<64x512xf32, #tpu.memory_space<vmem>>)
    %add3A_127 = arith.constant 64 : i32
    %add3A_128 = arith.addi %mul3A_2, %add3A_127 : i32
    "tpu.region"() ({
      %run_scoped3A = tpu.sem_alloc : memref<!tpu.dma_semaphore, #tpu.memory_space<semaphore_mem>>
      %dma_start3A_138 = arith.constant 1024 : i32
      %dma_start3A_139 = tpu.memref_slice %arg5[%add3A_128, %dma_start3A_138] : memref<4096x2048xf32, #tpu.memory_space<hbm>> -> memref<64x512xf32, #tpu.memory_space<hbm>>
      %dma_start3A_140 = arith.constant 1024 : i32
      %dma_start3A_141 = tpu.memref_slice %arg5[%add3A_128, %dma_start3A_140] : memref<4096x2048xf32, #tpu.memory_space<hbm>> -> memref<64x512xf32, #tpu.memory_space<hbm>>
      tpu.enqueue_dma source(%arg9 : memref<64x512xf32, #tpu.memory_space<vmem>>) target(%dma_start3A_141 : memref<64x512xf32, #tpu.memory_space<hbm>>) target_semaphore(%run_scoped3A : memref<!tpu.dma_semaphore, #tpu.memory_space<semaphore_mem>>)
      %dma_wait3A_142 = arith.constant 1024 : i32
      %dma_wait3A_143 = tpu.memref_slice %arg5[%add3A_128, %dma_wait3A_142] : memref<4096x2048xf32, #tpu.memory_space<hbm>> -> memref<64x512xf32, #tpu.memory_space<hbm>>
      %dma_wait3A_144 = arith.constant 1024 : i32
      %dma_wait3A_145 = tpu.memref_slice %arg5[%add3A_128, %dma_wait3A_144] : memref<4096x2048xf32, #tpu.memory_space<hbm>> -> memref<64x512xf32, #tpu.memory_space<hbm>>
      tpu.wait_dma2 semaphore(%run_scoped3A : memref<!tpu.dma_semaphore, #tpu.memory_space<semaphore_mem>>) src(%arg9 : memref<64x512xf32, #tpu.memory_space<vmem>>) dst(%dma_wait3A_145 : memref<64x512xf32, #tpu.memory_space<hbm>>)
      tpu.yield
    }) : () -> ()
    %dma_wait3A_129 = arith.constant 7 : i32
    %dma_wait3A_130 = arith.constant 0 : i32
    %dma_wait3A_131 = tpu.memref_slice %arg8[%dma_wait3A_129, %dma_wait3A_130] : memref<8x64xi32, #tpu.memory_space<vmem>> -> memref<1x64xi32, #tpu.memory_space<vmem>>
    %dma_wait3A_132 = tpu.memref_squeeze %dma_wait3A_131 : memref<1x64xi32, #tpu.memory_space<vmem>> -> memref<64xi32, #tpu.memory_space<vmem>>
    %dma_wait3A_133 = arith.constant 0 : i32
    %dma_wait3A_134 = arith.constant 0 : i32
    %dma_wait3A_135 = tpu.memref_slice %arg2[%dma_wait3A_133, %dma_wait3A_134] : memref<16384x512xf32, #tpu.memory_space<hbm>> -> memref<16384x512xf32, #tpu.memory_space<hbm>>
    tpu.wait_indirect_dma semaphore(%arg12 : memref<!tpu.dma_semaphore, #tpu.memory_space<semaphore_mem>>) src(%dma_wait3A_135 : memref<16384x512xf32, #tpu.memory_space<hbm>>) dst(%arg10 : memref<64x512xf32, #tpu.memory_space<vmem>>)
    %add3A_136 = arith.constant 64 : i32
    %add3A_137 = arith.addi %mul3A_2, %add3A_136 : i32
    "tpu.region"() ({
      %run_scoped3A = tpu.sem_alloc : memref<!tpu.dma_semaphore, #tpu.memory_space<semaphore_mem>>
      %dma_start3A_138 = arith.constant 1536 : i32
      %dma_start3A_139 = tpu.memref_slice %arg5[%add3A_137, %dma_start3A_138] : memref<4096x2048xf32, #tpu.memory_space<hbm>> -> memref<64x512xf32, #tpu.memory_space<hbm>>
      %dma_start3A_140 = arith.constant 1536 : i32
      %dma_start3A_141 = tpu.memref_slice %arg5[%add3A_137, %dma_start3A_140] : memref<4096x2048xf32, #tpu.memory_space<hbm>> -> memref<64x512xf32, #tpu.memory_space<hbm>>
      tpu.enqueue_dma source(%arg10 : memref<64x512xf32, #tpu.memory_space<vmem>>) target(%dma_start3A_141 : memref<64x512xf32, #tpu.memory_space<hbm>>) target_semaphore(%run_scoped3A : memref<!tpu.dma_semaphore, #tpu.memory_space<semaphore_mem>>)
      %dma_wait3A_142 = arith.constant 1536 : i32
      %dma_wait3A_143 = tpu.memref_slice %arg5[%add3A_137, %dma_wait3A_142] : memref<4096x2048xf32, #tpu.memory_space<hbm>> -> memref<64x512xf32, #tpu.memory_space<hbm>>
      %dma_wait3A_144 = arith.constant 1536 : i32
      %dma_wait3A_145 = tpu.memref_slice %arg5[%add3A_137, %dma_wait3A_144] : memref<4096x2048xf32, #tpu.memory_space<hbm>> -> memref<64x512xf32, #tpu.memory_space<hbm>>
      tpu.wait_dma2 semaphore(%run_scoped3A : memref<!tpu.dma_semaphore, #tpu.memory_space<semaphore_mem>>) src(%arg10 : memref<64x512xf32, #tpu.memory_space<vmem>>) dst(%dma_wait3A_145 : memref<64x512xf32, #tpu.memory_space<hbm>>)
      tpu.yield
    }) : () -> ()
    return
  }
}

#map = affine_map<(d0, d1) -> (0, 0)>
#map1 = affine_map<(d0, d1) -> (0)>
module attributes {stable_mosaic.version = 14 : i64} {
  func.func @k(%arg0: i32, %arg1: i32, %arg2: memref<16384x512xf32, #tpu.memory_space<hbm>>, %arg3: memref<4096xi32, #tpu.memory_space<hbm>>, %arg4: memref<4096xi32, #tpu.memory_space<hbm>>, %arg5: memref<4096x2048xf32, #tpu.memory_space<hbm>>, %arg6: memref<128xi32, #tpu.memory_space<vmem>>, %arg7: memref<128xi32, #tpu.memory_space<vmem>>, %arg8: memref<8x64xi32, #tpu.memory_space<vmem>>, %arg9: memref<64x512xf32, #tpu.memory_space<vmem>>, %arg10: memref<64x512xf32, #tpu.memory_space<vmem>>, %arg11: memref<!tpu.dma_semaphore, #tpu.memory_space<semaphore_mem>>, %arg12: memref<!tpu.dma_semaphore, #tpu.memory_space<semaphore_mem>>) attributes {dimension_semantics = [#tpu.dimension_semantics<core_parallel>, #tpu.dimension_semantics<subcore_parallel>], iteration_bounds = array<i64: 2, 16>, scalar_prefetch = 0 : i64, scratch_operands = 7 : i64, tpu.core_type = #tpu.core_type<sc_vector_subcore>, window_params = [{transform_indices = #map}, {transform_indices = #map1}, {transform_indices = #map1}, {transform_indices = #map}]} {
    %mul3A = arith.constant 2 : i32
    %mul3A_0 = arith.muli %arg1, %mul3A : i32
    %add3A = arith.addi %mul3A_0, %arg0 : i32
    %mul3A_1 = arith.constant 128 : i32
    %mul3A_2 = arith.muli %add3A, %mul3A_1 : i32
    "tpu.region"() ({
      %run_scoped3A = tpu.sem_alloc : memref<!tpu.dma_semaphore, #tpu.memory_space<semaphore_mem>>
      %dma_start3A_138 = tpu.memref_slice %arg3[%mul3A_2] : memref<4096xi32, #tpu.memory_space<hbm>> -> memref<128xi32, #tpu.memory_space<hbm>>
      %dma_start3A_139 = tpu.memref_slice %arg3[%mul3A_2] : memref<4096xi32, #tpu.memory_space<hbm>> -> memref<128xi32, #tpu.memory_space<hbm>>
      tpu.enqueue_dma source(%dma_start3A_139 : memref<128xi32, #tpu.memory_space<hbm>>) target(%arg6 : memref<128xi32, #tpu.memory_space<vmem>>) target_semaphore(%run_scoped3A : memref<!tpu.dma_semaphore, #tpu.memory_space<semaphore_mem>>)
      %dma_wait3A_140 = tpu.memref_slice %arg3[%mul3A_2] : memref<4096xi32, #tpu.memory_space<hbm>> -> memref<128xi32, #tpu.memory_space<hbm>>
      %dma_wait3A_141 = tpu.memref_slice %arg3[%mul3A_2] : memref<4096xi32, #tpu.memory_space<hbm>> -> memref<128xi32, #tpu.memory_space<hbm>>
      tpu.wait_dma2 semaphore(%run_scoped3A : memref<!tpu.dma_semaphore, #tpu.memory_space<semaphore_mem>>) src(%dma_wait3A_141 : memref<128xi32, #tpu.memory_space<hbm>>) dst(%arg6 : memref<128xi32, #tpu.memory_space<vmem>>)
      tpu.yield
    }) : () -> ()
    "tpu.region"() ({
      %run_scoped3A = tpu.sem_alloc : memref<!tpu.dma_semaphore, #tpu.memory_space<semaphore_mem>>
      %dma_start3A_138 = tpu.memref_slice %arg4[%mul3A_2] : memref<4096xi32, #tpu.memory_space<hbm>> -> memref<128xi32, #tpu.memory_space<hbm>>
      %dma_start3A_139 = tpu.memref_slice %arg4[%mul3A_2] : memref<4096xi32, #tpu.memory_space<hbm>> -> memref<128xi32, #tpu.memory_space<hbm>>
      tpu.enqueue_dma source(%dma_start3A_139 : memref<128xi32, #tpu.memory_space<hbm>>) target(%arg7 : memref<128xi32, #tpu.memory_space<vmem>>) target_semaphore(%run_scoped3A : memref<!tpu.dma_semaphore, #tpu.memory_space<semaphore_mem>>)
      %dma_wait3A_140 = tpu.memref_slice %arg4[%mul3A_2] : memref<4096xi32, #tpu.memory_space<hbm>> -> memref<128xi32, #tpu.memory_space<hbm>>
      %dma_wait3A_141 = tpu.memref_slice %arg4[%mul3A_2] : memref<4096xi32, #tpu.memory_space<hbm>> -> memref<128xi32, #tpu.memory_space<hbm>>
      tpu.wait_dma2 semaphore(%run_scoped3A : memref<!tpu.dma_semaphore, #tpu.memory_space<semaphore_mem>>) src(%dma_wait3A_141 : memref<128xi32, #tpu.memory_space<hbm>>) dst(%arg7 : memref<128xi32, #tpu.memory_space<vmem>>)
      tpu.yield
    }) : () -> ()
    %scan3A = arith.constant 0 : i32
    %scan3A_3 = arith.constant 4 : i32
    %scan3A_4 = arith.addi %scan3A, %scan3A_3 : i32
    %scan3A_5 = arith.constant 1 : i32
    scf.for %scan3A_138 = %scan3A to %scan3A_4 step %scan3A_5  : i32 {
      %mul3A_139 = arith.constant 16 : i32
      %mul3A_140 = arith.muli %scan3A_138, %mul3A_139 : i32
      %add3A_141 = arith.constant 0 : i32
      %add3A_142 = arith.addi %add3A_141, %mul3A_140 : i32
      %get3A = arith.index_cast %add3A_142 : i32 to index
      %get3A_143 = tpu.vector_load %arg6[%get3A] {strides = array<i32>} : memref<128xi32, #tpu.memory_space<vmem>>, vector<16xi32>,
      %get3A_144 = vector.shape_cast %get3A_143 : vector<16xi32> to vector<16xi32>
      %get3A_145 = arith.index_cast %add3A_142 : i32 to index
      %get3A_146 = tpu.vector_load %arg7[%get3A_145] {strides = array<i32>} : memref<128xi32, #tpu.memory_space<vmem>>, vector<16xi32>,
      %get3A_147 = vector.shape_cast %get3A_146 : vector<16xi32> to vector<16xi32>
      %add3A_148 = arith.constant 0 : i32
      %add3A_149 = arith.addi %add3A_148, %mul3A_2 : i32
      %add3A_150 = arith.addi %add3A_149, %add3A_142 : i32
      %iota3A = tpu.iota {dimensions = array<i32: 0>} : vector<16xi32>
      %add3A_151 = vector.broadcast %add3A_150 : i32 to vector<16xi32>
      %add3A_152 = arith.addi %add3A_151, %iota3A : vector<16xi32>
      %shift_right_arithmetic3A = arith.constant 9 : i32
      %shift_right_arithmetic3A_153 = vector.broadcast %shift_right_arithmetic3A : i32 to vector<16xi32>
      %shift_right_arithmetic3A_154 = arith.shrsi %add3A_152, %shift_right_arithmetic3A_153 : vector<16xi32>
      %shift_left3A = arith.constant 9 : i32
      %shift_left3A_155 = vector.broadcast %shift_left3A : i32 to vector<16xi32>
      %shift_left3A_156 = arith.shli %shift_right_arithmetic3A_154, %shift_left3A_155 : vector<16xi32>
      %add3A_157 = arith.addi %shift_left3A_156, %get3A_147 : vector<16xi32>
      %mul3A_158 = arith.constant 2 : i32
      %mul3A_159 = vector.broadcast %mul3A_158 : i32 to vector<16xi32>
      %mul3A_160 = arith.muli %mul3A_159, %add3A_157 : vector<16xi32>
      %add3A_161 = arith.addi %shift_left3A_156, %get3A_144 : vector<16xi32>
      %mul3A_162 = arith.constant 2 : i32
      %mul3A_163 = vector.broadcast %mul3A_162 : i32 to vector<16xi32>
      %mul3A_164 = arith.muli %mul3A_163, %add3A_161 : vector<16xi32>
      %add3A_165 = arith.constant 1 : i32
      %add3A_166 = vector.broadcast %add3A_165 : i32 to vector<16xi32>
      %add3A_167 = arith.addi %mul3A_164, %add3A_166 : vector<16xi32>
      %sub3A = arith.constant 1 : i32
      %sub3A_168 = vector.broadcast %sub3A : i32 to vector<16xi32>
      %sub3A_169 = arith.subi %get3A_144, %sub3A_168 : vector<16xi32>
      %max3A = arith.constant 0 : i32
      %max3A_170 = vector.broadcast %max3A : i32 to vector<16xi32>
      %max3A_171 = arith.maxsi %sub3A_169, %max3A_170 : vector<16xi32>
      %add3A_172 = arith.addi %shift_left3A_156, %max3A_171 : vector<16xi32>
      %mul3A_173 = arith.constant 2 : i32
      %mul3A_174 = vector.broadcast %mul3A_173 : i32 to vector<16xi32>
      %mul3A_175 = arith.muli %mul3A_174, %add3A_172 : vector<16xi32>
      %add3A_176 = arith.constant 1 : i32
      %add3A_177 = vector.broadcast %add3A_176 : i32 to vector<16xi32>
      %add3A_178 = arith.addi %get3A_147, %add3A_177 : vector<16xi32>
      %min3A = arith.constant 511 : i32
      %min3A_179 = vector.broadcast %min3A : i32 to vector<16xi32>
      %min3A_180 = arith.minsi %add3A_178, %min3A_179 : vector<16xi32>
      %add3A_181 = arith.addi %shift_left3A_156, %min3A_180 : vector<16xi32>
      %mul3A_182 = arith.constant 2 : i32
      %mul3A_183 = vector.broadcast %mul3A_182 : i32 to vector<16xi32>
      %mul3A_184 = arith.muli %mul3A_183, %add3A_181 : vector<16xi32>
      %add3A_185 = arith.constant 1 : i32
      %add3A_186 = vector.broadcast %add3A_185 : i32 to vector<16xi32>
      %add3A_187 = arith.addi %mul3A_184, %add3A_186 : vector<16xi32>
      %mul3A_188 = arith.constant 16 : i32
      %mul3A_189 = arith.muli %scan3A_138, %mul3A_188 : i32
      %swap3A = arith.constant 0 : i32
      %swap3A_190 = arith.index_cast %swap3A : i32 to index
      %swap3A_191 = arith.index_cast %mul3A_189 : i32 to index
      %swap3A_192 = tpu.vector_load %arg8[%swap3A_190, %swap3A_191] {strides = array<i32>} : memref<8x64xi32, #tpu.memory_space<vmem>>, vector<1x16xi32>,
      %swap3A_193 = vector.shape_cast %swap3A_192 : vector<1x16xi32> to vector<16xi32>
      %swap3A_194 = vector.shape_cast %mul3A_160 : vector<16xi32> to vector<1x16xi32>
      tpu.vector_store %arg8[%swap3A_190, %swap3A_191], %swap3A_194 {strides = array<i32>} : memref<8x64xi32, #tpu.memory_space<vmem>>, vector<1x16xi32>,
      %mul3A_195 = arith.constant 16 : i32
      %mul3A_196 = arith.muli %scan3A_138, %mul3A_195 : i32
      %swap3A_197 = arith.constant 2 : i32
      %swap3A_198 = arith.index_cast %swap3A_197 : i32 to index
      %swap3A_199 = arith.index_cast %mul3A_196 : i32 to index
      %swap3A_200 = tpu.vector_load %arg8[%swap3A_198, %swap3A_199] {strides = array<i32>} : memref<8x64xi32, #tpu.memory_space<vmem>>, vector<1x16xi32>,
      %swap3A_201 = vector.shape_cast %swap3A_200 : vector<1x16xi32> to vector<16xi32>
      %swap3A_202 = vector.shape_cast %add3A_167 : vector<16xi32> to vector<1x16xi32>
      tpu.vector_store %arg8[%swap3A_198, %swap3A_199], %swap3A_202 {strides = array<i32>} : memref<8x64xi32, #tpu.memory_space<vmem>>, vector<1x16xi32>,
      %mul3A_203 = arith.constant 16 : i32
      %mul3A_204 = arith.muli %scan3A_138, %mul3A_203 : i32
      %swap3A_205 = arith.constant 4 : i32
      %swap3A_206 = arith.index_cast %swap3A_205 : i32 to index
      %swap3A_207 = arith.index_cast %mul3A_204 : i32 to index
      %swap3A_208 = tpu.vector_load %arg8[%swap3A_206, %swap3A_207] {strides = array<i32>} : memref<8x64xi32, #tpu.memory_space<vmem>>, vector<1x16xi32>,
      %swap3A_209 = vector.shape_cast %swap3A_208 : vector<1x16xi32> to vector<16xi32>
      %swap3A_210 = vector.shape_cast %mul3A_175 : vector<16xi32> to vector<1x16xi32>
      tpu.vector_store %arg8[%swap3A_206, %swap3A_207], %swap3A_210 {strides = array<i32>} : memref<8x64xi32, #tpu.memory_space<vmem>>, vector<1x16xi32>,
      %mul3A_211 = arith.constant 16 : i32
      %mul3A_212 = arith.muli %scan3A_138, %mul3A_211 : i32
      %swap3A_213 = arith.constant 6 : i32
      %swap3A_214 = arith.index_cast %swap3A_213 : i32 to index
      %swap3A_215 = arith.index_cast %mul3A_212 : i32 to index
      %swap3A_216 = tpu.vector_load %arg8[%swap3A_214, %swap3A_215] {strides = array<i32>} : memref<8x64xi32, #tpu.memory_space<vmem>>, vector<1x16xi32>,
      %swap3A_217 = vector.shape_cast %swap3A_216 : vector<1x16xi32> to vector<16xi32>
      %swap3A_218 = vector.shape_cast %add3A_187 : vector<16xi32> to vector<1x16xi32>
      tpu.vector_store %arg8[%swap3A_214, %swap3A_215], %swap3A_218 {strides = array<i32>} : memref<8x64xi32, #tpu.memory_space<vmem>>, vector<1x16xi32>,
    }
    %scan3A_6 = arith.constant 4 : i32
    %scan3A_7 = arith.constant 0 : i32
    %scan3A_8 = arith.constant 4 : i32
    %scan3A_9 = arith.addi %scan3A_7, %scan3A_8 : i32
    %scan3A_10 = arith.constant 1 : i32
    scf.for %scan3A_138 = %scan3A_7 to %scan3A_9 step %scan3A_10  : i32 {
      %mul3A_139 = arith.constant 16 : i32
      %mul3A_140 = arith.muli %scan3A_138, %mul3A_139 : i32
      %add3A_141 = arith.constant 64 : i32
      %add3A_142 = arith.addi %add3A_141, %mul3A_140 : i32
      %get3A = arith.index_cast %add3A_142 : i32 to index
      %get3A_143 = tpu.vector_load %arg6[%get3A] {strides = array<i32>} : memref<128xi32, #tpu.memory_space<vmem>>, vector<16xi32>,
      %get3A_144 = vector.shape_cast %get3A_143 : vector<16xi32> to vector<16xi32>
      %get3A_145 = arith.index_cast %add3A_142 : i32 to index
      %get3A_146 = tpu.vector_load %arg7[%get3A_145] {strides = array<i32>} : memref<128xi32, #tpu.memory_space<vmem>>, vector<16xi32>,
      %get3A_147 = vector.shape_cast %get3A_146 : vector<16xi32> to vector<16xi32>
      %add3A_148 = arith.constant 0 : i32
      %add3A_149 = arith.addi %add3A_148, %mul3A_2 : i32
      %add3A_150 = arith.addi %add3A_149, %add3A_142 : i32
      %iota3A = tpu.iota {dimensions = array<i32: 0>} : vector<16xi32>
      %add3A_151 = vector.broadcast %add3A_150 : i32 to vector<16xi32>
      %add3A_152 = arith.addi %add3A_151, %iota3A : vector<16xi32>
      %shift_right_arithmetic3A = arith.constant 9 : i32
      %shift_right_arithmetic3A_153 = vector.broadcast %shift_right_arithmetic3A : i32 to vector<16xi32>
      %shift_right_arithmetic3A_154 = arith.shrsi %add3A_152, %shift_right_arithmetic3A_153 : vector<16xi32>
      %shift_left3A = arith.constant 9 : i32
      %shift_left3A_155 = vector.broadcast %shift_left3A : i32 to vector<16xi32>
      %shift_left3A_156 = arith.shli %shift_right_arithmetic3A_154, %shift_left3A_155 : vector<16xi32>
      %add3A_157 = arith.addi %shift_left3A_156, %get3A_147 : vector<16xi32>
      %mul3A_158 = arith.constant 2 : i32
      %mul3A_159 = vector.broadcast %mul3A_158 : i32 to vector<16xi32>
      %mul3A_160 = arith.muli %mul3A_159, %add3A_157 : vector<16xi32>
      %add3A_161 = arith.addi %shift_left3A_156, %get3A_144 : vector<16xi32>
      %mul3A_162 = arith.constant 2 : i32
      %mul3A_163 = vector.broadcast %mul3A_162 : i32 to vector<16xi32>
      %mul3A_164 = arith.muli %mul3A_163, %add3A_161 : vector<16xi32>
      %add3A_165 = arith.constant 1 : i32
      %add3A_166 = vector.broadcast %add3A_165 : i32 to vector<16xi32>
      %add3A_167 = arith.addi %mul3A_164, %add3A_166 : vector<16xi32>
      %sub3A = arith.constant 1 : i32
      %sub3A_168 = vector.broadcast %sub3A : i32 to vector<16xi32>
      %sub3A_169 = arith.subi %get3A_144, %sub3A_168 : vector<16xi32>
      %max3A = arith.constant 0 : i32
      %max3A_170 = vector.broadcast %max3A : i32 to vector<16xi32>
      %max3A_171 = arith.maxsi %sub3A_169, %max3A_170 : vector<16xi32>
      %add3A_172 = arith.addi %shift_left3A_156, %max3A_171 : vector<16xi32>
      %mul3A_173 = arith.constant 2 : i32
      %mul3A_174 = vector.broadcast %mul3A_173 : i32 to vector<16xi32>
      %mul3A_175 = arith.muli %mul3A_174, %add3A_172 : vector<16xi32>
      %add3A_176 = arith.constant 1 : i32
      %add3A_177 = vector.broadcast %add3A_176 : i32 to vector<16xi32>
      %add3A_178 = arith.addi %get3A_147, %add3A_177 : vector<16xi32>
      %min3A = arith.constant 511 : i32
      %min3A_179 = vector.broadcast %min3A : i32 to vector<16xi32>
      %min3A_180 = arith.minsi %add3A_178, %min3A_179 : vector<16xi32>
      %add3A_181 = arith.addi %shift_left3A_156, %min3A_180 : vector<16xi32>
      %mul3A_182 = arith.constant 2 : i32
      %mul3A_183 = vector.broadcast %mul3A_182 : i32 to vector<16xi32>
      %mul3A_184 = arith.muli %mul3A_183, %add3A_181 : vector<16xi32>
      %add3A_185 = arith.constant 1 : i32
      %add3A_186 = vector.broadcast %add3A_185 : i32 to vector<16xi32>
      %add3A_187 = arith.addi %mul3A_184, %add3A_186 : vector<16xi32>
      %mul3A_188 = arith.constant 16 : i32
      %mul3A_189 = arith.muli %scan3A_138, %mul3A_188 : i32
      %swap3A = arith.constant 1 : i32
      %swap3A_190 = arith.index_cast %swap3A : i32 to index
      %swap3A_191 = arith.index_cast %mul3A_189 : i32 to index
      %swap3A_192 = tpu.vector_load %arg8[%swap3A_190, %swap3A_191] {strides = array<i32>} : memref<8x64xi32, #tpu.memory_space<vmem>>, vector<1x16xi32>,
      %swap3A_193 = vector.shape_cast %swap3A_192 : vector<1x16xi32> to vector<16xi32>
      %swap3A_194 = vector.shape_cast %mul3A_160 : vector<16xi32> to vector<1x16xi32>
      tpu.vector_store %arg8[%swap3A_190, %swap3A_191], %swap3A_194 {strides = array<i32>} : memref<8x64xi32, #tpu.memory_space<vmem>>, vector<1x16xi32>,
      %mul3A_195 = arith.constant 16 : i32
      %mul3A_196 = arith.muli %scan3A_138, %mul3A_195 : i32
      %swap3A_197 = arith.constant 3 : i32
      %swap3A_198 = arith.index_cast %swap3A_197 : i32 to index
      %swap3A_199 = arith.index_cast %mul3A_196 : i32 to index
      %swap3A_200 = tpu.vector_load %arg8[%swap3A_198, %swap3A_199] {strides = array<i32>} : memref<8x64xi32, #tpu.memory_space<vmem>>, vector<1x16xi32>,
      %swap3A_201 = vector.shape_cast %swap3A_200 : vector<1x16xi32> to vector<16xi32>
      %swap3A_202 = vector.shape_cast %add3A_167 : vector<16xi32> to vector<1x16xi32>
      tpu.vector_store %arg8[%swap3A_198, %swap3A_199], %swap3A_202 {strides = array<i32>} : memref<8x64xi32, #tpu.memory_space<vmem>>, vector<1x16xi32>,
      %mul3A_203 = arith.constant 16 : i32
      %mul3A_204 = arith.muli %scan3A_138, %mul3A_203 : i32
      %swap3A_205 = arith.constant 5 : i32
      %swap3A_206 = arith.index_cast %swap3A_205 : i32 to index
      %swap3A_207 = arith.index_cast %mul3A_204 : i32 to index
      %swap3A_208 = tpu.vector_load %arg8[%swap3A_206, %swap3A_207] {strides = array<i32>} : memref<8x64xi32, #tpu.memory_space<vmem>>, vector<1x16xi32>,
      %swap3A_209 = vector.shape_cast %swap3A_208 : vector<1x16xi32> to vector<16xi32>
      %swap3A_210 = vector.shape_cast %mul3A_175 : vector<16xi32> to vector<1x16xi32>
      tpu.vector_store %arg8[%swap3A_206, %swap3A_207], %swap3A_210 {strides = array<i32>} : memref<8x64xi32, #tpu.memory_space<vmem>>, vector<1x16xi32>,
      %mul3A_211 = arith.constant 16 : i32
      %mul3A_212 = arith.muli %scan3A_138, %mul3A_211 : i32
      %swap3A_213 = arith.constant 7 : i32
      %swap3A_214 = arith.index_cast %swap3A_213 : i32 to index
      %swap3A_215 = arith.index_cast %mul3A_212 : i32 to index
      %swap3A_216 = tpu.vector_load %arg8[%swap3A_214, %swap3A_215] {strides = array<i32>} : memref<8x64xi32, #tpu.memory_space<vmem>>, vector<1x16xi32>,
      %swap3A_217 = vector.shape_cast %swap3A_216 : vector<1x16xi32> to vector<16xi32>
      %swap3A_218 = vector.shape_cast %add3A_187 : vector<16xi32> to vector<1x16xi32>
      tpu.vector_store %arg8[%swap3A_214, %swap3A_215], %swap3A_218 {strides = array<i32>} : memref<8x64xi32, #tpu.memory_space<vmem>>, vector<1x16xi32>,
    }
    %scan3A_11 = arith.constant 4 : i32
    %dma_start3A = arith.constant 0 : i32
    %dma_start3A_12 = arith.constant 0 : i32
    %dma_start3A_13 = tpu.memref_slice %arg8[%dma_start3A, %dma_start3A_12] : memref<8x64xi32, #tpu.memory_space<vmem>> -> memref<1x64xi32, #tpu.memory_space<vmem>>
    %dma_start3A_14 = tpu.memref_squeeze %dma_start3A_13 : memref<1x64xi32, #tpu.memory_space<vmem>> -> memref<64xi32, #tpu.memory_space<vmem>>
    %dma_start3A_15 = arith.constant 0 : i32
    %dma_start3A_16 = arith.constant 0 : i32
    %dma_start3A_17 = tpu.memref_slice %arg2[%dma_start3A_15, %dma_start3A_16] : memref<16384x512xf32, #tpu.memory_space<hbm>> -> memref<16384x512xf32, #tpu.memory_space<hbm>>
    tpu.enqueue_indirect_dma source(%dma_start3A_17 : memref<16384x512xf32, #tpu.memory_space<hbm>>) target(%arg9 : memref<64x512xf32, #tpu.memory_space<vmem>>) offsets(%dma_start3A_14 : memref<64xi32, #tpu.memory_space<vmem>>) semaphore(%arg11 : memref<!tpu.dma_semaphore, #tpu.memory_space<semaphore_mem>>)
    %dma_start3A_18 = arith.constant 2 : i32
    %dma_start3A_19 = arith.constant 0 : i32
    %dma_start3A_20 = tpu.memref_slice %arg8[%dma_start3A_18, %dma_start3A_19] : memref<8x64xi32, #tpu.memory_space<vmem>> -> memref<1x64xi32, #tpu.memory_space<vmem>>
    %dma_start3A_21 = tpu.memref_squeeze %dma_start3A_20 : memref<1x64xi32, #tpu.memory_space<vmem>> -> memref<64xi32, #tpu.memory_space<vmem>>
    %dma_start3A_22 = arith.constant 0 : i32
    %dma_start3A_23 = arith.constant 0 : i32
    %dma_start3A_24 = tpu.memref_slice %arg2[%dma_start3A_22, %dma_start3A_23] : memref<16384x512xf32, #tpu.memory_space<hbm>> -> memref<16384x512xf32, #tpu.memory_space<hbm>>
    tpu.enqueue_indirect_dma source(%dma_start3A_24 : memref<16384x512xf32, #tpu.memory_space<hbm>>) target(%arg10 : memref<64x512xf32, #tpu.memory_space<vmem>>) offsets(%dma_start3A_21 : memref<64xi32, #tpu.memory_space<vmem>>) semaphore(%arg12 : memref<!tpu.dma_semaphore, #tpu.memory_space<semaphore_mem>>)
    %dma_wait3A = arith.constant 0 : i32
    %dma_wait3A_25 = arith.constant 0 : i32
    %dma_wait3A_26 = tpu.memref_slice %arg8[%dma_wait3A, %dma_wait3A_25] : memref<8x64xi32, #tpu.memory_space<vmem>> -> memref<1x64xi32, #tpu.memory_space<vmem>>
    %dma_wait3A_27 = tpu.memref_squeeze %dma_wait3A_26 : memref<1x64xi32, #tpu.memory_space<vmem>> -> memref<64xi32, #tpu.memory_space<vmem>>
    %dma_wait3A_28 = arith.constant 0 : i32
    %dma_wait3A_29 = arith.constant 0 : i32
    %dma_wait3A_30 = tpu.memref_slice %arg2[%dma_wait3A_28, %dma_wait3A_29] : memref<16384x512xf32, #tpu.memory_space<hbm>> -> memref<16384x512xf32, #tpu.memory_space<hbm>>
    tpu.wait_indirect_dma semaphore(%arg11 : memref<!tpu.dma_semaphore, #tpu.memory_space<semaphore_mem>>) src(%dma_wait3A_30 : memref<16384x512xf32, #tpu.memory_space<hbm>>) dst(%arg9 : memref<64x512xf32, #tpu.memory_space<vmem>>)
    %add3A_31 = arith.constant 0 : i32
    %add3A_32 = arith.addi %mul3A_2, %add3A_31 : i32
    "tpu.region"() ({
      %run_scoped3A = tpu.sem_alloc : memref<!tpu.dma_semaphore, #tpu.memory_space<semaphore_mem>>
      %dma_start3A_138 = arith.constant 0 : i32
      %dma_start3A_139 = tpu.memref_slice %arg5[%add3A_32, %dma_start3A_138] : memref<4096x2048xf32, #tpu.memory_space<hbm>> -> memref<64x512xf32, #tpu.memory_space<hbm>>
      %dma_start3A_140 = arith.constant 0 : i32
      %dma_start3A_141 = tpu.memref_slice %arg5[%add3A_32, %dma_start3A_140] : memref<4096x2048xf32, #tpu.memory_space<hbm>> -> memref<64x512xf32, #tpu.memory_space<hbm>>
      tpu.enqueue_dma source(%arg9 : memref<64x512xf32, #tpu.memory_space<vmem>>) target(%dma_start3A_141 : memref<64x512xf32, #tpu.memory_space<hbm>>) target_semaphore(%run_scoped3A : memref<!tpu.dma_semaphore, #tpu.memory_space<semaphore_mem>>)
      %dma_wait3A_142 = arith.constant 0 : i32
      %dma_wait3A_143 = tpu.memref_slice %arg5[%add3A_32, %dma_wait3A_142] : memref<4096x2048xf32, #tpu.memory_space<hbm>> -> memref<64x512xf32, #tpu.memory_space<hbm>>
      %dma_wait3A_144 = arith.constant 0 : i32
      %dma_wait3A_145 = tpu.memref_slice %arg5[%add3A_32, %dma_wait3A_144] : memref<4096x2048xf32, #tpu.memory_space<hbm>> -> memref<64x512xf32, #tpu.memory_space<hbm>>
      tpu.wait_dma2 semaphore(%run_scoped3A : memref<!tpu.dma_semaphore, #tpu.memory_space<semaphore_mem>>) src(%arg9 : memref<64x512xf32, #tpu.memory_space<vmem>>) dst(%dma_wait3A_145 : memref<64x512xf32, #tpu.memory_space<hbm>>)
      tpu.yield
    }) : () -> ()
    %dma_start3A_33 = arith.constant 4 : i32
    %dma_start3A_34 = arith.constant 0 : i32
    %dma_start3A_35 = tpu.memref_slice %arg8[%dma_start3A_33, %dma_start3A_34] : memref<8x64xi32, #tpu.memory_space<vmem>> -> memref<1x64xi32, #tpu.memory_space<vmem>>
    %dma_start3A_36 = tpu.memref_squeeze %dma_start3A_35 : memref<1x64xi32, #tpu.memory_space<vmem>> -> memref<64xi32, #tpu.memory_space<vmem>>
    %dma_start3A_37 = arith.constant 0 : i32
    %dma_start3A_38 = arith.constant 0 : i32
    %dma_start3A_39 = tpu.memref_slice %arg2[%dma_start3A_37, %dma_start3A_38] : memref<16384x512xf32, #tpu.memory_space<hbm>> -> memref<16384x512xf32, #tpu.memory_space<hbm>>
    tpu.enqueue_indirect_dma source(%dma_start3A_39 : memref<16384x512xf32, #tpu.memory_space<hbm>>) target(%arg9 : memref<64x512xf32, #tpu.memory_space<vmem>>) offsets(%dma_start3A_36 : memref<64xi32, #tpu.memory_space<vmem>>) semaphore(%arg11 : memref<!tpu.dma_semaphore, #tpu.memory_space<semaphore_mem>>)
    %dma_wait3A_40 = arith.constant 2 : i32
    %dma_wait3A_41 = arith.constant 0 : i32
    %dma_wait3A_42 = tpu.memref_slice %arg8[%dma_wait3A_40, %dma_wait3A_41] : memref<8x64xi32, #tpu.memory_space<vmem>> -> memref<1x64xi32, #tpu.memory_space<vmem>>
    %dma_wait3A_43 = tpu.memref_squeeze %dma_wait3A_42 : memref<1x64xi32, #tpu.memory_space<vmem>> -> memref<64xi32, #tpu.memory_space<vmem>>
    %dma_wait3A_44 = arith.constant 0 : i32
    %dma_wait3A_45 = arith.constant 0 : i32
    %dma_wait3A_46 = tpu.memref_slice %arg2[%dma_wait3A_44, %dma_wait3A_45] : memref<16384x512xf32, #tpu.memory_space<hbm>> -> memref<16384x512xf32, #tpu.memory_space<hbm>>
    tpu.wait_indirect_dma semaphore(%arg12 : memref<!tpu.dma_semaphore, #tpu.memory_space<semaphore_mem>>) src(%dma_wait3A_46 : memref<16384x512xf32, #tpu.memory_space<hbm>>) dst(%arg10 : memref<64x512xf32, #tpu.memory_space<vmem>>)
    %add3A_47 = arith.constant 0 : i32
    %add3A_48 = arith.addi %mul3A_2, %add3A_47 : i32
    "tpu.region"() ({
      %run_scoped3A = tpu.sem_alloc : memref<!tpu.dma_semaphore, #tpu.memory_space<semaphore_mem>>
      %dma_start3A_138 = arith.constant 512 : i32
      %dma_start3A_139 = tpu.memref_slice %arg5[%add3A_48, %dma_start3A_138] : memref<4096x2048xf32, #tpu.memory_space<hbm>> -> memref<64x512xf32, #tpu.memory_space<hbm>>
      %dma_start3A_140 = arith.constant 512 : i32
      %dma_start3A_141 = tpu.memref_slice %arg5[%add3A_48, %dma_start3A_140] : memref<4096x2048xf32, #tpu.memory_space<hbm>> -> memref<64x512xf32, #tpu.memory_space<hbm>>
      tpu.enqueue_dma source(%arg10 : memref<64x512xf32, #tpu.memory_space<vmem>>) target(%dma_start3A_141 : memref<64x512xf32, #tpu.memory_space<hbm>>) target_semaphore(%run_scoped3A : memref<!tpu.dma_semaphore, #tpu.memory_space<semaphore_mem>>)
      %dma_wait3A_142 = arith.constant 512 : i32
      %dma_wait3A_143 = tpu.memref_slice %arg5[%add3A_48, %dma_wait3A_142] : memref<4096x2048xf32, #tpu.memory_space<hbm>> -> memref<64x512xf32, #tpu.memory_space<hbm>>
      %dma_wait3A_144 = arith.constant 512 : i32
      %dma_wait3A_145 = tpu.memref_slice %arg5[%add3A_48, %dma_wait3A_144] : memref<4096x2048xf32, #tpu.memory_space<hbm>> -> memref<64x512xf32, #tpu.memory_space<hbm>>
      tpu.wait_dma2 semaphore(%run_scoped3A : memref<!tpu.dma_semaphore, #tpu.memory_space<semaphore_mem>>) src(%arg10 : memref<64x512xf32, #tpu.memory_space<vmem>>) dst(%dma_wait3A_145 : memref<64x512xf32, #tpu.memory_space<hbm>>)
      tpu.yield
    }) : () -> ()
    %dma_start3A_49 = arith.constant 6 : i32
    %dma_start3A_50 = arith.constant 0 : i32
    %dma_start3A_51 = tpu.memref_slice %arg8[%dma_start3A_49, %dma_start3A_50] : memref<8x64xi32, #tpu.memory_space<vmem>> -> memref<1x64xi32, #tpu.memory_space<vmem>>
    %dma_start3A_52 = tpu.memref_squeeze %dma_start3A_51 : memref<1x64xi32, #tpu.memory_space<vmem>> -> memref<64xi32, #tpu.memory_space<vmem>>
    %dma_start3A_53 = arith.constant 0 : i32
    %dma_start3A_54 = arith.constant 0 : i32
    %dma_start3A_55 = tpu.memref_slice %arg2[%dma_start3A_53, %dma_start3A_54] : memref<16384x512xf32, #tpu.memory_space<hbm>> -> memref<16384x512xf32, #tpu.memory_space<hbm>>
    tpu.enqueue_indirect_dma source(%dma_start3A_55 : memref<16384x512xf32, #tpu.memory_space<hbm>>) target(%arg10 : memref<64x512xf32, #tpu.memory_space<vmem>>) offsets(%dma_start3A_52 : memref<64xi32, #tpu.memory_space<vmem>>) semaphore(%arg12 : memref<!tpu.dma_semaphore, #tpu.memory_space<semaphore_mem>>)
    %dma_wait3A_56 = arith.constant 4 : i32
    %dma_wait3A_57 = arith.constant 0 : i32
    %dma_wait3A_58 = tpu.memref_slice %arg8[%dma_wait3A_56, %dma_wait3A_57] : memref<8x64xi32, #tpu.memory_space<vmem>> -> memref<1x64xi32, #tpu.memory_space<vmem>>
    %dma_wait3A_59 = tpu.memref_squeeze %dma_wait3A_58 : memref<1x64xi32, #tpu.memory_space<vmem>> -> memref<64xi32, #tpu.memory_space<vmem>>
    %dma_wait3A_60 = arith.constant 0 : i32
    %dma_wait3A_61 = arith.constant 0 : i32
    %dma_wait3A_62 = tpu.memref_slice %arg2[%dma_wait3A_60, %dma_wait3A_61] : memref<16384x512xf32, #tpu.memory_space<hbm>> -> memref<16384x512xf32, #tpu.memory_space<hbm>>
    tpu.wait_indirect_dma semaphore(%arg11 : memref<!tpu.dma_semaphore, #tpu.memory_space<semaphore_mem>>) src(%dma_wait3A_62 : memref<16384x512xf32, #tpu.memory_space<hbm>>) dst(%arg9 : memref<64x512xf32, #tpu.memory_space<vmem>>)
    %add3A_63 = arith.constant 0 : i32
    %add3A_64 = arith.addi %mul3A_2, %add3A_63 : i32
    "tpu.region"() ({
      %run_scoped3A = tpu.sem_alloc : memref<!tpu.dma_semaphore, #tpu.memory_space<semaphore_mem>>
      %dma_start3A_138 = arith.constant 1024 : i32
      %dma_start3A_139 = tpu.memref_slice %arg5[%add3A_64, %dma_start3A_138] : memref<4096x2048xf32, #tpu.memory_space<hbm>> -> memref<64x512xf32, #tpu.memory_space<hbm>>
      %dma_start3A_140 = arith.constant 1024 : i32
      %dma_start3A_141 = tpu.memref_slice %arg5[%add3A_64, %dma_start3A_140] : memref<4096x2048xf32, #tpu.memory_space<hbm>> -> memref<64x512xf32, #tpu.memory_space<hbm>>
      tpu.enqueue_dma source(%arg9 : memref<64x512xf32, #tpu.memory_space<vmem>>) target(%dma_start3A_141 : memref<64x512xf32, #tpu.memory_space<hbm>>) target_semaphore(%run_scoped3A : memref<!tpu.dma_semaphore, #tpu.memory_space<semaphore_mem>>)
      %dma_wait3A_142 = arith.constant 1024 : i32
      %dma_wait3A_143 = tpu.memref_slice %arg5[%add3A_64, %dma_wait3A_142] : memref<4096x2048xf32, #tpu.memory_space<hbm>> -> memref<64x512xf32, #tpu.memory_space<hbm>>
      %dma_wait3A_144 = arith.constant 1024 : i32
      %dma_wait3A_145 = tpu.memref_slice %arg5[%add3A_64, %dma_wait3A_144] : memref<4096x2048xf32, #tpu.memory_space<hbm>> -> memref<64x512xf32, #tpu.memory_space<hbm>>
      tpu.wait_dma2 semaphore(%run_scoped3A : memref<!tpu.dma_semaphore, #tpu.memory_space<semaphore_mem>>) src(%arg9 : memref<64x512xf32, #tpu.memory_space<vmem>>) dst(%dma_wait3A_145 : memref<64x512xf32, #tpu.memory_space<hbm>>)
      tpu.yield
    }) : () -> ()
    %dma_start3A_65 = arith.constant 1 : i32
    %dma_start3A_66 = arith.constant 0 : i32
    %dma_start3A_67 = tpu.memref_slice %arg8[%dma_start3A_65, %dma_start3A_66] : memref<8x64xi32, #tpu.memory_space<vmem>> -> memref<1x64xi32, #tpu.memory_space<vmem>>
    %dma_start3A_68 = tpu.memref_squeeze %dma_start3A_67 : memref<1x64xi32, #tpu.memory_space<vmem>> -> memref<64xi32, #tpu.memory_space<vmem>>
    %dma_start3A_69 = arith.constant 0 : i32
    %dma_start3A_70 = arith.constant 0 : i32
    %dma_start3A_71 = tpu.memref_slice %arg2[%dma_start3A_69, %dma_start3A_70] : memref<16384x512xf32, #tpu.memory_space<hbm>> -> memref<16384x512xf32, #tpu.memory_space<hbm>>
    tpu.enqueue_indirect_dma source(%dma_start3A_71 : memref<16384x512xf32, #tpu.memory_space<hbm>>) target(%arg9 : memref<64x512xf32, #tpu.memory_space<vmem>>) offsets(%dma_start3A_68 : memref<64xi32, #tpu.memory_space<vmem>>) semaphore(%arg11 : memref<!tpu.dma_semaphore, #tpu.memory_space<semaphore_mem>>)
    %dma_wait3A_72 = arith.constant 6 : i32
    %dma_wait3A_73 = arith.constant 0 : i32
    %dma_wait3A_74 = tpu.memref_slice %arg8[%dma_wait3A_72, %dma_wait3A_73] : memref<8x64xi32, #tpu.memory_space<vmem>> -> memref<1x64xi32, #tpu.memory_space<vmem>>
    %dma_wait3A_75 = tpu.memref_squeeze %dma_wait3A_74 : memref<1x64xi32, #tpu.memory_space<vmem>> -> memref<64xi32, #tpu.memory_space<vmem>>
    %dma_wait3A_76 = arith.constant 0 : i32
    %dma_wait3A_77 = arith.constant 0 : i32
    %dma_wait3A_78 = tpu.memref_slice %arg2[%dma_wait3A_76, %dma_wait3A_77] : memref<16384x512xf32, #tpu.memory_space<hbm>> -> memref<16384x512xf32, #tpu.memory_space<hbm>>
    tpu.wait_indirect_dma semaphore(%arg12 : memref<!tpu.dma_semaphore, #tpu.memory_space<semaphore_mem>>) src(%dma_wait3A_78 : memref<16384x512xf32, #tpu.memory_space<hbm>>) dst(%arg10 : memref<64x512xf32, #tpu.memory_space<vmem>>)
    %add3A_79 = arith.constant 0 : i32
    %add3A_80 = arith.addi %mul3A_2, %add3A_79 : i32
    "tpu.region"() ({
      %run_scoped3A = tpu.sem_alloc : memref<!tpu.dma_semaphore, #tpu.memory_space<semaphore_mem>>
      %dma_start3A_138 = arith.constant 1536 : i32
      %dma_start3A_139 = tpu.memref_slice %arg5[%add3A_80, %dma_start3A_138] : memref<4096x2048xf32, #tpu.memory_space<hbm>> -> memref<64x512xf32, #tpu.memory_space<hbm>>
      %dma_start3A_140 = arith.constant 1536 : i32
      %dma_start3A_141 = tpu.memref_slice %arg5[%add3A_80, %dma_start3A_140] : memref<4096x2048xf32, #tpu.memory_space<hbm>> -> memref<64x512xf32, #tpu.memory_space<hbm>>
      tpu.enqueue_dma source(%arg10 : memref<64x512xf32, #tpu.memory_space<vmem>>) target(%dma_start3A_141 : memref<64x512xf32, #tpu.memory_space<hbm>>) target_semaphore(%run_scoped3A : memref<!tpu.dma_semaphore, #tpu.memory_space<semaphore_mem>>)
      %dma_wait3A_142 = arith.constant 1536 : i32
      %dma_wait3A_143 = tpu.memref_slice %arg5[%add3A_80, %dma_wait3A_142] : memref<4096x2048xf32, #tpu.memory_space<hbm>> -> memref<64x512xf32, #tpu.memory_space<hbm>>
      %dma_wait3A_144 = arith.constant 1536 : i32
      %dma_wait3A_145 = tpu.memref_slice %arg5[%add3A_80, %dma_wait3A_144] : memref<4096x2048xf32, #tpu.memory_space<hbm>> -> memref<64x512xf32, #tpu.memory_space<hbm>>
      tpu.wait_dma2 semaphore(%run_scoped3A : memref<!tpu.dma_semaphore, #tpu.memory_space<semaphore_mem>>) src(%arg10 : memref<64x512xf32, #tpu.memory_space<vmem>>) dst(%dma_wait3A_145 : memref<64x512xf32, #tpu.memory_space<hbm>>)
      tpu.yield
    }) : () -> ()
    %dma_start3A_81 = arith.constant 3 : i32
    %dma_start3A_82 = arith.constant 0 : i32
    %dma_start3A_83 = tpu.memref_slice %arg8[%dma_start3A_81, %dma_start3A_82] : memref<8x64xi32, #tpu.memory_space<vmem>> -> memref<1x64xi32, #tpu.memory_space<vmem>>
    %dma_start3A_84 = tpu.memref_squeeze %dma_start3A_83 : memref<1x64xi32, #tpu.memory_space<vmem>> -> memref<64xi32, #tpu.memory_space<vmem>>
    %dma_start3A_85 = arith.constant 0 : i32
    %dma_start3A_86 = arith.constant 0 : i32
    %dma_start3A_87 = tpu.memref_slice %arg2[%dma_start3A_85, %dma_start3A_86] : memref<16384x512xf32, #tpu.memory_space<hbm>> -> memref<16384x512xf32, #tpu.memory_space<hbm>>
    tpu.enqueue_indirect_dma source(%dma_start3A_87 : memref<16384x512xf32, #tpu.memory_space<hbm>>) target(%arg10 : memref<64x512xf32, #tpu.memory_space<vmem>>) offsets(%dma_start3A_84 : memref<64xi32, #tpu.memory_space<vmem>>) semaphore(%arg12 : memref<!tpu.dma_semaphore, #tpu.memory_space<semaphore_mem>>)
    %dma_wait3A_88 = arith.constant 1 : i32
    %dma_wait3A_89 = arith.constant 0 : i32
    %dma_wait3A_90 = tpu.memref_slice %arg8[%dma_wait3A_88, %dma_wait3A_89] : memref<8x64xi32, #tpu.memory_space<vmem>> -> memref<1x64xi32, #tpu.memory_space<vmem>>
    %dma_wait3A_91 = tpu.memref_squeeze %dma_wait3A_90 : memref<1x64xi32, #tpu.memory_space<vmem>> -> memref<64xi32, #tpu.memory_space<vmem>>
    %dma_wait3A_92 = arith.constant 0 : i32
    %dma_wait3A_93 = arith.constant 0 : i32
    %dma_wait3A_94 = tpu.memref_slice %arg2[%dma_wait3A_92, %dma_wait3A_93] : memref<16384x512xf32, #tpu.memory_space<hbm>> -> memref<16384x512xf32, #tpu.memory_space<hbm>>
    tpu.wait_indirect_dma semaphore(%arg11 : memref<!tpu.dma_semaphore, #tpu.memory_space<semaphore_mem>>) src(%dma_wait3A_94 : memref<16384x512xf32, #tpu.memory_space<hbm>>) dst(%arg9 : memref<64x512xf32, #tpu.memory_space<vmem>>)
    %add3A_95 = arith.constant 64 : i32
    %add3A_96 = arith.addi %mul3A_2, %add3A_95 : i32
    "tpu.region"() ({
      %run_scoped3A = tpu.sem_alloc : memref<!tpu.dma_semaphore, #tpu.memory_space<semaphore_mem>>
      %dma_start3A_138 = arith.constant 0 : i32
      %dma_start3A_139 = tpu.memref_slice %arg5[%add3A_96, %dma_start3A_138] : memref<4096x2048xf32, #tpu.memory_space<hbm>> -> memref<64x512xf32, #tpu.memory_space<hbm>>
      %dma_start3A_140 = arith.constant 0 : i32
      %dma_start3A_141 = tpu.memref_slice %arg5[%add3A_96, %dma_start3A_140] : memref<4096x2048xf32, #tpu.memory_space<hbm>> -> memref<64x512xf32, #tpu.memory_space<hbm>>
      tpu.enqueue_dma source(%arg9 : memref<64x512xf32, #tpu.memory_space<vmem>>) target(%dma_start3A_141 : memref<64x512xf32, #tpu.memory_space<hbm>>) target_semaphore(%run_scoped3A : memref<!tpu.dma_semaphore, #tpu.memory_space<semaphore_mem>>)
      %dma_wait3A_142 = arith.constant 0 : i32
      %dma_wait3A_143 = tpu.memref_slice %arg5[%add3A_96, %dma_wait3A_142] : memref<4096x2048xf32, #tpu.memory_space<hbm>> -> memref<64x512xf32, #tpu.memory_space<hbm>>
      %dma_wait3A_144 = arith.constant 0 : i32
      %dma_wait3A_145 = tpu.memref_slice %arg5[%add3A_96, %dma_wait3A_144] : memref<4096x2048xf32, #tpu.memory_space<hbm>> -> memref<64x512xf32, #tpu.memory_space<hbm>>
      tpu.wait_dma2 semaphore(%run_scoped3A : memref<!tpu.dma_semaphore, #tpu.memory_space<semaphore_mem>>) src(%arg9 : memref<64x512xf32, #tpu.memory_space<vmem>>) dst(%dma_wait3A_145 : memref<64x512xf32, #tpu.memory_space<hbm>>)
      tpu.yield
    }) : () -> ()
    %dma_start3A_97 = arith.constant 5 : i32
    %dma_start3A_98 = arith.constant 0 : i32
    %dma_start3A_99 = tpu.memref_slice %arg8[%dma_start3A_97, %dma_start3A_98] : memref<8x64xi32, #tpu.memory_space<vmem>> -> memref<1x64xi32, #tpu.memory_space<vmem>>
    %dma_start3A_100 = tpu.memref_squeeze %dma_start3A_99 : memref<1x64xi32, #tpu.memory_space<vmem>> -> memref<64xi32, #tpu.memory_space<vmem>>
    %dma_start3A_101 = arith.constant 0 : i32
    %dma_start3A_102 = arith.constant 0 : i32
    %dma_start3A_103 = tpu.memref_slice %arg2[%dma_start3A_101, %dma_start3A_102] : memref<16384x512xf32, #tpu.memory_space<hbm>> -> memref<16384x512xf32, #tpu.memory_space<hbm>>
    tpu.enqueue_indirect_dma source(%dma_start3A_103 : memref<16384x512xf32, #tpu.memory_space<hbm>>) target(%arg9 : memref<64x512xf32, #tpu.memory_space<vmem>>) offsets(%dma_start3A_100 : memref<64xi32, #tpu.memory_space<vmem>>) semaphore(%arg11 : memref<!tpu.dma_semaphore, #tpu.memory_space<semaphore_mem>>)
    %dma_wait3A_104 = arith.constant 3 : i32
    %dma_wait3A_105 = arith.constant 0 : i32
    %dma_wait3A_106 = tpu.memref_slice %arg8[%dma_wait3A_104, %dma_wait3A_105] : memref<8x64xi32, #tpu.memory_space<vmem>> -> memref<1x64xi32, #tpu.memory_space<vmem>>
    %dma_wait3A_107 = tpu.memref_squeeze %dma_wait3A_106 : memref<1x64xi32, #tpu.memory_space<vmem>> -> memref<64xi32, #tpu.memory_space<vmem>>
    %dma_wait3A_108 = arith.constant 0 : i32
    %dma_wait3A_109 = arith.constant 0 : i32
    %dma_wait3A_110 = tpu.memref_slice %arg2[%dma_wait3A_108, %dma_wait3A_109] : memref<16384x512xf32, #tpu.memory_space<hbm>> -> memref<16384x512xf32, #tpu.memory_space<hbm>>
    tpu.wait_indirect_dma semaphore(%arg12 : memref<!tpu.dma_semaphore, #tpu.memory_space<semaphore_mem>>) src(%dma_wait3A_110 : memref<16384x512xf32, #tpu.memory_space<hbm>>) dst(%arg10 : memref<64x512xf32, #tpu.memory_space<vmem>>)
    %add3A_111 = arith.constant 64 : i32
    %add3A_112 = arith.addi %mul3A_2, %add3A_111 : i32
    "tpu.region"() ({
      %run_scoped3A = tpu.sem_alloc : memref<!tpu.dma_semaphore, #tpu.memory_space<semaphore_mem>>
      %dma_start3A_138 = arith.constant 512 : i32
      %dma_start3A_139 = tpu.memref_slice %arg5[%add3A_112, %dma_start3A_138] : memref<4096x2048xf32, #tpu.memory_space<hbm>> -> memref<64x512xf32, #tpu.memory_space<hbm>>
      %dma_start3A_140 = arith.constant 512 : i32
      %dma_start3A_141 = tpu.memref_slice %arg5[%add3A_112, %dma_start3A_140] : memref<4096x2048xf32, #tpu.memory_space<hbm>> -> memref<64x512xf32, #tpu.memory_space<hbm>>
      tpu.enqueue_dma source(%arg10 : memref<64x512xf32, #tpu.memory_space<vmem>>) target(%dma_start3A_141 : memref<64x512xf32, #tpu.memory_space<hbm>>) target_semaphore(%run_scoped3A : memref<!tpu.dma_semaphore, #tpu.memory_space<semaphore_mem>>)
      %dma_wait3A_142 = arith.constant 512 : i32
      %dma_wait3A_143 = tpu.memref_slice %arg5[%add3A_112, %dma_wait3A_142] : memref<4096x2048xf32, #tpu.memory_space<hbm>> -> memref<64x512xf32, #tpu.memory_space<hbm>>
      %dma_wait3A_144 = arith.constant 512 : i32
      %dma_wait3A_145 = tpu.memref_slice %arg5[%add3A_112, %dma_wait3A_144] : memref<4096x2048xf32, #tpu.memory_space<hbm>> -> memref<64x512xf32, #tpu.memory_space<hbm>>
      tpu.wait_dma2 semaphore(%run_scoped3A : memref<!tpu.dma_semaphore, #tpu.memory_space<semaphore_mem>>) src(%arg10 : memref<64x512xf32, #tpu.memory_space<vmem>>) dst(%dma_wait3A_145 : memref<64x512xf32, #tpu.memory_space<hbm>>)
      tpu.yield
    }) : () -> ()
    %dma_start3A_113 = arith.constant 7 : i32
    %dma_start3A_114 = arith.constant 0 : i32
    %dma_start3A_115 = tpu.memref_slice %arg8[%dma_start3A_113, %dma_start3A_114] : memref<8x64xi32, #tpu.memory_space<vmem>> -> memref<1x64xi32, #tpu.memory_space<vmem>>
    %dma_start3A_116 = tpu.memref_squeeze %dma_start3A_115 : memref<1x64xi32, #tpu.memory_space<vmem>> -> memref<64xi32, #tpu.memory_space<vmem>>
    %dma_start3A_117 = arith.constant 0 : i32
    %dma_start3A_118 = arith.constant 0 : i32
    %dma_start3A_119 = tpu.memref_slice %arg2[%dma_start3A_117, %dma_start3A_118] : memref<16384x512xf32, #tpu.memory_space<hbm>> -> memref<16384x512xf32, #tpu.memory_space<hbm>>
    tpu.enqueue_indirect_dma source(%dma_start3A_119 : memref<16384x512xf32, #tpu.memory_space<hbm>>) target(%arg10 : memref<64x512xf32, #tpu.memory_space<vmem>>) offsets(%dma_start3A_116 : memref<64xi32, #tpu.memory_space<vmem>>) semaphore(%arg12 : memref<!tpu.dma_semaphore, #tpu.memory_space<semaphore_mem>>)
    %dma_wait3A_120 = arith.constant 5 : i32
    %dma_wait3A_121 = arith.constant 0 : i32
    %dma_wait3A_122 = tpu.memref_slice %arg8[%dma_wait3A_120, %dma_wait3A_121] : memref<8x64xi32, #tpu.memory_space<vmem>> -> memref<1x64xi32, #tpu.memory_space<vmem>>
    %dma_wait3A_123 = tpu.memref_squeeze %dma_wait3A_122 : memref<1x64xi32, #tpu.memory_space<vmem>> -> memref<64xi32, #tpu.memory_space<vmem>>
    %dma_wait3A_124 = arith.constant 0 : i32
    %dma_wait3A_125 = arith.constant 0 : i32
    %dma_wait3A_126 = tpu.memref_slice %arg2[%dma_wait3A_124, %dma_wait3A_125] : memref<16384x512xf32, #tpu.memory_space<hbm>> -> memref<16384x512xf32, #tpu.memory_space<hbm>>
    tpu.wait_indirect_dma semaphore(%arg11 : memref<!tpu.dma_semaphore, #tpu.memory_space<semaphore_mem>>) src(%dma_wait3A_126 : memref<16384x512xf32, #tpu.memory_space<hbm>>) dst(%arg9 : memref<64x512xf32, #tpu.memory_space<vmem>>)
    %add3A_127 = arith.constant 64 : i32
    %add3A_128 = arith.addi %mul3A_2, %add3A_127 : i32
    "tpu.region"() ({
      %run_scoped3A = tpu.sem_alloc : memref<!tpu.dma_semaphore, #tpu.memory_space<semaphore_mem>>
      %dma_start3A_138 = arith.constant 1024 : i32
      %dma_start3A_139 = tpu.memref_slice %arg5[%add3A_128, %dma_start3A_138] : memref<4096x2048xf32, #tpu.memory_space<hbm>> -> memref<64x512xf32, #tpu.memory_space<hbm>>
      %dma_start3A_140 = arith.constant 1024 : i32
      %dma_start3A_141 = tpu.memref_slice %arg5[%add3A_128, %dma_start3A_140] : memref<4096x2048xf32, #tpu.memory_space<hbm>> -> memref<64x512xf32, #tpu.memory_space<hbm>>
      tpu.enqueue_dma source(%arg9 : memref<64x512xf32, #tpu.memory_space<vmem>>) target(%dma_start3A_141 : memref<64x512xf32, #tpu.memory_space<hbm>>) target_semaphore(%run_scoped3A : memref<!tpu.dma_semaphore, #tpu.memory_space<semaphore_mem>>)
      %dma_wait3A_142 = arith.constant 1024 : i32
      %dma_wait3A_143 = tpu.memref_slice %arg5[%add3A_128, %dma_wait3A_142] : memref<4096x2048xf32, #tpu.memory_space<hbm>> -> memref<64x512xf32, #tpu.memory_space<hbm>>
      %dma_wait3A_144 = arith.constant 1024 : i32
      %dma_wait3A_145 = tpu.memref_slice %arg5[%add3A_128, %dma_wait3A_144] : memref<4096x2048xf32, #tpu.memory_space<hbm>> -> memref<64x512xf32, #tpu.memory_space<hbm>>
      tpu.wait_dma2 semaphore(%run_scoped3A : memref<!tpu.dma_semaphore, #tpu.memory_space<semaphore_mem>>) src(%arg9 : memref<64x512xf32, #tpu.memory_space<vmem>>) dst(%dma_wait3A_145 : memref<64x512xf32, #tpu.memory_space<hbm>>)
      tpu.yield
    }) : () -> ()
    %dma_wait3A_129 = arith.constant 7 : i32
    %dma_wait3A_130 = arith.constant 0 : i32
    %dma_wait3A_131 = tpu.memref_slice %arg8[%dma_wait3A_129, %dma_wait3A_130] : memref<8x64xi32, #tpu.memory_space<vmem>> -> memref<1x64xi32, #tpu.memory_space<vmem>>
    %dma_wait3A_132 = tpu.memref_squeeze %dma_wait3A_131 : memref<1x64xi32, #tpu.memory_space<vmem>> -> memref<64xi32, #tpu.memory_space<vmem>>
    %dma_wait3A_133 = arith.constant 0 : i32
    %dma_wait3A_134 = arith.constant 0 : i32
    %dma_wait3A_135 = tpu.memref_slice %arg2[%dma_wait3A_133, %dma_wait3A_134] : memref<16384x512xf32, #tpu.memory_space<hbm>> -> memref<16384x512xf32, #tpu.memory_space<hbm>>
    tpu.wait_indirect_dma semaphore(%arg12 : memref<!tpu.dma_semaphore, #tpu.memory_space<semaphore_mem>>) src(%dma_wait3A_135 : memref<16384x512xf32, #tpu.memory_space<hbm>>) dst(%arg10 : memref<64x512xf32, #tpu.memory_space<vmem>>)
    %add3A_136 = arith.constant 64 : i32
    %add3A_137 = arith.addi %mul3A_2, %add3A_136 : i32
    "tpu.region"() ({
      %run_scoped3A = tpu.sem_alloc : memref<!tpu.dma_semaphore, #tpu.memory_space<semaphore_mem>>
      %dma_start3A_138 = arith.constant 1536 : i32
      %dma_start3A_139 = tpu.memref_slice %arg5[%add3A_137, %dma_start3A_138] : memref<4096x2048xf32, #tpu.memory_space<hbm>> -> memref<64x512xf32, #tpu.memory_space<hbm>>
      %dma_start3A_140 = arith.constant 1536 : i32
      %dma_start3A_141 = tpu.memref_slice %arg5[%add3A_137, %dma_start3A_140] : memref<4096x2048xf32, #tpu.memory_space<hbm>> -> memref<64x512xf32, #tpu.memory_space<hbm>>
      tpu.enqueue_dma source(%arg10 : memref<64x512xf32, #tpu.memory_space<vmem>>) target(%dma_start3A_141 : memref<64x512xf32, #tpu.memory_space<hbm>>) target_semaphore(%run_scoped3A : memref<!tpu.dma_semaphore, #tpu.memory_space<semaphore_mem>>)
      %dma_wait3A_142 = arith.constant 1536 : i32
      %dma_wait3A_143 = tpu.memref_slice %arg5[%add3A_137, %dma_wait3A_142] : memref<4096x2048xf32, #tpu.memory_space<hbm>> -> memref<64x512xf32, #tpu.memory_space<hbm>>
      %dma_wait3A_144 = arith.constant 1536 : i32
      %dma_wait3A_145 = tpu.memref_slice %arg5[%add3A_137, %dma_wait3A_144] : memref<4096x2048xf32, #tpu.memory_space<hbm>> -> memref<64x512xf32, #tpu.memory_space<hbm>>
      tpu.wait_dma2 semaphore(%run_scoped3A : memref<!tpu.dma_semaphore, #tpu.memory_space<semaphore_mem>>) src(%arg10 : memref<64x512xf32, #tpu.memory_space<vmem>>) dst(%dma_wait3A_145 : memref<64x512xf32, #tpu.memory_space<hbm>>)
      tpu.yield
    }) : () -> ()
    return
  }
}

module attributes {stable_mosaic.version = 14 : i64} {
  func.func @mm(%arg0: i32, %arg1: memref<512x2048xf32, #tpu.memory_space<vmem>>, %arg2: memref<512x4xf32, #tpu.memory_space<vmem>>, %arg3: memref<2048x2048xbf16, #tpu.memory_space<vmem>>, %arg4: memref<1x2048xf32, #tpu.memory_space<vmem>>, %arg5: memref<512x2048xf32, #tpu.memory_space<vmem>>) attributes {dimension_semantics = [#tpu.dimension_semantics<parallel>], iteration_bounds = array<i64: 8>, scalar_prefetch = 0 : i64, scratch_operands = 0 : i64, tpu.core_type = #tpu.core_type<tc>, window_params = [{transform_indices = @transform_0, window_bounds = array<i64: 512, 2048>}, {transform_indices = @transform_1, window_bounds = array<i64: 512, 4>}, {pipeline_mode = #tpu.pipeline_mode<synchronous>, transform_indices = @transform_2, window_bounds = array<i64: 2048, 2048>}, {pipeline_mode = #tpu.pipeline_mode<synchronous>, transform_indices = @transform_3, window_bounds = array<i64: 1, 2048>}, {transform_indices = @transform_4, window_bounds = array<i64: 512, 2048>}]} {
    %get3A = arith.constant 0 : index
    %get3A_0 = arith.constant 0 : index
    %get3A_1 = vector.load %arg1[%get3A, %get3A_0] : memref<512x2048xf32, #tpu.memory_space<vmem>>, vector<512x512xf32>
    %get3A_2 = arith.constant 0 : index
    %get3A_3 = arith.constant 0 : index
    %get3A_4 = vector.load %arg2[%get3A_2, %get3A_3] : memref<512x4xf32, #tpu.memory_space<vmem>>, vector<512x1xf32>
    %get3A_5 = vector.shape_cast %get3A_4 : vector<512x1xf32> to vector<512xf32>
    %broadcast_in_dim3A = vector.shape_cast %get3A_5 : vector<512xf32> to vector<512x1xf32>
    %mul3A = vector.broadcast %broadcast_in_dim3A : vector<512x1xf32> to vector<512x512xf32>
    %mul3A_6 = arith.mulf %get3A_1, %mul3A : vector<512x512xf32>
    %convert_element_type3A = arith.truncf %mul3A_6 : vector<512x512xf32> to vector<512x512xbf16>
    %get3A_7 = arith.constant 0 : index
    %get3A_8 = arith.constant 512 : index
    %get3A_9 = vector.load %arg1[%get3A_7, %get3A_8] : memref<512x2048xf32, #tpu.memory_space<vmem>>, vector<512x512xf32>
    %get3A_10 = arith.constant 0 : index
    %get3A_11 = arith.constant 1 : index
    %get3A_12 = vector.load %arg2[%get3A_10, %get3A_11] : memref<512x4xf32, #tpu.memory_space<vmem>>, vector<512x1xf32>
    %get3A_13 = vector.shape_cast %get3A_12 : vector<512x1xf32> to vector<512xf32>
    %broadcast_in_dim3A_14 = vector.shape_cast %get3A_13 : vector<512xf32> to vector<512x1xf32>
    %mul3A_15 = vector.broadcast %broadcast_in_dim3A_14 : vector<512x1xf32> to vector<512x512xf32>
    %mul3A_16 = arith.mulf %get3A_9, %mul3A_15 : vector<512x512xf32>
    %convert_element_type3A_17 = arith.truncf %mul3A_16 : vector<512x512xf32> to vector<512x512xbf16>
    %get3A_18 = arith.constant 0 : index
    %get3A_19 = arith.constant 1024 : index
    %get3A_20 = vector.load %arg1[%get3A_18, %get3A_19] : memref<512x2048xf32, #tpu.memory_space<vmem>>, vector<512x512xf32>
    %get3A_21 = arith.constant 0 : index
    %get3A_22 = arith.constant 2 : index
    %get3A_23 = vector.load %arg2[%get3A_21, %get3A_22] : memref<512x4xf32, #tpu.memory_space<vmem>>, vector<512x1xf32>
    %get3A_24 = vector.shape_cast %get3A_23 : vector<512x1xf32> to vector<512xf32>
    %broadcast_in_dim3A_25 = vector.shape_cast %get3A_24 : vector<512xf32> to vector<512x1xf32>
    %mul3A_26 = vector.broadcast %broadcast_in_dim3A_25 : vector<512x1xf32> to vector<512x512xf32>
    %mul3A_27 = arith.mulf %get3A_20, %mul3A_26 : vector<512x512xf32>
    %convert_element_type3A_28 = arith.truncf %mul3A_27 : vector<512x512xf32> to vector<512x512xbf16>
    %get3A_29 = arith.constant 0 : index
    %get3A_30 = arith.constant 1536 : index
    %get3A_31 = vector.load %arg1[%get3A_29, %get3A_30] : memref<512x2048xf32, #tpu.memory_space<vmem>>, vector<512x512xf32>
    %get3A_32 = arith.constant 0 : index
    %get3A_33 = arith.constant 3 : index
    %get3A_34 = vector.load %arg2[%get3A_32, %get3A_33] : memref<512x4xf32, #tpu.memory_space<vmem>>, vector<512x1xf32>
    %get3A_35 = vector.shape_cast %get3A_34 : vector<512x1xf32> to vector<512xf32>
    %broadcast_in_dim3A_36 = vector.shape_cast %get3A_35 : vector<512xf32> to vector<512x1xf32>
    %mul3A_37 = vector.broadcast %broadcast_in_dim3A_36 : vector<512x1xf32> to vector<512x512xf32>
    %mul3A_38 = arith.mulf %get3A_31, %mul3A_37 : vector<512x512xf32>
    %convert_element_type3A_39 = arith.truncf %mul3A_38 : vector<512x512xf32> to vector<512x512xbf16>
    %concatenate3A = tpu.concatenate %convert_element_type3A, %convert_element_type3A_17, %convert_element_type3A_28, %convert_element_type3A_39 in 1 : vector<512x512xbf16>, vector<512x512xbf16>, vector<512x512xbf16>, vector<512x512xbf16> -> vector<512x2048xbf16>
    %get3A_40 = arith.constant 0 : index
    %get3A_41 = arith.constant 0 : index
    %get3A_42 = vector.load %arg3[%get3A_40, %get3A_41] : memref<2048x2048xbf16, #tpu.memory_space<vmem>>, vector<2048x2048xbf16>
    %dot_general3A = arith.constant dense<0.000000e+00> : vector<512x2048xf32>
    %dot_general3A_43 = tpu.matmul %concatenate3A, %get3A_42, %dot_general3A {dimension_numbers = #tpu.dot_dimension_numbers<[1], [1], [0], [0], [0, 0, 1, 0], [], []>, transpose_lhs_hint = false} : vector<512x2048xbf16>, vector<2048x2048xbf16>, vector<512x2048xf32> -> vector<512x2048xf32>
    %get3A_44 = arith.constant 0 : index
    %get3A_45 = arith.constant 0 : index
    %get3A_46 = vector.load %arg4[%get3A_44, %get3A_45] : memref<1x2048xf32, #tpu.memory_space<vmem>>, vector<1x2048xf32>
    %add3A = vector.broadcast %get3A_46 : vector<1x2048xf32> to vector<512x2048xf32>
    %add3A_47 = arith.addf %dot_general3A_43, %add3A : vector<512x2048xf32>
    %swap3A = arith.constant 0 : index
    %swap3A_48 = arith.constant 0 : index
    %swap3A_49 = vector.load %arg5[%swap3A, %swap3A_48] : memref<512x2048xf32, #tpu.memory_space<vmem>>, vector<512x2048xf32>
    tpu.vector_store %arg5[%swap3A, %swap3A_48], %add3A_47 {strides = array<i32>} : memref<512x2048xf32, #tpu.memory_space<vmem>>, vector<512x2048xf32>,
    return
  }
  func.func @transform_0(%arg0: i32) -> (i32, i32) {
    %c0_i32 = arith.constant 0 : i32
    %c0_i32_0 = arith.constant 0 : i32
    return %arg0, %c0_i32 : i32, i32
  }
  func.func @transform_1(%arg0: i32) -> (i32, i32) {
    %c0_i32 = arith.constant 0 : i32
    %c0_i32_0 = arith.constant 0 : i32
    return %arg0, %c0_i32 : i32, i32
  }
  func.func @transform_2(%arg0: i32) -> (i32, i32) {
    %c0_i32 = arith.constant 0 : i32
    %c0_i32_0 = arith.constant 0 : i32
    %c0_i32_1 = arith.constant 0 : i32
    return %c0_i32, %c0_i32_0 : i32, i32
  }
  func.func @transform_3(%arg0: i32) -> (i32, i32) {
    %c0_i32 = arith.constant 0 : i32
    %c0_i32_0 = arith.constant 0 : i32
    %c0_i32_1 = arith.constant 0 : i32
    return %c0_i32, %c0_i32_0 : i32, i32
  }
  func.func @transform_4(%arg0: i32) -> (i32, i32) {
    %add3A = arith.constant 0 : i32
    %add3A_0 = arith.addi %arg0, %add3A : i32
    %c0_i32 = arith.constant 0 : i32
    %c0_i32_1 = arith.constant 0 : i32
    return %add3A_0, %c0_i32 : i32, i32
  }
}

module attributes {stable_mosaic.version = 14 : i64} {
  func.func @mm(%arg0: i32, %arg1: memref<512x2048xf32, #tpu.memory_space<vmem>>, %arg2: memref<512x4xf32, #tpu.memory_space<vmem>>, %arg3: memref<2048x2048xbf16, #tpu.memory_space<vmem>>, %arg4: memref<1x2048xf32, #tpu.memory_space<vmem>>, %arg5: memref<8192x2048xf32, #tpu.memory_space<hbm>>, %arg6: memref<512x2048xf32, #tpu.memory_space<vmem>>) attributes {dimension_semantics = [#tpu.dimension_semantics<parallel>], iteration_bounds = array<i64: 8>, scalar_prefetch = 0 : i64, scratch_operands = 0 : i64, tpu.core_type = #tpu.core_type<tc>, window_params = [{transform_indices = @transform_0, window_bounds = array<i64: 512, 2048>}, {transform_indices = @transform_1, window_bounds = array<i64: 512, 4>}, {pipeline_mode = #tpu.pipeline_mode<synchronous>, transform_indices = @transform_2, window_bounds = array<i64: 2048, 2048>}, {pipeline_mode = #tpu.pipeline_mode<synchronous>, transform_indices = @transform_3, window_bounds = array<i64: 1, 2048>}, {}, {transform_indices = @transform_5, window_bounds = array<i64: 512, 2048>}]} {
    %get3A = arith.constant 0 : index
    %get3A_0 = arith.constant 0 : index
    %get3A_1 = vector.load %arg1[%get3A, %get3A_0] : memref<512x2048xf32, #tpu.memory_space<vmem>>, vector<512x512xf32>
    %get3A_2 = arith.constant 0 : index
    %get3A_3 = arith.constant 0 : index
    %get3A_4 = vector.load %arg2[%get3A_2, %get3A_3] : memref<512x4xf32, #tpu.memory_space<vmem>>, vector<512x1xf32>
    %get3A_5 = vector.shape_cast %get3A_4 : vector<512x1xf32> to vector<512xf32>
    %broadcast_in_dim3A = vector.shape_cast %get3A_5 : vector<512xf32> to vector<512x1xf32>
    %mul3A = vector.broadcast %broadcast_in_dim3A : vector<512x1xf32> to vector<512x512xf32>
    %mul3A_6 = arith.mulf %get3A_1, %mul3A : vector<512x512xf32>
    %convert_element_type3A = arith.truncf %mul3A_6 : vector<512x512xf32> to vector<512x512xbf16>
    %get3A_7 = arith.constant 0 : index
    %get3A_8 = arith.constant 512 : index
    %get3A_9 = vector.load %arg1[%get3A_7, %get3A_8] : memref<512x2048xf32, #tpu.memory_space<vmem>>, vector<512x512xf32>
    %get3A_10 = arith.constant 0 : index
    %get3A_11 = arith.constant 1 : index
    %get3A_12 = vector.load %arg2[%get3A_10, %get3A_11] : memref<512x4xf32, #tpu.memory_space<vmem>>, vector<512x1xf32>
    %get3A_13 = vector.shape_cast %get3A_12 : vector<512x1xf32> to vector<512xf32>
    %broadcast_in_dim3A_14 = vector.shape_cast %get3A_13 : vector<512xf32> to vector<512x1xf32>
    %mul3A_15 = vector.broadcast %broadcast_in_dim3A_14 : vector<512x1xf32> to vector<512x512xf32>
    %mul3A_16 = arith.mulf %get3A_9, %mul3A_15 : vector<512x512xf32>
    %convert_element_type3A_17 = arith.truncf %mul3A_16 : vector<512x512xf32> to vector<512x512xbf16>
    %get3A_18 = arith.constant 0 : index
    %get3A_19 = arith.constant 1024 : index
    %get3A_20 = vector.load %arg1[%get3A_18, %get3A_19] : memref<512x2048xf32, #tpu.memory_space<vmem>>, vector<512x512xf32>
    %get3A_21 = arith.constant 0 : index
    %get3A_22 = arith.constant 2 : index
    %get3A_23 = vector.load %arg2[%get3A_21, %get3A_22] : memref<512x4xf32, #tpu.memory_space<vmem>>, vector<512x1xf32>
    %get3A_24 = vector.shape_cast %get3A_23 : vector<512x1xf32> to vector<512xf32>
    %broadcast_in_dim3A_25 = vector.shape_cast %get3A_24 : vector<512xf32> to vector<512x1xf32>
    %mul3A_26 = vector.broadcast %broadcast_in_dim3A_25 : vector<512x1xf32> to vector<512x512xf32>
    %mul3A_27 = arith.mulf %get3A_20, %mul3A_26 : vector<512x512xf32>
    %convert_element_type3A_28 = arith.truncf %mul3A_27 : vector<512x512xf32> to vector<512x512xbf16>
    %get3A_29 = arith.constant 0 : index
    %get3A_30 = arith.constant 1536 : index
    %get3A_31 = vector.load %arg1[%get3A_29, %get3A_30] : memref<512x2048xf32, #tpu.memory_space<vmem>>, vector<512x512xf32>
    %get3A_32 = arith.constant 0 : index
    %get3A_33 = arith.constant 3 : index
    %get3A_34 = vector.load %arg2[%get3A_32, %get3A_33] : memref<512x4xf32, #tpu.memory_space<vmem>>, vector<512x1xf32>
    %get3A_35 = vector.shape_cast %get3A_34 : vector<512x1xf32> to vector<512xf32>
    %broadcast_in_dim3A_36 = vector.shape_cast %get3A_35 : vector<512xf32> to vector<512x1xf32>
    %mul3A_37 = vector.broadcast %broadcast_in_dim3A_36 : vector<512x1xf32> to vector<512x512xf32>
    %mul3A_38 = arith.mulf %get3A_31, %mul3A_37 : vector<512x512xf32>
    %convert_element_type3A_39 = arith.truncf %mul3A_38 : vector<512x512xf32> to vector<512x512xbf16>
    %concatenate3A = tpu.concatenate %convert_element_type3A, %convert_element_type3A_17, %convert_element_type3A_28, %convert_element_type3A_39 in 1 : vector<512x512xbf16>, vector<512x512xbf16>, vector<512x512xbf16>, vector<512x512xbf16> -> vector<512x2048xbf16>
    %get3A_40 = arith.constant 0 : index
    %get3A_41 = arith.constant 0 : index
    %get3A_42 = vector.load %arg3[%get3A_40, %get3A_41] : memref<2048x2048xbf16, #tpu.memory_space<vmem>>, vector<2048x2048xbf16>
    %dot_general3A = arith.constant dense<0.000000e+00> : vector<512x2048xf32>
    %dot_general3A_43 = tpu.matmul %concatenate3A, %get3A_42, %dot_general3A {dimension_numbers = #tpu.dot_dimension_numbers<[1], [1], [0], [0], [0, 0, 1, 0], [], []>, transpose_lhs_hint = false} : vector<512x2048xbf16>, vector<2048x2048xbf16>, vector<512x2048xf32> -> vector<512x2048xf32>
    %get3A_44 = arith.constant 0 : index
    %get3A_45 = arith.constant 0 : index
    %get3A_46 = vector.load %arg4[%get3A_44, %get3A_45] : memref<1x2048xf32, #tpu.memory_space<vmem>>, vector<1x2048xf32>
    %add3A = vector.broadcast %get3A_46 : vector<1x2048xf32> to vector<512x2048xf32>
    %add3A_47 = arith.addf %dot_general3A_43, %add3A : vector<512x2048xf32>
    %swap3A = arith.constant 0 : index
    %swap3A_48 = arith.constant 0 : index
    %swap3A_49 = vector.load %arg6[%swap3A, %swap3A_48] : memref<512x2048xf32, #tpu.memory_space<vmem>>, vector<512x2048xf32>
    tpu.vector_store %arg6[%swap3A, %swap3A_48], %add3A_47 {strides = array<i32>} : memref<512x2048xf32, #tpu.memory_space<vmem>>, vector<512x2048xf32>,
    return
  }
  func.func @transform_0(%arg0: i32) -> (i32, i32) {
    %c0_i32 = arith.constant 0 : i32
    %c0_i32_0 = arith.constant 0 : i32
    return %arg0, %c0_i32 : i32, i32
  }
  func.func @transform_1(%arg0: i32) -> (i32, i32) {
    %c0_i32 = arith.constant 0 : i32
    %c0_i32_0 = arith.constant 0 : i32
    return %arg0, %c0_i32 : i32, i32
  }
  func.func @transform_2(%arg0: i32) -> (i32, i32) {
    %c0_i32 = arith.constant 0 : i32
    %c0_i32_0 = arith.constant 0 : i32
    %c0_i32_1 = arith.constant 0 : i32
    return %c0_i32, %c0_i32_0 : i32, i32
  }
  func.func @transform_3(%arg0: i32) -> (i32, i32) {
    %c0_i32 = arith.constant 0 : i32
    %c0_i32_0 = arith.constant 0 : i32
    %c0_i32_1 = arith.constant 0 : i32
    return %c0_i32, %c0_i32_0 : i32, i32
  }
  func.func @transform_5(%arg0: i32) -> (i32, i32) {
    %add3A = arith.constant 8 : i32
    %add3A_0 = arith.addi %arg0, %add3A : i32
    %c0_i32 = arith.constant 0 : i32
    %c0_i32_1 = arith.constant 0 : i32
    return %add3A_0, %c0_i32 : i32, i32
  }
}

</mosaic_0001>

<sc_bundles>
// kernel: kernel.6.cloned.1.call-start
scs
__scs_entry_jumppad:
0x0: {  	(pc) =	sbr.rel $0x88, $3  }
0x1: {  	(tag) =	ssettag $0x0;
	lr =	simm.s32 $0x1  }
0x2: {  	[smem:$0x3F9D] =	sst lr;
	_ =	strace $0xD0000000  }
0x3: {  	_ = 	snop  }
0x4: {  	_ = 	snop  }
0x5: {  	_ = 	snop  }
0x6: {  	_ = 	snop  }
0x7: {  	_ = 	snop  }
__scs_overlays_trampoline_lowered:
0x8: {  	[smem:$0x3FAC] =	sst s0  }
0x9: {  	[smem:$0x3FAD] =	sst s1  }
0xa: {  	[smem:$0x3FAE] =	sst s2  }
0xb: {  	[smem:$0x3FAF] =	sst s3  }
0xc: {  	[smem:$0x3FB0] =	sst s4  }
0xd: {  	[smem:$0x3FB1] =	sst s5  }
0xe: {  	[smem:$0x3FB2] =	sst s6  }
0xf: {  	[smem:$0x3FB3] =	sst s7  }
0x10: {  	[smem:$0x3FB4] =	sst s8  }
0x11: {  	[smem:$0x3FB5] =	sst s9;
	s0 =	simm.s32 @!p0 $0x0  }
0x12: {  	s1 =	sld [smem:$0x3F9B];
	s0 =	simm.s32 @p0 $0x1  }
0x13: {  	[smem:$0x3FB6] =	sst s0;
	s0 =	simm.s32 @!p1 $0x0  }
0x14: {  	s2 =	sld [smem:$0x3F9A];
	s0 =	simm.s32 @p1 $0x1  }
0x15: {  	[smem:$0x3FB7] =	sst s0;
	s0 =	simm.s32 @!p2 $0x0  }
0x16: {  	s3 =	sld [smem:$0x3FDB];
	s0 =	simm.s32 @p2 $0x1  }
0x17: {  	s4 =	simm.s32 $0x1BF5;
	[smem:$0x3FB9] =	sst s0  }
0x18: {  	s0 =	sld [smem:$0x3F9C];
	_ =	swait.ge [sflag:s4], $0x0  }
0x19: {  	s7 =	sld [smem:$0x3F9D]  }
0x1a: {  	s8 =	sadd.s32 $0xFFFFE003, lr  }
0x1b: {  	s9 =	sadd.s32 $0xFFFFFEF7, lr;
	s5 =	simm.s32 $0xFFFFFFFF;
	p2 =	slt.u32 s8, $0xFFFFF086  }
0x1c: {  	p1 =	slt.u32 s9, $0xF7A;
	s5 =	simm.s32 @!p2 $0x0  }
0x1d: {  	s5 =	simm.s32 @p1 $0x1;
	p0 =	seq.s32 s7, s2  }
0x1e: {  	s7 =	smul.u32 @!p0 $0xF7A, s2;
	p2 =	seq.s32 @!p0 s5, $0x0  }
0x1f: {  	s9 =	smul.u32 $0xF7A, s1;
	s8 =	simm.s32 @!p0 $0x1BF5;
	p2 =	por !p2, p0  }
0x20: {  	[sflag:s8] =	ssyncset.s32 @!p0 $0xFFFFF086;
	s6 =	sadd.s32 @!p0 s3, s7;
	s7 =	simm.s32 @!p0 $0x108  }
0x21: {  	s3 =	sadd.s32 s3, s9;
	s6 =	sadd.s32 @!p0 $0x88, s6;
	s7 =	simm.s32 @p2 $0x1082  }
0x22: {  	[simem:s7], [sflag:s8] =	dma.local @!p0 [hbm:s6], $0xF7A  }
0x23: {  	s9 =	sor.u32 $0xD0000000, s2;
	s6 =	simm.s32 $0x108;
	_ =	swait.ge @!p0 [sflag:s8], $0x0  }
0x24: {  	s3 =	sadd.s32 $0x88, s3;
	s6 =	simm.s32 @!p1 $0x1082;
	[sflag:s4] =	ssyncset.s32 $0xFFFFF086  }
0x25: {  	[simem:s6], [sflag:s4] =	dma.local [hbm:s3], $0xF7A  }
0x26: {  	[smem:$0x3F9D] =	sst s1;
	(tag) =	ssettag s2;
	_ =	strace s9  }
0x27: {  	s1 =	sld [smem:$0x3FAD]  }
0x28: {  	s2 =	sld [smem:$0x3FAE]  }
0x29: {  	s4 =	sld [smem:$0x3FB0]  }
0x2a: {  	p0 =	seq.s32 s5, $0x0;
	s5 =	sld [smem:$0x3FB1]  }
0x2b: {  	s6 =	sld [smem:$0x3FB2]  }
0x2c: {  	s7 =	sld [smem:$0x3FB3]  }
0x2d: {  	s3 =	simm.s32 $0x108;
	s8 =	sld [smem:$0x3FB4]  }
0x2e: {  	s3 =	simm.s32 @!p0 $0x1082;
	s9 =	sld [smem:$0x3FB5]  }
0x2f: {  	lr =	sadd.s32 s0, s3;
	s0 =	sld [smem:$0x3FAC]  }
0x30: {  	s3 =	sld [smem:$0x3FAF]  }
0x31: {  	[smem:$0x3FB8] =	sst s10  }
0x32: {  	s10 =	sld [smem:$0x3FB6];
	_ =	sdelay $0x3  }
0x33: {  	p0 =	seq.s32 s10, $0x1;
	s10 =	sld [smem:$0x3FB8];
	_ =	sdelay $0x3  }
0x34: {  	[smem:$0x3FB8] =	sst s10  }
0x35: {  	s10 =	sld [smem:$0x3FB7];
	_ =	sdelay $0x3  }
0x36: {  	p1 =	seq.s32 s10, $0x1;
	s10 =	sld [smem:$0x3FB8];
	_ =	sdelay $0x3  }
0x37: {  	[smem:$0x3FB8] =	sst s10  }
0x38: {  	s10 =	sld [smem:$0x3FB9]  }
0x39: {  	_ = 	snop;
	(pc) =	sbr.ind lr, $3  }
0x3a: {  	_ = 	snop  }
0x3b: {  	_ = 	snop  }
0x3c: {  	p2 =	seq.s32 s10, $0x1;
	s10 =	sld [smem:$0x3FB8]  }
0x3d: {  	_ =	shalt  }
0x3e: {  	_ =	shalt  }
0x3f: {  	_ =	shalt  }
0x40: {  	_ =	shalt  }
0x41: {  	_ =	shalt  }
0x42: {  	_ =	shalt  }
0x43: {  	_ =	shalt  }
0x44: {  	_ =	shalt  }
0x45: {  	_ =	shalt  }
0x46: {  	_ =	shalt  }
0x47: {  	_ =	shalt  }
0x48: {  	_ =	shalt  }
0x49: {  	_ =	shalt  }
0x4a: {  	_ =	shalt  }
0x4b: {  	_ =	shalt  }
0x4c: {  	_ =	shalt  }
0x4d: {  	_ =	shalt  }
0x4e: {  	_ =	shalt  }
0x4f: {  	_ =	shalt  }
0x50: {  	_ =	shalt  }
0x51: {  	_ =	shalt  }
0x52: {  	_ =	shalt  }
0x53: {  	_ =	shalt  }
0x54: {  	_ =	shalt  }
0x55: {  	_ =	shalt  }
0x56: {  	_ =	shalt  }
0x57: {  	_ =	shalt  }
0x58: {  	_ =	shalt  }
0x59: {  	_ =	shalt  }
0x5a: {  	_ =	shalt  }
0x5b: {  	_ =	shalt  }
0x5c: {  	_ =	shalt  }
0x5d: {  	_ =	shalt  }
0x5e: {  	_ =	shalt  }
0x5f: {  	_ =	shalt  }
0x60: {  	_ =	shalt  }
0x61: {  	_ =	shalt  }
0x62: {  	_ =	shalt  }
0x63: {  	_ =	shalt  }
0x64: {  	_ =	shalt  }
0x65: {  	_ =	shalt  }
0x66: {  	_ =	shalt  }
0x67: {  	_ =	shalt  }
0x68: {  	_ =	shalt  }
0x69: {  	_ =	shalt  }
0x6a: {  	_ =	shalt  }
0x6b: {  	_ =	shalt  }
0x6c: {  	_ =	shalt  }
0x6d: {  	_ =	shalt  }
0x6e: {  	_ =	shalt  }
0x6f: {  	_ =	shalt  }
0x70: {  	_ =	shalt  }
0x71: {  	_ =	shalt  }
0x72: {  	_ =	shalt  }
0x73: {  	_ =	shalt  }
0x74: {  	_ =	shalt  }
0x75: {  	_ =	shalt  }
0x76: {  	_ =	shalt  }
0x77: {  	_ =	shalt  }
0x78: {  	_ =	shalt  }
0x79: {  	_ =	shalt  }
0x7a: {  	_ =	shalt  }
0x7b: {  	_ =	shalt  }
0x7c: {  	_ =	shalt  }
0x7d: {  	_ =	shalt  }
0x7e: {  	_ =	shalt  }
0x7f: {  	_ =	shalt  }
0x80: {  	_ =	shalt  }
0x81: {  	_ =	shalt  }
0x82: {  	_ =	shalt  }
0x83: {  	_ =	shalt  }
0x84: {  	_ =	shalt  }
0x85: {  	_ =	shalt  }
0x86: {  	_ =	shalt  }
0x87: {  	_ =	shalt  }
.Lfunc_end0:
.L_simem_size_0:
called_computation_lowered:
.L_overlay_start_0:
0x88: {  	s2 =	sld [smem:$0x3FD9]  }
0x89: {  	s3 =	sld [smem:$0x3FFE];
	_ =	sdelay $0x1  }
0x8a: {  	s1 =	srdreg.scid  }
0x8b: {  	s0 =	sand.u32 $0x1, s1  }
0x8c: {  	s17 =	sshll.u32 s0, $0xA;
	s2 =	sadd.s32 s3, s2  }
0x8d: {  	s2 =	sadd.s32 s2, s17  }
0x8e: {  	[smem:$0x3FC4] =	sst s2  }
0x8f: {  	_ = 	snop  }
0x90: {  	s2 =	sld [smem:$0x3FD0];
	(tm) =	ssettm $0x1  }
0x91: {  	s18 =	sld [smem:$0x3FFB];
	_ =	sdelay $0x3  }
0x92: {  	_ =	strace s18  }
0x93: {  	s3 =	sld [smem:$0x3FFC];
	_ =	sdelay $0x3  }
0x94: {  	_ =	strace s3  }
0x95: {  	s3 =	sld [smem:$0x3FFD];
	_ =	sdelay $0x3  }
0x96: {  	_ =	strace s3  }
0x97: {  	_ =	strace $0x8FFFFFFF  }
0x98: {  	s19 =	sld [smem:$0x3FDB];
	_ =	sdelay $0x1  }
0x99: {  	s4 =	simm.s32 $_scs_section_size  }
0x9a: {  	s5 =	simm.s32 $_size__tile_overlayer_lowered;
	s6 =	simm.s32 $_tile_overlayer_lowered  }
0x9b: {  	s22 =	simm.s32 $0x1BFF;
	s21 =	sshll.u32 s6, $0x1;
	s3 =	sadd.s32 s4, s19  }
0x9c: {  	s7 =	simm.s32 $0x0;
	s20 =	sshll.u32 s5, $0x1;
	s5 =	sadd.s32 s21, s3  }
0x9d: {  	[timem:s7], [sflag:s22] =	dma.local [hbm:s5], s20  }
0x9e: {  	_ =	swait.ge [sflag:s22], s20  }
0x9f: {  	s4 =	ssub.s32 $0x0, s20;
	[sflag:s22] =	ssyncset.done $0x0  }
0xa0: {  	[sflag:s22] =	ssyncadd.s32 s4;
	_ =	sdelay $0x1  }
0xa1: {  	s23 =	simm.s32 $0x1B8B  }
0xa2: {  	_ =	swait.ge [sflag:s23], $0x1  }
0xa3: {  	[sflag:s23] =	ssyncset.done $0x0  }
0xa4: {  	s25 =	simm.s32 $0x1B8E;
	s24 =	sld [smem:$0x3FFE];
	[sflag:s23] =	ssyncadd.s32 $0xFFFFFFFF  }
0xa5: {  	s26 =	simm.s32 $execute0_lowered;
	[smem:$0x3FD2] =	sst s25  }
0xa6: {  	s5 =	sshll.u32 s26, $0x1;
	_ =	strace $0x80000046;
	[dreg:$0x1] =	wrdreg $0xFFFFFFFF  }
0xa7: {  	s28 =	simm.s32 $_size_execute0_lowered;
	s3 =	sadd.s32 s3, s5;
	[dreg:$0x0] =	wrdreg $0x0  }
0xa8: {  	s5 =	sshll.u32 s28, $0x1;
	[dreg:$0x2] =	wrdreg s3  }
0xa9: {  	[dreg:$0x3] =	wrdreg s5  }
0xaa: {  	[dreg:$0x4] =	wrdreg $0xC0  }
0xab: {  	_ =	task [dreg:s7], $0x5FFFF  }
0xac: {  	[dreg:$0x1] =	wrdreg $0xFFFFFFFF  }
0xad: {  	[dreg:$0x0] =	wrdreg $0x60  }
0xae: {  	[dreg:$0x2] =	wrdreg s24  }
0xaf: {  	[dreg:$0x3] =	wrdreg s2  }
0xb0: {  	[dreg:$0x4] =	wrdreg $0x9  }
0xb1: {  	_ =	task.clear_ibuf [dreg:s7], $0x5FFFF;
	_ =	strace $0x90000046  }
0xb2: {  	s29 =	simm.s32 $0x9;
	_ =	strace $0x80000048  }
0xb3: {  	_ =	swait.ge [sflag:s29], $0x1  }
0xb4: {  	[sflag:s29] =	ssyncadd.s32 $0xFFFFFFFF  }
0xb5: {  	_ =	strace $0x90000048  }
0xb6: {  	_ =	sfence  }
0xb7: {  	s30 =	sld [smem:$0x0];
	_ =	sdelay $0x2  }
0xb8: {  	s31 =	sshll.u32 s1, $0xD;
	s1 =	sshrl.u32 s1, $0x2  }
0xb9: {  	s3 =	sand.u32 $0x4000, s31;
	s1 =	sadd.s32 s1, s30  }
0xba: {  	s0 =	sor.u32 s3, s0;
	s1 =	sshll.u32 s1, $0x11  }
0xbb: {  	s0 =	sor.u32 s1, s0  }
0xbc: {  	s0 =	sadd.s32 $0x8F2B, s0  }
0xbd: {  	[sflag:s0] =	ssyncadd.remote.s32 $0x1  }
0xbe: {  	_ =	sfence.sel $0xFFFF  }
0xbf: {  	[dreg:$0x0] =	wrdreg $0xFFFFFFFF;
	(pc) =	sbr.abs _section_cstart, $3  }
0xc0: {  	[dreg:$0x1] =	wrdreg $0xFFFFFFFF  }
0xc1: {  	_ =	task.clear_ibuf [dreg:s7], $0x2FFFF;
	_ =	strace $0x9FFFFFFF  }
0xc2: {  	(tm) =	ssettm $0x7FFFFFFF  }
0xc3: {  	_ =	shalt  }
tec
execute0_lowered:
.L_overlay_start_1:
0x0: {  	(tag) =	ssettag $0x1  }
0x1: {  	s0 =	srdreg.scid;
	s1 =	rddreg [dreg:$0x0]  }
0x2: {  	s2 =	stileid.u32;
	s4 =	rddreg [dreg:$0x1];
	s0 =	sand.u32 $0x1, s0  }
0x3: {  	s7 =	simm.s32 $0x80;
	s2 =	sshll.u32 s2, $0x8;
	s3 =	sshll.u32 s0, $0x7  }
0x4: {  	s17 =	simm.s32 $0x2;
	s15 =	simm.s32 $0x8500;
	s8 =	sor.u32 s3, s2  }
0x5: {  	s0 =	ssub.s32 $0x2, s0;
	s2 =	simm.s32 $0x0;
	s3 =	sshrl.u32 s8, $0x3  }
0x6: {  	[smem:$0x7FF] =	sst s2;
	s6 =	sshll.u32 s8, $0x8;
	s30 =	sor.u32 $0x10, s8  }
0x7: {  	s31 =	sor.u32 $0x20, s8;
	s9 =	sor.u32 $0x30, s8;
	s5 =	sadd.s32 s3, s1  }
0x8: {  	_ =	strace $0x80000047;
	s3 =	sadd.s32 s4, s3;
	[dreg:$0xd] =	wrdreg s7  }
0x9: {  	v10 =	vlaneseq.u32;
	s6 =	sadd.s32 s6, s1;
	s5 =	sadd.s32 $0x2600, s5;
	[dreg:$0x4] =	wrdreg s3  }
0xa: {  	vm0 =	vmmov $0xffff;
	v8 =	vand.u32 $0x7, v10;
	s10 =	sor.u32 $0x40, s8;
	s20 =	sadd.s32 $0x102800, s6;
	[dreg:$0x3] =	wrdreg s5  }
0xb: {  	v9 =	vshrl.u32 v10, $0x3;
	v10 =	vor.u32 $0x8, v10;
	s11 =	sor.u32 $0x50, s8;
	v0 =	vmov s8;
	s21 =	sadd.s32 $0x102A00, s6;
	[dreg:$0x5] =	wrdreg s20  }
0xc: {  	s12 =	sor.u32 $0x60, s8;
	v0 =	vand.u32 $0xFFFFFE00, v0;
	v1 =	vmov s30;
	v2 =	vmov s31;
	s22 =	sadd.s32 $0x102C00, s6;
	[dreg:$0x6] =	wrdreg s21  }
0xd: {  	s13 =	sor.u32 $0x70, s8;
	v3 =	vmov s9;
	v4 =	vmov s10;
	v5 =	vmov s11;
	s23 =	sadd.s32 $0x102E00, s6;
	[dreg:$0x7] =	wrdreg s22  }
0xe: {  	s25 =	sshrl.u32 s0, $0x1;
	v6 =	vmov s12;
	v7 =	vmov s13;
	s24 =	sadd.s32 $0x106800, s6;
	v0 =	vbroadcast v0, $0x0;
	[dreg:$0x8] =	wrdreg s23  }
0xf: {  	s0 =	ssub.s32 s0, s25;
	s26 =	sadd.s32 $0x106A00, s6;
	v1 =	vand.u32 $0xFFFFFE00, v1;
	v2 =	vand.u32 $0xFFFFFE00, v2;
	v3 =	vand.u32 $0xFFFFFE00, v3;
	[dreg:$0x9] =	wrdreg s24  }
0x10: {  	s4 =	sadd.s32 $0x2900, s1;
	s28 =	sadd.s32 $0x106C00, s6;
	v4 =	vand.u32 $0xFFFFFE00, v4;
	v5 =	vand.u32 $0xFFFFFE00, v5;
	[dreg:$0xa] =	wrdreg s26;
	v1 =	vbroadcast v1, $0x0  }
0x11: {  	s3 =	sadd.s32 $0x2800, s1;
	s29 =	sadd.s32 $0x106E00, s6;
	v6 =	vand.u32 $0xFFFFFE00, v6;
	[dreg:$0xb] =	wrdreg s28;
	v2 =	vbroadcast v2, $0x0;
	v3 =	vbroadcast v3, $0x0  }
0x12: {  	s6 =	simm.s32 $0x3;
	v7 =	vand.u32 $0xFFFFFE00, v7;
	s1 =	simm.s32 $0x4000;
	[dreg:$0xc] =	wrdreg s29;
	v4 =	vbroadcast v4, $0x0;
	v5 =	vbroadcast v5, $0x0  }
0x13: {  	v9 =	vmul.u32 $0x8, v9;
	s5 =	smax.u32 s0, $0x1;
	v6 =	vbroadcast v6, $0x0;
	v7 =	vbroadcast v7, $0x0;
	s22 =	simm.s32 $0x1;
	s23 =	simm.s32 $0x500  }
.LBB2_1:
0x14: {  	s18 =	rddreg [dreg:$0x3]  }
0x15: {  	[tilespmem:s2], [sflag:$0x3] =	stream.linear.gather [hbm4b:s18+s2], $0x80, $0x38;
	[tilespmem:$0x10500] =	vst v63  }
0x16: {  	_ =	swait.ge [sflag:s6], $0x80  }
0x17: {  	s30 =	rddreg [dreg:$0x4];
	[sflag:s6] =	ssyncset.done $0x0  }
0x18: {  	s19 =	rddreg [dreg:$0xd];
	[sflag:s6] =	ssyncadd.s32 $0xFFFFFF80  }
0x19: {  	[tilespmem:s19], [sflag:$0x3] =	stream.linear.gather [hbm4b:s30+s2], $0x80, $0x38;
	[tilespmem:$0x10500] =	vst v63  }
0x1a: {  	_ =	swait.ge [sflag:s6], $0x80  }
0x1b: {  	[sflag:s6] =	ssyncset.done $0x0  }
0x1c: {  	[sflag:s6] =	ssyncadd.s32 $0xFFFFFF80  }
0x1d: {  	v11 =	vld [tilespmem:$0x80]  }
0x1e: {  	v12 =	vld [tilespmem:$0x0]  }
0x1f: {  	v14 =	vld [tilespmem:$0x10]  }
0x20: {  	v16 =	vld [tilespmem:$0x90]  }
0x21: {  	v18 =	vld [tilespmem:$0x20]  }
0x22: {  	v20 =	vld [tilespmem:$0xA0]  }
0x23: {  	v23 =	vld [tilespmem:$0xB0]  }
0x24: {  	v24 =	vld [tilespmem:$0x30]  }
0x25: {  	v61 =	vld [tilespmem:$0x40]  }
0x26: {  	v25 =	vld [tilespmem:$0xC0]  }
0x27: {  	v31 =	vld [tilespmem:$0xD0];
	v13 =	vadd.s32 v0, v11;
	v11 =	vadd.s32 $0x1, v11;
	v15 =	vadd.s32 $0xFFFFFFFF, v12  }
0x28: {  	v35 =	vld [tilespmem:$0x50];
	v12 =	vadd.s32 v0, v12;
	v17 =	vadd.s32 $0xFFFFFFFF, v14;
	v19 =	vadd.s32 v1, v16  }
0x29: {  	v44 =	vld [tilespmem:$0x60];
	v16 =	vadd.s32 $0x1, v16;
	v14 =	vadd.s32 v1, v14;
	v21 =	vadd.s32 $0xFFFFFFFF, v18  }
0x2a: {  	v22 =	vadd.s32 $0x1, v20;
	v20 =	vadd.s32 v2, v20;
	v18 =	vadd.s32 v2, v18  }
0x2b: {  	v59 =	vadd.s32 v3, v23;
	v60 =	vadd.s32 $0x1, v23;
	v63 =	vadd.s32 $0xFFFFFFFF, v24  }
0x2c: {  	v30 =	vadd.s32 $0xFFFFFFFF, v61;
	v32 =	vadd.s32 v4, v25;
	v33 =	vadd.s32 $0x1, v25  }
0x2d: {  	v49 =	vld [tilespmem:$0xE0];
	v34 =	vadd.s32 v4, v61;
	v43 =	vadd.s32 v5, v31;
	v47 =	vadd.s32 $0x1, v31  }
0x2e: {  	v48 =	vadd.s32 $0xFFFFFFFF, v35;
	v53 =	vadd.s32 $0xFFFFFFFF, v44;
	v13 =	vshll.u32 v13, $0x1  }
0x2f: {  	vm1 =	vlt.s32 v11, $0x1FF;
	v12 =	vshll.u32 v12, $0x1;
	v19 =	vshll.u32 v19, $0x1  }
0x30: {  	v14 =	vshll.u32 v14, $0x1;
	v20 =	vshll.u32 v20, $0x1;
	v18 =	vshll.u32 v18, $0x1  }
0x31: {  	v62 =	vshll.u32 v59, $0x1;
	v36 =	vshll.u32 v32, $0x1;
	v37 =	vshll.u32 v34, $0x1  }
0x32: {  	v46 =	vshll.u32 v43, $0x1;
	v59 =	vadd.s32 $0x1, v49;
	v11 =	vnsel vm1, $0x1FF, v11  }
0x33: {  	vm1 =	vgt.s32 v15, $0x0;
	v12 =	vor.u32 $0x1, v12;
	v14 =	vor.u32 $0x1, v14  }
0x34: {  	v55 =	vor.u32 $0x1, v18;
	[tilespmem:$0x120] =	vst v20;
	v20 =	vadd.s32 v6, v44;
	v15 =	vnsel vm1, $0x0, v15  }
0x35: {  	v11 =	vadd.s32 v0, v11;
	vm1 =	vgt.s32 v17, $0x0;
	v15 =	vadd.s32 v0, v15  }
0x36: {  	[tilespmem:$0x100] =	vst v13;
	v11 =	vshll.u32 v11, $0x1;
	v17 =	vnsel vm1, $0x0, v17;
	vm1 =	vlt.s32 v16, $0x1FF  }
0x37: {  	v54 =	vld [tilespmem:$0x100];
	v15 =	vshll.u32 v15, $0x1;
	v11 =	vor.u32 $0x1, v11;
	v16 =	vnsel vm1, $0x1FF, v16  }
0x38: {  	[tilespmem:$0x220] =	vst v55;
	v55 =	vld [tilespmem:$0x70];
	v17 =	vadd.s32 v1, v17;
	vm1 =	vgt.s32 v21, $0x0;
	v16 =	vadd.s32 v1, v16  }
0x39: {  	[tilespmem:$0x110] =	vst v19;
	v17 =	vshll.u32 v17, $0x1;
	v21 =	vnsel vm1, $0x0, v21;
	vm1 =	vlt.s32 v22, $0x1FF  }
0x3a: {  	[tilespmem:$0x400] =	vst v11;
	v11 =	vadd.s32 v3, v24;
	v16 =	vshll.u32 v16, $0x1;
	v22 =	vnsel vm1, $0x1FF, v22  }
0x3b: {  	[tilespmem:$0x130] =	vst v62;
	v21 =	vadd.s32 v2, v21;
	vm1 =	vlt.s32 v60, $0x1FF;
	v11 =	vshll.u32 v11, $0x1  }
0x3c: {  	[tilespmem:$0x180] =	vst v36;
	v16 =	vor.u32 $0x1, v16;
	v22 =	vadd.s32 v2, v22;
	v56 =	vshll.u32 v21, $0x1  }
0x3d: {  	v11 =	vor.u32 $0x1, v11;
	v61 =	vshll.u32 v54, $0x2;
	v62 =	vadd.s32 $0xFFFFFFFF, v55;
	[tilespmem:$0x410] =	vst v16  }
0x3e: {  	v57 =	vshll.u32 v22, $0x1;
	v22 =	vnsel vm1, $0x1FF, v60;
	vm1 =	vgt.s32 v63, $0x0;
	[tilespmem:$0x320] =	vst v56  }
0x3f: {  	v16 =	vor.u32 $0x1, v37;
	[tilespmem:$0x230] =	vst v11;
	v11 =	vadd.s32 v5, v35;
	v56 =	vadd.s32 v6, v49  }
0x40: {  	[tilespmem:$0x190] =	vst v46;
	v18 =	vand.u32 $0xFFFFFFE0, v61;
	v58 =	vor.u32 $0x1, v57;
	v24 =	vnsel vm1, $0x0, v63  }
0x41: {  	[tilespmem:$0x200] =	vst v12;
	v26 =	vadd.s32 v3, v22;
	vm1 =	vgt.s32 v30, $0x0;
	v11 =	vshll.u32 v11, $0x1  }
0x42: {  	[tilespmem:$0x280] =	vst v16;
	v12 =	vshll.u32 v56, $0x1;
	v16 =	vadd.s32 v7, v55;
	v27 =	vadd.s32 v3, v24  }
0x43: {  	[tilespmem:$0x210] =	vst v14;
	v28 =	vshll.u32 v26, $0x1;
	v19 =	vnsel vm1, $0x0, v30;
	vm1 =	vlt.s32 v33, $0x1FF  }
0x44: {  	[tilespmem:$0x420] =	vst v58;
	v11 =	vor.u32 $0x1, v11;
	v58 =	vshll.u32 v20, $0x1;
	v14 =	vshll.u32 v27, $0x1  }
0x45: {  	[tilespmem:$0x300] =	vst v15;
	v29 =	vor.u32 $0x1, v28;
	v38 =	vnsel vm1, $0x1FF, v33;
	v39 =	vadd.s32 v4, v19  }
0x46: {  	[tilespmem:$0x310] =	vst v17;
	vm1 =	vlt.s32 v47, $0x1FF;
	v15 =	vor.u32 $0x1, v58;
	v19 =	vand.u32 $0x7, v54  }
0x47: {  	v57 =	vld [tilespmem:$0xF0];
	[tilespmem:$0x1A0] =	vst v12;
	v27 =	vshll.u32 v16, $0x1;
	v40 =	vadd.s32 v4, v38;
	v41 =	vshll.u32 v39, $0x1  }
0x48: {  	[tilespmem:$0x290] =	vst v11;
	v50 =	vnsel vm1, $0x1FF, v47;
	vm1 =	vgt.s32 v48, $0x0;
	v63 =	vor.u32 v19, v18  }
0x49: {  	[tilespmem:$0x330] =	vst v14;
	v42 =	vshll.u32 v40, $0x1;
	v51 =	vnsel vm1, $0x0, v48;
	v14 =	vadd.s32 v5, v50  }
0x4a: {  	[tilespmem:$0x430] =	vst v29;
	vm1 =	vgt.s32 v53, $0x0;
	v25 =	vperm.xlane v63, v8;
	v45 =	vor.u32 $0x1, v42  }
0x4b: {  	[tilespmem:$0x2A0] =	vst v15;
	v52 =	vadd.s32 v5, v51;
	v14 =	vshll.u32 v14, $0x1;
	v17 =	vnsel vm1, $0x0, v53  }
0x4c: {  	[tilespmem:$0x380] =	vst v41;
	vm1 =	vlt.s32 v59, $0x1FF;
	v22 =	vadd.s32 $0x1, v57;
	v13 =	vshll.u32 v52, $0x1  }
0x4d: {  	v14 =	vor.u32 $0x1, v14;
	[tilespmem:$0x480] =	vst v45;
	v17 =	vadd.s32 v6, v17;
	v60 =	vnsel vm1, $0x1FF, v59  }
0x4e: {  	vm1 =	vgt.s32 v62, $0x0;
	v11 =	vshll.u32 v17, $0x1;
	[tilespmem:$0x390] =	vst v13;
	v23 =	vadd.s32 v6, v60  }
0x4f: {  	[tilespmem:$0x490] =	vst v14;
	v13 =	vnsel vm1, $0x0, v62;
	vm1 =	vlt.s32 v22, $0x1FF;
	v12 =	vshll.u32 v23, $0x1  }
0x50: {  	v26 =	vadd.s32 v7, v57;
	v24 =	vnsel vm1, $0x1FF, v22;
	[tilespmem:$0x3A0] =	vst v11;
	v11 =	vor.u32 $0x1, v12  }
0x51: {  	v28 =	vadd.s32 v9, v25;
	v30 =	vadd.s32 v7, v24;
	[tilespmem:$0x4A0] =	vst v11;
	v11 =	vshll.u32 v26, $0x1  }
0x52: {  	v31 =	vshll.u32 v30, $0x1;
	[tilespmem:$0x1B0] =	vst v11;
	v11 =	vor.u32 $0x1, v27  }
0x53: {  	v32 =	vperm.xlane v63, v10;
	v29 =	vadd.s32 v7, v13;
	v12 =	vor.u32 $0x1, v31;
	[tilespmem:$0x2B0] =	vst v11  }
0x54: {  	v11 =	vshll.u32 v29, $0x1;
	[tilespmem:$0x4B0] =	vst v12  }
0x55: {  	[tilespmem:$0x3B0] =	vst v11;
	v11 =	vadd.s32 v9, v32  }
0x56: {  	[tilespmem:s23], [sflag:$0x1] =	stream.indirect_vreg.gather [hbm4b:s3+s2], $0x80, v28, vm0, $0xb8;
	[tilespmem:$0x10500] =	vst v63  }
0x57: {  	s0 =	simm.s32 $0xD00  }
0x58: {  	[tilespmem:s0], [sflag:$0x1] =	stream.indirect_vreg.gather [hbm4b:s4+s2], $0x80, v28, vm0, $0xb8;
	[tilespmem:$0x10500] =	vst v63  }
0x59: {  	s31 =	simm.s32 $0x1500  }
0x5a: {  	[tilespmem:s31], [sflag:$0x1] =	stream.indirect_vreg.gather [hbm4b:s3+s2], $0x80, v11, vm0, $0xb8;
	[tilespmem:$0x10500] =	vst v63  }
0x5b: {  	s7 =	simm.s32 $0x1D00  }
0x5c: {  	[tilespmem:s7], [sflag:$0x1] =	stream.indirect_vreg.gather [hbm4b:s4+s2], $0x80, v11, vm0, $0xb8;
	[tilespmem:$0x10500] =	vst v63  }
0x5d: {  	v11 =	vld [tilespmem:$0x110];
	_ =	sdelay $0x4  }
0x5e: {  	v33 =	vshll.u32 v11, $0x2  }
0x5f: {  	v11 =	vand.u32 $0x7, v11;
	v12 =	vand.u32 $0xFFFFFFE0, v33  }
0x60: {  	v11 =	vor.u32 v11, v12  }
0x61: {  	v12 =	vperm.xlane v11, v8;
	_ =	sdelay $0x1  }
0x62: {  	v12 =	vadd.s32 v9, v12;
	_ =	sdelay $0x1  }
0x63: {  	v11 =	vperm.xlane v11, v10;
	_ =	sdelay $0x1  }
0x64: {  	s8 =	simm.s32 $0x2500;
	v11 =	vadd.s32 v9, v11  }
0x65: {  	[tilespmem:s8], [sflag:$0x1] =	stream.indirect_vreg.gather [hbm4b:s3+s2], $0x80, v12, vm0, $0xb8;
	[tilespmem:$0x10500] =	vst v63  }
0x66: {  	s9 =	simm.s32 $0x2D00  }
0x67: {  	[tilespmem:s9], [sflag:$0x1] =	stream.indirect_vreg.gather [hbm4b:s4+s2], $0x80, v12, vm0, $0xb8;
	[tilespmem:$0x10500] =	vst v63  }
0x68: {  	s10 =	simm.s32 $0x3500  }
0x69: {  	[tilespmem:s10], [sflag:$0x1] =	stream.indirect_vreg.gather [hbm4b:s3+s2], $0x80, v11, vm0, $0xb8;
	[tilespmem:$0x10500] =	vst v63  }
0x6a: {  	s12 =	simm.s32 $0x3D00  }
0x6b: {  	[tilespmem:s12], [sflag:$0x1] =	stream.indirect_vreg.gather [hbm4b:s4+s2], $0x80, v11, vm0, $0xb8;
	[tilespmem:$0x10500] =	vst v63  }
0x6c: {  	v11 =	vld [tilespmem:$0x120];
	_ =	sdelay $0x4  }
0x6d: {  	v34 =	vshll.u32 v11, $0x2  }
0x6e: {  	v11 =	vand.u32 $0x7, v11;
	v12 =	vand.u32 $0xFFFFFFE0, v34  }
0x6f: {  	v11 =	vor.u32 v11, v12  }
0x70: {  	v12 =	vperm.xlane v11, v8;
	_ =	sdelay $0x1  }
0x71: {  	v12 =	vadd.s32 v9, v12;
	_ =	sdelay $0x1  }
0x72: {  	v11 =	vperm.xlane v11, v10;
	_ =	sdelay $0x1  }
0x73: {  	s14 =	simm.s32 $0x4500;
	v11 =	vadd.s32 v9, v11  }
0x74: {  	[tilespmem:s14], [sflag:$0x1] =	stream.indirect_vreg.gather [hbm4b:s3+s2], $0x80, v12, vm0, $0xb8;
	[tilespmem:$0x10500] =	vst v63  }
0x75: {  	s16 =	simm.s32 $0x4D00  }
0x76: {  	[tilespmem:s16], [sflag:$0x1] =	stream.indirect_vreg.gather [hbm4b:s4+s2], $0x80, v12, vm0, $0xb8;
	[tilespmem:$0x10500] =	vst v63  }
0x77: {  	s18 =	simm.s32 $0x5500  }
0x78: {  	[tilespmem:s18], [sflag:$0x1] =	stream.indirect_vreg.gather [hbm4b:s3+s2], $0x80, v11, vm0, $0xb8;
	[tilespmem:$0x10500] =	vst v63  }
0x79: {  	s19 =	simm.s32 $0x5D00  }
0x7a: {  	[tilespmem:s19], [sflag:$0x1] =	stream.indirect_vreg.gather [hbm4b:s4+s2], $0x80, v11, vm0, $0xb8;
	[tilespmem:$0x10500] =	vst v63  }
0x7b: {  	v11 =	vld [tilespmem:$0x130];
	_ =	sdelay $0x4  }
0x7c: {  	v35 =	vshll.u32 v11, $0x2  }
0x7d: {  	v11 =	vand.u32 $0x7, v11;
	v12 =	vand.u32 $0xFFFFFFE0, v35  }
0x7e: {  	v11 =	vor.u32 v11, v12  }
0x7f: {  	v12 =	vperm.xlane v11, v8;
	_ =	sdelay $0x1  }
0x80: {  	v12 =	vadd.s32 v9, v12;
	_ =	sdelay $0x1  }
0x81: {  	v11 =	vperm.xlane v11, v10;
	_ =	sdelay $0x1  }
0x82: {  	s31 =	simm.s32 $0x6500;
	v11 =	vadd.s32 v9, v11  }
0x83: {  	[tilespmem:s31], [sflag:$0x1] =	stream.indirect_vreg.gather [hbm4b:s3+s2], $0x80, v12, vm0, $0xb8;
	[tilespmem:$0x10500] =	vst v63  }
0x84: {  	s7 =	simm.s32 $0x6D00  }
0x85: {  	[tilespmem:s7], [sflag:$0x1] =	stream.indirect_vreg.gather [hbm4b:s4+s2], $0x80, v12, vm0, $0xb8;
	[tilespmem:$0x10500] =	vst v63  }
0x86: {  	s8 =	simm.s32 $0x7500  }
0x87: {  	[tilespmem:s8], [sflag:$0x1] =	stream.indirect_vreg.gather [hbm4b:s3+s2], $0x80, v11, vm0, $0xb8;
	[tilespmem:$0x10500] =	vst v63  }
0x88: {  	s9 =	simm.s32 $0x7D00  }
0x89: {  	[tilespmem:s9], [sflag:$0x1] =	stream.indirect_vreg.gather [hbm4b:s4+s2], $0x80, v11, vm0, $0xb8;
	[tilespmem:$0x10500] =	vst v63  }
0x8a: {  	v11 =	vld [tilespmem:$0x200];
	_ =	sdelay $0x4  }
0x8b: {  	v36 =	vshll.u32 v11, $0x2  }
0x8c: {  	v11 =	vand.u32 $0x7, v11;
	v12 =	vand.u32 $0xFFFFFFE0, v36  }
0x8d: {  	v11 =	vor.u32 v11, v12  }
0x8e: {  	v12 =	vperm.xlane v11, v8;
	_ =	sdelay $0x1  }
0x8f: {  	v12 =	vadd.s32 v9, v12;
	_ =	sdelay $0x1  }
0x90: {  	v11 =	vperm.xlane v11, v10;
	_ =	sdelay $0x1  }
0x91: {  	v11 =	vadd.s32 v9, v11  }
0x92: {  	[tilespmem:s15], [sflag:$0x2] =	stream.indirect_vreg.gather [hbm4b:s3+s2], $0x80, v12, vm0, $0xb8;
	[tilespmem:$0x10500] =	vst v63  }
0x93: {  	s10 =	simm.s32 $0x8D00  }
0x94: {  	[tilespmem:s10], [sflag:$0x2] =	stream.indirect_vreg.gather [hbm4b:s4+s2], $0x80, v12, vm0, $0xb8;
	[tilespmem:$0x10500] =	vst v63  }
0x95: {  	s12 =	simm.s32 $0x9500  }
0x96: {  	[tilespmem:s12], [sflag:$0x2] =	stream.indirect_vreg.gather [hbm4b:s3+s2], $0x80, v11, vm0, $0xb8;
	[tilespmem:$0x10500] =	vst v63  }
0x97: {  	s18 =	simm.s32 $0x9D00  }
0x98: {  	[tilespmem:s18], [sflag:$0x2] =	stream.indirect_vreg.gather [hbm4b:s4+s2], $0x80, v11, vm0, $0xb8;
	[tilespmem:$0x10500] =	vst v63  }
0x99: {  	v11 =	vld [tilespmem:$0x210];
	_ =	sdelay $0x4  }
0x9a: {  	v37 =	vshll.u32 v11, $0x2  }
0x9b: {  	v11 =	vand.u32 $0x7, v11;
	v12 =	vand.u32 $0xFFFFFFE0, v37  }
0x9c: {  	v11 =	vor.u32 v11, v12  }
0x9d: {  	v12 =	vperm.xlane v11, v8;
	_ =	sdelay $0x1  }
0x9e: {  	v12 =	vadd.s32 v9, v12;
	_ =	sdelay $0x1  }
0x9f: {  	v11 =	vperm.xlane v11, v10;
	_ =	sdelay $0x1  }
0xa0: {  	s19 =	simm.s32 $0xA500;
	v11 =	vadd.s32 v9, v11  }
0xa1: {  	[tilespmem:s19], [sflag:$0x2] =	stream.indirect_vreg.gather [hbm4b:s3+s2], $0x80, v12, vm0, $0xb8;
	[tilespmem:$0x10500] =	vst v63  }
0xa2: {  	s31 =	simm.s32 $0xAD00  }
0xa3: {  	[tilespmem:s31], [sflag:$0x2] =	stream.indirect_vreg.gather [hbm4b:s4+s2], $0x80, v12, vm0, $0xb8;
	[tilespmem:$0x10500] =	vst v63  }
0xa4: {  	s9 =	simm.s32 $0xB500  }
0xa5: {  	[tilespmem:s9], [sflag:$0x2] =	stream.indirect_vreg.gather [hbm4b:s3+s2], $0x80, v11, vm0, $0xb8;
	[tilespmem:$0x10500] =	vst v63  }
0xa6: {  	s12 =	simm.s32 $0xBD00  }
0xa7: {  	[tilespmem:s12], [sflag:$0x2] =	stream.indirect_vreg.gather [hbm4b:s4+s2], $0x80, v11, vm0, $0xb8;
	[tilespmem:$0x10500] =	vst v63  }
0xa8: {  	v11 =	vld [tilespmem:$0x220];
	_ =	sdelay $0x4  }
0xa9: {  	v38 =	vshll.u32 v11, $0x2  }
0xaa: {  	v11 =	vand.u32 $0x7, v11;
	v12 =	vand.u32 $0xFFFFFFE0, v38  }
0xab: {  	v11 =	vor.u32 v11, v12  }
0xac: {  	v12 =	vperm.xlane v11, v8;
	_ =	sdelay $0x1  }
0xad: {  	v12 =	vadd.s32 v9, v12;
	_ =	sdelay $0x1  }
0xae: {  	v11 =	vperm.xlane v11, v10;
	_ =	sdelay $0x1  }
0xaf: {  	s18 =	simm.s32 $0xC500;
	v11 =	vadd.s32 v9, v11  }
0xb0: {  	[tilespmem:s18], [sflag:$0x2] =	stream.indirect_vreg.gather [hbm4b:s3+s2], $0x80, v12, vm0, $0xb8;
	[tilespmem:$0x10500] =	vst v63  }
0xb1: {  	s19 =	simm.s32 $0xCD00  }
0xb2: {  	[tilespmem:s19], [sflag:$0x2] =	stream.indirect_vreg.gather [hbm4b:s4+s2], $0x80, v12, vm0, $0xb8;
	[tilespmem:$0x10500] =	vst v63  }
0xb3: {  	s31 =	simm.s32 $0xD500  }
0xb4: {  	[tilespmem:s31], [sflag:$0x2] =	stream.indirect_vreg.gather [hbm4b:s3+s2], $0x80, v11, vm0, $0xb8;
	[tilespmem:$0x10500] =	vst v63  }
0xb5: {  	s18 =	simm.s32 $0xDD00  }
0xb6: {  	[tilespmem:s18], [sflag:$0x2] =	stream.indirect_vreg.gather [hbm4b:s4+s2], $0x80, v11, vm0, $0xb8;
	[tilespmem:$0x10500] =	vst v63  }
0xb7: {  	v11 =	vld [tilespmem:$0x230];
	_ =	sdelay $0x4  }
0xb8: {  	v39 =	vshll.u32 v11, $0x2  }
0xb9: {  	v11 =	vand.u32 $0x7, v11;
	v12 =	vand.u32 $0xFFFFFFE0, v39  }
0xba: {  	v11 =	vor.u32 v11, v12  }
0xbb: {  	v12 =	vperm.xlane v11, v8;
	_ =	sdelay $0x1  }
0xbc: {  	v12 =	vadd.s32 v9, v12;
	_ =	sdelay $0x1  }
0xbd: {  	v11 =	vperm.xlane v11, v10;
	_ =	sdelay $0x1  }
0xbe: {  	s19 =	simm.s32 $0xE500;
	v11 =	vadd.s32 v9, v11  }
0xbf: {  	[tilespmem:s19], [sflag:$0x2] =	stream.indirect_vreg.gather [hbm4b:s3+s2], $0x80, v12, vm0, $0xb8;
	[tilespmem:$0x10500] =	vst v63  }
0xc0: {  	s31 =	simm.s32 $0xED00  }
0xc1: {  	[tilespmem:s31], [sflag:$0x2] =	stream.indirect_vreg.gather [hbm4b:s4+s2], $0x80, v12, vm0, $0xb8;
	[tilespmem:$0x10500] =	vst v63  }
0xc2: {  	s18 =	simm.s32 $0xF500  }
0xc3: {  	[tilespmem:s18], [sflag:$0x2] =	stream.indirect_vreg.gather [hbm4b:s3+s2], $0x80, v11, vm0, $0xb8;
	[tilespmem:$0x10500] =	vst v63  }
0xc4: {  	s19 =	simm.s32 $0xFD00  }
0xc5: {  	[tilespmem:s19], [sflag:$0x2] =	stream.indirect_vreg.gather [hbm4b:s4+s2], $0x80, v11, vm0, $0xb8;
	[tilespmem:$0x10500] =	vst v63  }
0xc6: {  	_ =	swait.ge [sflag:s22], $0x8000  }
0xc7: {  	[sflag:s22] =	ssyncset.done $0x0  }
0xc8: {  	s0 =	simm.s32 $0x1000;
	s31 =	rddreg [dreg:$0x5];
	[sflag:s22] =	ssyncadd.s32 $0xFFFF8000  }
0xc9: {  	[hbm4b:s31+s0] =	stream.strided.scatter [tilespmem:s23], [sflag:$0x3], $0x8000, s1, s0, $0x38;
	[tilespmem:$0x10500] =	vst v63  }
0xca: {  	_ =	swait.ge [sflag:s6], $0x8000  }
0xcb: {  	[sflag:s6] =	ssyncset.done $0x0  }
0xcc: {  	[sflag:s6] =	ssyncadd.s32 $0xFFFF8000  }
0xcd: {  	v11 =	vld [tilespmem:$0x300];
	_ =	sdelay $0x4  }
0xce: {  	v40 =	vshll.u32 v11, $0x2  }
0xcf: {  	v11 =	vand.u32 $0x7, v11;
	v12 =	vand.u32 $0xFFFFFFE0, v40  }
0xd0: {  	v11 =	vor.u32 v11, v12  }
0xd1: {  	v12 =	vperm.xlane v11, v8;
	_ =	sdelay $0x1  }
0xd2: {  	v12 =	vadd.s32 v9, v12;
	_ =	sdelay $0x1  }
0xd3: {  	v11 =	vperm.xlane v11, v10;
	_ =	sdelay $0x1  }
0xd4: {  	v11 =	vadd.s32 v9, v11  }
0xd5: {  	[tilespmem:s23], [sflag:$0x1] =	stream.indirect_vreg.gather [hbm4b:s3+s2], $0x80, v12, vm0, $0xb8;
	[tilespmem:$0x10500] =	vst v63  }
0xd6: {  	s11 =	simm.s32 $0xD00  }
0xd7: {  	[tilespmem:s11], [sflag:$0x1] =	stream.indirect_vreg.gather [hbm4b:s4+s2], $0x80, v12, vm0, $0xb8;
	[tilespmem:$0x10500] =	vst v63  }
0xd8: {  	s13 =	simm.s32 $0x1500  }
0xd9: {  	[tilespmem:s13], [sflag:$0x1] =	stream.indirect_vreg.gather [hbm4b:s3+s2], $0x80, v11, vm0, $0xb8;
	[tilespmem:$0x10500] =	vst v63  }
0xda: {  	s21 =	simm.s32 $0x1D00  }
0xdb: {  	[tilespmem:s21], [sflag:$0x1] =	stream.indirect_vreg.gather [hbm4b:s4+s2], $0x80, v11, vm0, $0xb8;
	[tilespmem:$0x10500] =	vst v63  }
0xdc: {  	v11 =	vld [tilespmem:$0x310];
	_ =	sdelay $0x4  }
0xdd: {  	v41 =	vshll.u32 v11, $0x2  }
0xde: {  	v11 =	vand.u32 $0x7, v11;
	v12 =	vand.u32 $0xFFFFFFE0, v41  }
0xdf: {  	v11 =	vor.u32 v11, v12  }
0xe0: {  	v12 =	vperm.xlane v11, v8;
	_ =	sdelay $0x1  }
0xe1: {  	v12 =	vadd.s32 v9, v12;
	_ =	sdelay $0x1  }
0xe2: {  	v11 =	vperm.xlane v11, v10;
	_ =	sdelay $0x1  }
0xe3: {  	s20 =	simm.s32 $0x2500;
	v11 =	vadd.s32 v9, v11  }
0xe4: {  	[tilespmem:s20], [sflag:$0x1] =	stream.indirect_vreg.gather [hbm4b:s3+s2], $0x80, v12, vm0, $0xb8;
	[tilespmem:$0x10500] =	vst v63  }
0xe5: {  	s24 =	simm.s32 $0x2D00  }
0xe6: {  	[tilespmem:s24], [sflag:$0x1] =	stream.indirect_vreg.gather [hbm4b:s4+s2], $0x80, v12, vm0, $0xb8;
	[tilespmem:$0x10500] =	vst v63  }
0xe7: {  	s25 =	simm.s32 $0x3500  }
0xe8: {  	[tilespmem:s25], [sflag:$0x1] =	stream.indirect_vreg.gather [hbm4b:s3+s2], $0x80, v11, vm0, $0xb8;
	[tilespmem:$0x10500] =	vst v63  }
0xe9: {  	s26 =	simm.s32 $0x3D00  }
0xea: {  	[tilespmem:s26], [sflag:$0x1] =	stream.indirect_vreg.gather [hbm4b:s4+s2], $0x80, v11, vm0, $0xb8;
	[tilespmem:$0x10500] =	vst v63  }
0xeb: {  	v11 =	vld [tilespmem:$0x320];
	_ =	sdelay $0x4  }
0xec: {  	v42 =	vshll.u32 v11, $0x2  }
0xed: {  	v11 =	vand.u32 $0x7, v11;
	v12 =	vand.u32 $0xFFFFFFE0, v42  }
0xee: {  	v11 =	vor.u32 v11, v12  }
0xef: {  	v12 =	vperm.xlane v11, v8;
	_ =	sdelay $0x1  }
0xf0: {  	v12 =	vadd.s32 v9, v12;
	_ =	sdelay $0x1  }
0xf1: {  	v11 =	vperm.xlane v11, v10;
	_ =	sdelay $0x1  }
0xf2: {  	s28 =	simm.s32 $0x4500;
	v11 =	vadd.s32 v9, v11  }
0xf3: {  	[tilespmem:s28], [sflag:$0x1] =	stream.indirect_vreg.gather [hbm4b:s3+s2], $0x80, v12, vm0, $0xb8;
	[tilespmem:$0x10500] =	vst v63  }
0xf4: {  	s29 =	simm.s32 $0x4D00  }
0xf5: {  	[tilespmem:s29], [sflag:$0x1] =	stream.indirect_vreg.gather [hbm4b:s4+s2], $0x80, v12, vm0, $0xb8;
	[tilespmem:$0x10500] =	vst v63  }
0xf6: {  	s30 =	simm.s32 $0x5500  }
0xf7: {  	[tilespmem:s30], [sflag:$0x1] =	stream.indirect_vreg.gather [hbm4b:s3+s2], $0x80, v11, vm0, $0xb8;
	[tilespmem:$0x10500] =	vst v63  }
0xf8: {  	s30 =	simm.s32 $0x5D00  }
0xf9: {  	[tilespmem:s30], [sflag:$0x1] =	stream.indirect_vreg.gather [hbm4b:s4+s2], $0x80, v11, vm0, $0xb8;
	[tilespmem:$0x10500] =	vst v63  }
0xfa: {  	v11 =	vld [tilespmem:$0x330];
	_ =	sdelay $0x4  }
0xfb: {  	v43 =	vshll.u32 v11, $0x2  }
0xfc: {  	v11 =	vand.u32 $0x7, v11;
	v12 =	vand.u32 $0xFFFFFFE0, v43  }
0xfd: {  	v11 =	vor.u32 v11, v12  }
0xfe: {  	v12 =	vperm.xlane v11, v8;
	_ =	sdelay $0x1  }
0xff: {  	v12 =	vadd.s32 v9, v12;
	_ =	sdelay $0x1  }
0x100: {  	v11 =	vperm.xlane v11, v10;
	_ =	sdelay $0x1  }
0x101: {  	s14 =	simm.s32 $0x6500;
	v11 =	vadd.s32 v9, v11  }
0x102: {  	[tilespmem:s14], [sflag:$0x1] =	stream.indirect_vreg.gather [hbm4b:s3+s2], $0x80, v12, vm0, $0xb8;
	[tilespmem:$0x10500] =	vst v63  }
0x103: {  	s16 =	simm.s32 $0x6D00  }
0x104: {  	[tilespmem:s16], [sflag:$0x1] =	stream.indirect_vreg.gather [hbm4b:s4+s2], $0x80, v12, vm0, $0xb8;
	[tilespmem:$0x10500] =	vst v63  }
0x105: {  	s20 =	simm.s32 $0x7500  }
0x106: {  	[tilespmem:s20], [sflag:$0x1] =	stream.indirect_vreg.gather [hbm4b:s3+s2], $0x80, v11, vm0, $0xb8;
	[tilespmem:$0x10500] =	vst v63  }
0x107: {  	s21 =	simm.s32 $0x7D00  }
0x108: {  	[tilespmem:s21], [sflag:$0x1] =	stream.indirect_vreg.gather [hbm4b:s4+s2], $0x80, v11, vm0, $0xb8;
	[tilespmem:$0x10500] =	vst v63  }
0x109: {  	_ =	swait.ge [sflag:s17], $0x8000  }
0x10a: {  	[sflag:s17] =	ssyncset.done $0x0  }
0x10b: {  	s16 =	rddreg [dreg:$0x6];
	[sflag:s17] =	ssyncadd.s32 $0xFFFF8000  }
0x10c: {  	[hbm4b:s16+s0] =	stream.strided.scatter [tilespmem:s15], [sflag:$0x3], $0x8000, s1, s0, $0x38;
	[tilespmem:$0x10500] =	vst v63  }
0x10d: {  	_ =	swait.ge [sflag:s6], $0x8000  }
0x10e: {  	[sflag:s6] =	ssyncset.done $0x0  }
0x10f: {  	[sflag:s6] =	ssyncadd.s32 $0xFFFF8000  }
0x110: {  	v11 =	vld [tilespmem:$0x400];
	_ =	sdelay $0x4  }
0x111: {  	v44 =	vshll.u32 v11, $0x2  }
0x112: {  	v11 =	vand.u32 $0x7, v11;
	v12 =	vand.u32 $0xFFFFFFE0, v44  }
0x113: {  	v11 =	vor.u32 v11, v12  }
0x114: {  	v12 =	vperm.xlane v11, v8;
	_ =	sdelay $0x1  }
0x115: {  	v12 =	vadd.s32 v9, v12;
	_ =	sdelay $0x1  }
0x116: {  	v11 =	vperm.xlane v11, v10;
	_ =	sdelay $0x1  }
0x117: {  	v11 =	vadd.s32 v9, v11  }
0x118: {  	[tilespmem:s15], [sflag:$0x2] =	stream.indirect_vreg.gather [hbm4b:s3+s2], $0x80, v12, vm0, $0xb8;
	[tilespmem:$0x10500] =	vst v63  }
0x119: {  	s14 =	simm.s32 $0x8D00  }
0x11a: {  	[tilespmem:s14], [sflag:$0x2] =	stream.indirect_vreg.gather [hbm4b:s4+s2], $0x80, v12, vm0, $0xb8;
	[tilespmem:$0x10500] =	vst v63  }
0x11b: {  	s7 =	simm.s32 $0x9500  }
0x11c: {  	[tilespmem:s7], [sflag:$0x2] =	stream.indirect_vreg.gather [hbm4b:s3+s2], $0x80, v11, vm0, $0xb8;
	[tilespmem:$0x10500] =	vst v63  }
0x11d: {  	s10 =	simm.s32 $0x9D00  }
0x11e: {  	[tilespmem:s10], [sflag:$0x2] =	stream.indirect_vreg.gather [hbm4b:s4+s2], $0x80, v11, vm0, $0xb8;
	[tilespmem:$0x10500] =	vst v63  }
0x11f: {  	v11 =	vld [tilespmem:$0x410];
	_ =	sdelay $0x4  }
0x120: {  	v45 =	vshll.u32 v11, $0x2  }
0x121: {  	v11 =	vand.u32 $0x7, v11;
	v12 =	vand.u32 $0xFFFFFFE0, v45  }
0x122: {  	v11 =	vor.u32 v11, v12  }
0x123: {  	v12 =	vperm.xlane v11, v8;
	_ =	sdelay $0x1  }
0x124: {  	v12 =	vadd.s32 v9, v12;
	_ =	sdelay $0x1  }
0x125: {  	v11 =	vperm.xlane v11, v10;
	_ =	sdelay $0x1  }
0x126: {  	s8 =	simm.s32 $0xA500;
	v11 =	vadd.s32 v9, v11  }
0x127: {  	[tilespmem:s8], [sflag:$0x2] =	stream.indirect_vreg.gather [hbm4b:s3+s2], $0x80, v12, vm0, $0xb8;
	[tilespmem:$0x10500] =	vst v63  }
0x128: {  	s11 =	simm.s32 $0xAD00  }
0x129: {  	[tilespmem:s11], [sflag:$0x2] =	stream.indirect_vreg.gather [hbm4b:s4+s2], $0x80, v12, vm0, $0xb8;
	[tilespmem:$0x10500] =	vst v63  }
0x12a: {  	s9 =	simm.s32 $0xB500  }
0x12b: {  	[tilespmem:s9], [sflag:$0x2] =	stream.indirect_vreg.gather [hbm4b:s3+s2], $0x80, v11, vm0, $0xb8;
	[tilespmem:$0x10500] =	vst v63  }
0x12c: {  	s12 =	simm.s32 $0xBD00  }
0x12d: {  	[tilespmem:s12], [sflag:$0x2] =	stream.indirect_vreg.gather [hbm4b:s4+s2], $0x80, v11, vm0, $0xb8;
	[tilespmem:$0x10500] =	vst v63  }
0x12e: {  	v11 =	vld [tilespmem:$0x420];
	_ =	sdelay $0x4  }
0x12f: {  	v46 =	vshll.u32 v11, $0x2  }
0x130: {  	v11 =	vand.u32 $0x7, v11;
	v12 =	vand.u32 $0xFFFFFFE0, v46  }
0x131: {  	v11 =	vor.u32 v11, v12  }
0x132: {  	v12 =	vperm.xlane v11, v8;
	_ =	sdelay $0x1  }
0x133: {  	v12 =	vadd.s32 v9, v12;
	_ =	sdelay $0x1  }
0x134: {  	v11 =	vperm.xlane v11, v10;
	_ =	sdelay $0x1  }
0x135: {  	s12 =	simm.s32 $0xC500;
	v11 =	vadd.s32 v9, v11  }
0x136: {  	[tilespmem:s12], [sflag:$0x2] =	stream.indirect_vreg.gather [hbm4b:s3+s2], $0x80, v12, vm0, $0xb8;
	[tilespmem:$0x10500] =	vst v63  }
0x137: {  	s13 =	simm.s32 $0xCD00  }
0x138: {  	[tilespmem:s13], [sflag:$0x2] =	stream.indirect_vreg.gather [hbm4b:s4+s2], $0x80, v12, vm0, $0xb8;
	[tilespmem:$0x10500] =	vst v63  }
0x139: {  	s16 =	simm.s32 $0xD500  }
0x13a: {  	[tilespmem:s16], [sflag:$0x2] =	stream.indirect_vreg.gather [hbm4b:s3+s2], $0x80, v11, vm0, $0xb8;
	[tilespmem:$0x10500] =	vst v63  }
0x13b: {  	s10 =	simm.s32 $0xDD00  }
0x13c: {  	[tilespmem:s10], [sflag:$0x2] =	stream.indirect_vreg.gather [hbm4b:s4+s2], $0x80, v11, vm0, $0xb8;
	[tilespmem:$0x10500] =	vst v63  }
0x13d: {  	v11 =	vld [tilespmem:$0x430];
	_ =	sdelay $0x4  }
0x13e: {  	v47 =	vshll.u32 v11, $0x2  }
0x13f: {  	v11 =	vand.u32 $0x7, v11;
	v12 =	vand.u32 $0xFFFFFFE0, v47  }
0x140: {  	v11 =	vor.u32 v11, v12  }
0x141: {  	v12 =	vperm.xlane v11, v8;
	_ =	sdelay $0x1  }
0x142: {  	v12 =	vadd.s32 v9, v12;
	_ =	sdelay $0x1  }
0x143: {  	v11 =	vperm.xlane v11, v10;
	_ =	sdelay $0x1  }
0x144: {  	s7 =	simm.s32 $0xE500;
	v11 =	vadd.s32 v9, v11  }
0x145: {  	[tilespmem:s7], [sflag:$0x2] =	stream.indirect_vreg.gather [hbm4b:s3+s2], $0x80, v12, vm0, $0xb8;
	[tilespmem:$0x10500] =	vst v63  }
0x146: {  	s8 =	simm.s32 $0xED00  }
0x147: {  	[tilespmem:s8], [sflag:$0x2] =	stream.indirect_vreg.gather [hbm4b:s4+s2], $0x80, v12, vm0, $0xb8;
	[tilespmem:$0x10500] =	vst v63  }
0x148: {  	s9 =	simm.s32 $0xF500  }
0x149: {  	[tilespmem:s9], [sflag:$0x2] =	stream.indirect_vreg.gather [hbm4b:s3+s2], $0x80, v11, vm0, $0xb8;
	[tilespmem:$0x10500] =	vst v63  }
0x14a: {  	s19 =	simm.s32 $0xFD00  }
0x14b: {  	[tilespmem:s19], [sflag:$0x2] =	stream.indirect_vreg.gather [hbm4b:s4+s2], $0x80, v11, vm0, $0xb8;
	[tilespmem:$0x10500] =	vst v63  }
0x14c: {  	_ =	swait.ge [sflag:s22], $0x8000  }
0x14d: {  	[sflag:s22] =	ssyncset.done $0x0  }
0x14e: {  	s19 =	rddreg [dreg:$0x7];
	[sflag:s22] =	ssyncadd.s32 $0xFFFF8000  }
0x14f: {  	[hbm4b:s19+s0] =	stream.strided.scatter [tilespmem:s23], [sflag:$0x3], $0x8000, s1, s0, $0x38;
	[tilespmem:$0x10500] =	vst v63  }
0x150: {  	_ =	swait.ge [sflag:s6], $0x8000  }
0x151: {  	[sflag:s6] =	ssyncset.done $0x0  }
0x152: {  	[sflag:s6] =	ssyncadd.s32 $0xFFFF8000  }
0x153: {  	v11 =	vld [tilespmem:$0x180];
	_ =	sdelay $0x4  }
0x154: {  	v48 =	vshll.u32 v11, $0x2  }
0x155: {  	v11 =	vand.u32 $0x7, v11;
	v12 =	vand.u32 $0xFFFFFFE0, v48  }
0x156: {  	v11 =	vor.u32 v11, v12  }
0x157: {  	v12 =	vperm.xlane v11, v8;
	_ =	sdelay $0x1  }
0x158: {  	v12 =	vadd.s32 v9, v12;
	_ =	sdelay $0x1  }
0x159: {  	v11 =	vperm.xlane v11, v10;
	_ =	sdelay $0x1  }
0x15a: {  	v11 =	vadd.s32 v9, v11  }
0x15b: {  	[tilespmem:s23], [sflag:$0x1] =	stream.indirect_vreg.gather [hbm4b:s3+s2], $0x80, v12, vm0, $0xb8;
	[tilespmem:$0x10500] =	vst v63  }
0x15c: {  	s31 =	simm.s32 $0xD00  }
0x15d: {  	[tilespmem:s31], [sflag:$0x1] =	stream.indirect_vreg.gather [hbm4b:s4+s2], $0x80, v12, vm0, $0xb8;
	[tilespmem:$0x10500] =	vst v63  }
0x15e: {  	s19 =	simm.s32 $0x1500  }
0x15f: {  	[tilespmem:s19], [sflag:$0x1] =	stream.indirect_vreg.gather [hbm4b:s3+s2], $0x80, v11, vm0, $0xb8;
	[tilespmem:$0x10500] =	vst v63  }
0x160: {  	s19 =	simm.s32 $0x1D00  }
0x161: {  	[tilespmem:s19], [sflag:$0x1] =	stream.indirect_vreg.gather [hbm4b:s4+s2], $0x80, v11, vm0, $0xb8;
	[tilespmem:$0x10500] =	vst v63  }
0x162: {  	v11 =	vld [tilespmem:$0x190];
	_ =	sdelay $0x4  }
0x163: {  	v49 =	vshll.u32 v11, $0x2  }
0x164: {  	v11 =	vand.u32 $0x7, v11;
	v12 =	vand.u32 $0xFFFFFFE0, v49  }
0x165: {  	v11 =	vor.u32 v11, v12  }
0x166: {  	v12 =	vperm.xlane v11, v8;
	_ =	sdelay $0x1  }
0x167: {  	v12 =	vadd.s32 v9, v12;
	_ =	sdelay $0x1  }
0x168: {  	v11 =	vperm.xlane v11, v10;
	_ =	sdelay $0x1  }
0x169: {  	s19 =	simm.s32 $0x2500;
	v11 =	vadd.s32 v9, v11  }
0x16a: {  	[tilespmem:s19], [sflag:$0x1] =	stream.indirect_vreg.gather [hbm4b:s3+s2], $0x80, v12, vm0, $0xb8;
	[tilespmem:$0x10500] =	vst v63  }
0x16b: {  	s19 =	simm.s32 $0x2D00  }
0x16c: {  	[tilespmem:s19], [sflag:$0x1] =	stream.indirect_vreg.gather [hbm4b:s4+s2], $0x80, v12, vm0, $0xb8;
	[tilespmem:$0x10500] =	vst v63  }
0x16d: {  	s19 =	simm.s32 $0x3500  }
0x16e: {  	[tilespmem:s19], [sflag:$0x1] =	stream.indirect_vreg.gather [hbm4b:s3+s2], $0x80, v11, vm0, $0xb8;
	[tilespmem:$0x10500] =	vst v63  }
0x16f: {  	s19 =	simm.s32 $0x3D00  }
0x170: {  	[tilespmem:s19], [sflag:$0x1] =	stream.indirect_vreg.gather [hbm4b:s4+s2], $0x80, v11, vm0, $0xb8;
	[tilespmem:$0x10500] =	vst v63  }
0x171: {  	v11 =	vld [tilespmem:$0x1A0];
	_ =	sdelay $0x4  }
0x172: {  	v50 =	vshll.u32 v11, $0x2  }
0x173: {  	v11 =	vand.u32 $0x7, v11;
	v12 =	vand.u32 $0xFFFFFFE0, v50  }
0x174: {  	v11 =	vor.u32 v11, v12  }
0x175: {  	v12 =	vperm.xlane v11, v8;
	_ =	sdelay $0x1  }
0x176: {  	v12 =	vadd.s32 v9, v12;
	_ =	sdelay $0x1  }
0x177: {  	v11 =	vperm.xlane v11, v10;
	_ =	sdelay $0x1  }
0x178: {  	s19 =	simm.s32 $0x4500;
	v11 =	vadd.s32 v9, v11  }
0x179: {  	[tilespmem:s19], [sflag:$0x1] =	stream.indirect_vreg.gather [hbm4b:s3+s2], $0x80, v12, vm0, $0xb8;
	[tilespmem:$0x10500] =	vst v63  }
0x17a: {  	s19 =	simm.s32 $0x4D00  }
0x17b: {  	[tilespmem:s19], [sflag:$0x1] =	stream.indirect_vreg.gather [hbm4b:s4+s2], $0x80, v12, vm0, $0xb8;
	[tilespmem:$0x10500] =	vst v63  }
0x17c: {  	s19 =	simm.s32 $0x5500  }
0x17d: {  	[tilespmem:s19], [sflag:$0x1] =	stream.indirect_vreg.gather [hbm4b:s3+s2], $0x80, v11, vm0, $0xb8;
	[tilespmem:$0x10500] =	vst v63  }
0x17e: {  	_ = 	snop  }
0x17f: {  	[tilespmem:s30], [sflag:$0x1] =	stream.indirect_vreg.gather [hbm4b:s4+s2], $0x80, v11, vm0, $0xb8;
	[tilespmem:$0x10500] =	vst v63  }
0x180: {  	v11 =	vld [tilespmem:$0x1B0];
	_ =	sdelay $0x4  }
0x181: {  	v51 =	vshll.u32 v11, $0x2  }
0x182: {  	v11 =	vand.u32 $0x7, v11;
	v12 =	vand.u32 $0xFFFFFFE0, v51  }
0x183: {  	v11 =	vor.u32 v11, v12  }
0x184: {  	v12 =	vperm.xlane v11, v8;
	_ =	sdelay $0x1  }
0x185: {  	v12 =	vadd.s32 v9, v12;
	_ =	sdelay $0x1  }
0x186: {  	v11 =	vperm.xlane v11, v10;
	_ =	sdelay $0x1  }
0x187: {  	s19 =	simm.s32 $0x6500;
	v11 =	vadd.s32 v9, v11  }
0x188: {  	[tilespmem:s19], [sflag:$0x1] =	stream.indirect_vreg.gather [hbm4b:s3+s2], $0x80, v12, vm0, $0xb8;
	[tilespmem:$0x10500] =	vst v63  }
0x189: {  	s19 =	simm.s32 $0x6D00  }
0x18a: {  	[tilespmem:s19], [sflag:$0x1] =	stream.indirect_vreg.gather [hbm4b:s4+s2], $0x80, v12, vm0, $0xb8;
	[tilespmem:$0x10500] =	vst v63  }
0x18b: {  	_ = 	snop  }
0x18c: {  	[tilespmem:s20], [sflag:$0x1] =	stream.indirect_vreg.gather [hbm4b:s3+s2], $0x80, v11, vm0, $0xb8;
	[tilespmem:$0x10500] =	vst v63  }
0x18d: {  	_ = 	snop  }
0x18e: {  	[tilespmem:s21], [sflag:$0x1] =	stream.indirect_vreg.gather [hbm4b:s4+s2], $0x80, v11, vm0, $0xb8;
	[tilespmem:$0x10500] =	vst v63  }
0x18f: {  	_ =	swait.ge [sflag:s17], $0x8000  }
0x190: {  	[sflag:s17] =	ssyncset.done $0x0  }
0x191: {  	s21 =	rddreg [dreg:$0x8];
	[sflag:s17] =	ssyncadd.s32 $0xFFFF8000  }
0x192: {  	[hbm4b:s21+s0] =	stream.strided.scatter [tilespmem:s15], [sflag:$0x3], $0x8000, s1, s0, $0x38;
	[tilespmem:$0x10500] =	vst v63  }
0x193: {  	_ =	swait.ge [sflag:s6], $0x8000  }
0x194: {  	[sflag:s6] =	ssyncset.done $0x0  }
0x195: {  	[sflag:s6] =	ssyncadd.s32 $0xFFFF8000  }
0x196: {  	v11 =	vld [tilespmem:$0x280];
	_ =	sdelay $0x4  }
0x197: {  	v52 =	vshll.u32 v11, $0x2  }
0x198: {  	v11 =	vand.u32 $0x7, v11;
	v12 =	vand.u32 $0xFFFFFFE0, v52  }
0x199: {  	v11 =	vor.u32 v11, v12  }
0x19a: {  	v12 =	vperm.xlane v11, v8;
	_ =	sdelay $0x1  }
0x19b: {  	v12 =	vadd.s32 v9, v12;
	_ =	sdelay $0x1  }
0x19c: {  	v11 =	vperm.xlane v11, v10;
	_ =	sdelay $0x1  }
0x19d: {  	v11 =	vadd.s32 v9, v11  }
0x19e: {  	[tilespmem:s15], [sflag:$0x2] =	stream.indirect_vreg.gather [hbm4b:s3+s2], $0x80, v12, vm0, $0xb8;
	[tilespmem:$0x10500] =	vst v63  }
0x19f: {  	_ = 	snop  }
0x1a0: {  	[tilespmem:s14], [sflag:$0x2] =	stream.indirect_vreg.gather [hbm4b:s4+s2], $0x80, v12, vm0, $0xb8;
	[tilespmem:$0x10500] =	vst v63  }
0x1a1: {  	s24 =	simm.s32 $0x9500  }
0x1a2: {  	[tilespmem:s24], [sflag:$0x2] =	stream.indirect_vreg.gather [hbm4b:s3+s2], $0x80, v11, vm0, $0xb8;
	[tilespmem:$0x10500] =	vst v63  }
0x1a3: {  	s29 =	simm.s32 $0x9D00  }
0x1a4: {  	[tilespmem:s29], [sflag:$0x2] =	stream.indirect_vreg.gather [hbm4b:s4+s2], $0x80, v11, vm0, $0xb8;
	[tilespmem:$0x10500] =	vst v63  }
0x1a5: {  	v11 =	vld [tilespmem:$0x290];
	_ =	sdelay $0x4  }
0x1a6: {  	v53 =	vshll.u32 v11, $0x2  }
0x1a7: {  	v11 =	vand.u32 $0x7, v11;
	v12 =	vand.u32 $0xFFFFFFE0, v53  }
0x1a8: {  	v11 =	vor.u32 v11, v12  }
0x1a9: {  	v12 =	vperm.xlane v11, v8;
	_ =	sdelay $0x1  }
0x1aa: {  	v12 =	vadd.s32 v9, v12;
	_ =	sdelay $0x1  }
0x1ab: {  	v11 =	vperm.xlane v11, v10;
	_ =	sdelay $0x1  }
0x1ac: {  	s21 =	simm.s32 $0xA500;
	v11 =	vadd.s32 v9, v11  }
0x1ad: {  	[tilespmem:s21], [sflag:$0x2] =	stream.indirect_vreg.gather [hbm4b:s3+s2], $0x80, v12, vm0, $0xb8;
	[tilespmem:$0x10500] =	vst v63  }
0x1ae: {  	_ = 	snop  }
0x1af: {  	[tilespmem:s11], [sflag:$0x2] =	stream.indirect_vreg.gather [hbm4b:s4+s2], $0x80, v12, vm0, $0xb8;
	[tilespmem:$0x10500] =	vst v63  }
0x1b0: {  	s25 =	simm.s32 $0xB500  }
0x1b1: {  	[tilespmem:s25], [sflag:$0x2] =	stream.indirect_vreg.gather [hbm4b:s3+s2], $0x80, v11, vm0, $0xb8;
	[tilespmem:$0x10500] =	vst v63  }
0x1b2: {  	s26 =	simm.s32 $0xBD00  }
0x1b3: {  	[tilespmem:s26], [sflag:$0x2] =	stream.indirect_vreg.gather [hbm4b:s4+s2], $0x80, v11, vm0, $0xb8;
	[tilespmem:$0x10500] =	vst v63  }
0x1b4: {  	v11 =	vld [tilespmem:$0x2A0];
	_ =	sdelay $0x4  }
0x1b5: {  	v54 =	vshll.u32 v11, $0x2  }
0x1b6: {  	v11 =	vand.u32 $0x7, v11;
	v12 =	vand.u32 $0xFFFFFFE0, v54  }
0x1b7: {  	v11 =	vor.u32 v11, v12  }
0x1b8: {  	v12 =	vperm.xlane v11, v8;
	_ =	sdelay $0x1  }
0x1b9: {  	v12 =	vadd.s32 v9, v12;
	_ =	sdelay $0x1  }
0x1ba: {  	v11 =	vperm.xlane v11, v10;
	_ =	sdelay $0x1  }
0x1bb: {  	v11 =	vadd.s32 v9, v11  }
0x1bc: {  	[tilespmem:s12], [sflag:$0x2] =	stream.indirect_vreg.gather [hbm4b:s3+s2], $0x80, v12, vm0, $0xb8;
	[tilespmem:$0x10500] =	vst v63  }
0x1bd: {  	_ = 	snop  }
0x1be: {  	[tilespmem:s13], [sflag:$0x2] =	stream.indirect_vreg.gather [hbm4b:s4+s2], $0x80, v12, vm0, $0xb8;
	[tilespmem:$0x10500] =	vst v63  }
0x1bf: {  	_ = 	snop  }
0x1c0: {  	[tilespmem:s16], [sflag:$0x2] =	stream.indirect_vreg.gather [hbm4b:s3+s2], $0x80, v11, vm0, $0xb8;
	[tilespmem:$0x10500] =	vst v63  }
0x1c1: {  	_ = 	snop  }
0x1c2: {  	[tilespmem:s10], [sflag:$0x2] =	stream.indirect_vreg.gather [hbm4b:s4+s2], $0x80, v11, vm0, $0xb8;
	[tilespmem:$0x10500] =	vst v63  }
0x1c3: {  	v11 =	vld [tilespmem:$0x2B0];
	_ =	sdelay $0x4  }
0x1c4: {  	v55 =	vshll.u32 v11, $0x2  }
0x1c5: {  	v11 =	vand.u32 $0x7, v11;
	v12 =	vand.u32 $0xFFFFFFE0, v55  }
0x1c6: {  	v11 =	vor.u32 v11, v12  }
0x1c7: {  	v12 =	vperm.xlane v11, v8;
	_ =	sdelay $0x1  }
0x1c8: {  	v12 =	vadd.s32 v9, v12;
	_ =	sdelay $0x1  }
0x1c9: {  	v11 =	vperm.xlane v11, v10;
	_ =	sdelay $0x1  }
0x1ca: {  	v11 =	vadd.s32 v9, v11  }
0x1cb: {  	[tilespmem:s7], [sflag:$0x2] =	stream.indirect_vreg.gather [hbm4b:s3+s2], $0x80, v12, vm0, $0xb8;
	[tilespmem:$0x10500] =	vst v63  }
0x1cc: {  	_ = 	snop  }
0x1cd: {  	[tilespmem:s8], [sflag:$0x2] =	stream.indirect_vreg.gather [hbm4b:s4+s2], $0x80, v12, vm0, $0xb8;
	[tilespmem:$0x10500] =	vst v63  }
0x1ce: {  	_ = 	snop  }
0x1cf: {  	[tilespmem:s9], [sflag:$0x2] =	stream.indirect_vreg.gather [hbm4b:s3+s2], $0x80, v11, vm0, $0xb8;
	[tilespmem:$0x10500] =	vst v63  }
0x1d0: {  	s28 =	simm.s32 $0xFD00  }
0x1d1: {  	[tilespmem:s28], [sflag:$0x2] =	stream.indirect_vreg.gather [hbm4b:s4+s2], $0x80, v11, vm0, $0xb8;
	[tilespmem:$0x10500] =	vst v63  }
0x1d2: {  	_ =	swait.ge [sflag:s22], $0x8000  }
0x1d3: {  	[sflag:s22] =	ssyncset.done $0x0  }
0x1d4: {  	s18 =	rddreg [dreg:$0x9];
	[sflag:s22] =	ssyncadd.s32 $0xFFFF8000  }
0x1d5: {  	[hbm4b:s18+s0] =	stream.strided.scatter [tilespmem:s23], [sflag:$0x3], $0x8000, s1, s0, $0x38;
	[tilespmem:$0x10500] =	vst v63  }
0x1d6: {  	_ =	swait.ge [sflag:s6], $0x8000  }
0x1d7: {  	[sflag:s6] =	ssyncset.done $0x0  }
0x1d8: {  	[sflag:s6] =	ssyncadd.s32 $0xFFFF8000  }
0x1d9: {  	v11 =	vld [tilespmem:$0x380];
	_ =	sdelay $0x4  }
0x1da: {  	v56 =	vshll.u32 v11, $0x2  }
0x1db: {  	v11 =	vand.u32 $0x7, v11;
	v12 =	vand.u32 $0xFFFFFFE0, v56  }
0x1dc: {  	v11 =	vor.u32 v11, v12  }
0x1dd: {  	v12 =	vperm.xlane v11, v8;
	_ =	sdelay $0x1  }
0x1de: {  	v12 =	vadd.s32 v9, v12;
	_ =	sdelay $0x1  }
0x1df: {  	v11 =	vperm.xlane v11, v10;
	_ =	sdelay $0x1  }
0x1e0: {  	v11 =	vadd.s32 v9, v11  }
0x1e1: {  	[tilespmem:s23], [sflag:$0x1] =	stream.indirect_vreg.gather [hbm4b:s3+s2], $0x80, v12, vm0, $0xb8;
	[tilespmem:$0x10500] =	vst v63  }
0x1e2: {  	s31 =	simm.s32 $0xD00  }
0x1e3: {  	[tilespmem:s31], [sflag:$0x1] =	stream.indirect_vreg.gather [hbm4b:s4+s2], $0x80, v12, vm0, $0xb8;
	[tilespmem:$0x10500] =	vst v63  }
0x1e4: {  	s31 =	simm.s32 $0x1500  }
0x1e5: {  	[tilespmem:s31], [sflag:$0x1] =	stream.indirect_vreg.gather [hbm4b:s3+s2], $0x80, v11, vm0, $0xb8;
	[tilespmem:$0x10500] =	vst v63  }
0x1e6: {  	s31 =	simm.s32 $0x1D00  }
0x1e7: {  	[tilespmem:s31], [sflag:$0x1] =	stream.indirect_vreg.gather [hbm4b:s4+s2], $0x80, v11, vm0, $0xb8;
	[tilespmem:$0x10500] =	vst v63  }
0x1e8: {  	v11 =	vld [tilespmem:$0x390];
	_ =	sdelay $0x4  }
0x1e9: {  	v57 =	vshll.u32 v11, $0x2  }
0x1ea: {  	v11 =	vand.u32 $0x7, v11;
	v12 =	vand.u32 $0xFFFFFFE0, v57  }
0x1eb: {  	v11 =	vor.u32 v11, v12  }
0x1ec: {  	v12 =	vperm.xlane v11, v8;
	_ =	sdelay $0x1  }
0x1ed: {  	v12 =	vadd.s32 v9, v12;
	_ =	sdelay $0x1  }
0x1ee: {  	v11 =	vperm.xlane v11, v10;
	_ =	sdelay $0x1  }
0x1ef: {  	s31 =	simm.s32 $0x2500;
	v11 =	vadd.s32 v9, v11  }
0x1f0: {  	[tilespmem:s31], [sflag:$0x1] =	stream.indirect_vreg.gather [hbm4b:s3+s2], $0x80, v12, vm0, $0xb8;
	[tilespmem:$0x10500] =	vst v63  }
0x1f1: {  	s31 =	simm.s32 $0x2D00  }
0x1f2: {  	[tilespmem:s31], [sflag:$0x1] =	stream.indirect_vreg.gather [hbm4b:s4+s2], $0x80, v12, vm0, $0xb8;
	[tilespmem:$0x10500] =	vst v63  }
0x1f3: {  	s31 =	simm.s32 $0x3500  }
0x1f4: {  	[tilespmem:s31], [sflag:$0x1] =	stream.indirect_vreg.gather [hbm4b:s3+s2], $0x80, v11, vm0, $0xb8;
	[tilespmem:$0x10500] =	vst v63  }
0x1f5: {  	s31 =	simm.s32 $0x3D00  }
0x1f6: {  	[tilespmem:s31], [sflag:$0x1] =	stream.indirect_vreg.gather [hbm4b:s4+s2], $0x80, v11, vm0, $0xb8;
	[tilespmem:$0x10500] =	vst v63  }
0x1f7: {  	v11 =	vld [tilespmem:$0x3A0];
	_ =	sdelay $0x4  }
0x1f8: {  	v58 =	vshll.u32 v11, $0x2  }
0x1f9: {  	v11 =	vand.u32 $0x7, v11;
	v12 =	vand.u32 $0xFFFFFFE0, v58  }
0x1fa: {  	v11 =	vor.u32 v11, v12  }
0x1fb: {  	v12 =	vperm.xlane v11, v8;
	_ =	sdelay $0x1  }
0x1fc: {  	v12 =	vadd.s32 v9, v12;
	_ =	sdelay $0x1  }
0x1fd: {  	v11 =	vperm.xlane v11, v10;
	_ =	sdelay $0x1  }
0x1fe: {  	s31 =	simm.s32 $0x4500;
	v11 =	vadd.s32 v9, v11  }
0x1ff: {  	[tilespmem:s31], [sflag:$0x1] =	stream.indirect_vreg.gather [hbm4b:s3+s2], $0x80, v12, vm0, $0xb8;
	[tilespmem:$0x10500] =	vst v63  }
0x200: {  	s31 =	simm.s32 $0x4D00  }
0x201: {  	[tilespmem:s31], [sflag:$0x1] =	stream.indirect_vreg.gather [hbm4b:s4+s2], $0x80, v12, vm0, $0xb8;
	[tilespmem:$0x10500] =	vst v63  }
0x202: {  	s31 =	simm.s32 $0x5500  }
0x203: {  	[tilespmem:s31], [sflag:$0x1] =	stream.indirect_vreg.gather [hbm4b:s3+s2], $0x80, v11, vm0, $0xb8;
	[tilespmem:$0x10500] =	vst v63  }
0x204: {  	s30 =	simm.s32 $0x5D00  }
0x205: {  	[tilespmem:s30], [sflag:$0x1] =	stream.indirect_vreg.gather [hbm4b:s4+s2], $0x80, v11, vm0, $0xb8;
	[tilespmem:$0x10500] =	vst v63  }
0x206: {  	v11 =	vld [tilespmem:$0x3B0];
	_ =	sdelay $0x4  }
0x207: {  	v59 =	vshll.u32 v11, $0x2  }
0x208: {  	v11 =	vand.u32 $0x7, v11;
	v12 =	vand.u32 $0xFFFFFFE0, v59  }
0x209: {  	v11 =	vor.u32 v11, v12  }
0x20a: {  	v12 =	vperm.xlane v11, v8;
	_ =	sdelay $0x1  }
0x20b: {  	v12 =	vadd.s32 v9, v12;
	_ =	sdelay $0x1  }
0x20c: {  	v11 =	vperm.xlane v11, v10;
	_ =	sdelay $0x1  }
0x20d: {  	s30 =	simm.s32 $0x6500;
	v11 =	vadd.s32 v9, v11  }
0x20e: {  	[tilespmem:s30], [sflag:$0x1] =	stream.indirect_vreg.gather [hbm4b:s3+s2], $0x80, v12, vm0, $0xb8;
	[tilespmem:$0x10500] =	vst v63  }
0x20f: {  	s31 =	simm.s32 $0x6D00  }
0x210: {  	[tilespmem:s31], [sflag:$0x1] =	stream.indirect_vreg.gather [hbm4b:s4+s2], $0x80, v12, vm0, $0xb8;
	[tilespmem:$0x10500] =	vst v63  }
0x211: {  	s19 =	simm.s32 $0x7500  }
0x212: {  	[tilespmem:s19], [sflag:$0x1] =	stream.indirect_vreg.gather [hbm4b:s3+s2], $0x80, v11, vm0, $0xb8;
	[tilespmem:$0x10500] =	vst v63  }
0x213: {  	s20 =	simm.s32 $0x7D00  }
0x214: {  	[tilespmem:s20], [sflag:$0x1] =	stream.indirect_vreg.gather [hbm4b:s4+s2], $0x80, v11, vm0, $0xb8;
	[tilespmem:$0x10500] =	vst v63  }
0x215: {  	_ =	swait.ge [sflag:s17], $0x8000  }
0x216: {  	[sflag:s17] =	ssyncset.done $0x0  }
0x217: {  	s20 =	rddreg [dreg:$0xa];
	[sflag:s17] =	ssyncadd.s32 $0xFFFF8000  }
0x218: {  	[hbm4b:s20+s0] =	stream.strided.scatter [tilespmem:s15], [sflag:$0x3], $0x8000, s1, s0, $0x38;
	[tilespmem:$0x10500] =	vst v63  }
0x219: {  	_ =	swait.ge [sflag:s6], $0x8000  }
0x21a: {  	[sflag:s6] =	ssyncset.done $0x0  }
0x21b: {  	[sflag:s6] =	ssyncadd.s32 $0xFFFF8000  }
0x21c: {  	v11 =	vld [tilespmem:$0x480];
	_ =	sdelay $0x4  }
0x21d: {  	v60 =	vshll.u32 v11, $0x2  }
0x21e: {  	v11 =	vand.u32 $0x7, v11;
	v12 =	vand.u32 $0xFFFFFFE0, v60  }
0x21f: {  	v11 =	vor.u32 v11, v12  }
0x220: {  	v12 =	vperm.xlane v11, v8;
	_ =	sdelay $0x1  }
0x221: {  	v12 =	vadd.s32 v9, v12;
	_ =	sdelay $0x1  }
0x222: {  	v11 =	vperm.xlane v11, v10;
	_ =	sdelay $0x1  }
0x223: {  	v11 =	vadd.s32 v9, v11  }
0x224: {  	[tilespmem:s15], [sflag:$0x2] =	stream.indirect_vreg.gather [hbm4b:s3+s2], $0x80, v12, vm0, $0xb8;
	[tilespmem:$0x10500] =	vst v63  }
0x225: {  	s14 =	simm.s32 $0x8D00  }
0x226: {  	[tilespmem:s14], [sflag:$0x2] =	stream.indirect_vreg.gather [hbm4b:s4+s2], $0x80, v12, vm0, $0xb8;
	[tilespmem:$0x10500] =	vst v63  }
0x227: {  	s24 =	simm.s32 $0x9500  }
0x228: {  	[tilespmem:s24], [sflag:$0x2] =	stream.indirect_vreg.gather [hbm4b:s3+s2], $0x80, v11, vm0, $0xb8;
	[tilespmem:$0x10500] =	vst v63  }
0x229: {  	s29 =	simm.s32 $0x9D00  }
0x22a: {  	[tilespmem:s29], [sflag:$0x2] =	stream.indirect_vreg.gather [hbm4b:s4+s2], $0x80, v11, vm0, $0xb8;
	[tilespmem:$0x10500] =	vst v63  }
0x22b: {  	v11 =	vld [tilespmem:$0x490];
	_ =	sdelay $0x4  }
0x22c: {  	v61 =	vshll.u32 v11, $0x2  }
0x22d: {  	v11 =	vand.u32 $0x7, v11;
	v12 =	vand.u32 $0xFFFFFFE0, v61  }
0x22e: {  	v11 =	vor.u32 v11, v12  }
0x22f: {  	v12 =	vperm.xlane v11, v8;
	_ =	sdelay $0x1  }
0x230: {  	v12 =	vadd.s32 v9, v12;
	_ =	sdelay $0x1  }
0x231: {  	v11 =	vperm.xlane v11, v10;
	_ =	sdelay $0x1  }
0x232: {  	s21 =	simm.s32 $0xA500;
	v11 =	vadd.s32 v9, v11  }
0x233: {  	[tilespmem:s21], [sflag:$0x2] =	stream.indirect_vreg.gather [hbm4b:s3+s2], $0x80, v12, vm0, $0xb8;
	[tilespmem:$0x10500] =	vst v63  }
0x234: {  	s11 =	simm.s32 $0xAD00  }
0x235: {  	[tilespmem:s11], [sflag:$0x2] =	stream.indirect_vreg.gather [hbm4b:s4+s2], $0x80, v12, vm0, $0xb8;
	[tilespmem:$0x10500] =	vst v63  }
0x236: {  	s25 =	simm.s32 $0xB500  }
0x237: {  	[tilespmem:s25], [sflag:$0x2] =	stream.indirect_vreg.gather [hbm4b:s3+s2], $0x80, v11, vm0, $0xb8;
	[tilespmem:$0x10500] =	vst v63  }
0x238: {  	s26 =	simm.s32 $0xBD00  }
0x239: {  	[tilespmem:s26], [sflag:$0x2] =	stream.indirect_vreg.gather [hbm4b:s4+s2], $0x80, v11, vm0, $0xb8;
	[tilespmem:$0x10500] =	vst v63  }
0x23a: {  	v11 =	vld [tilespmem:$0x4A0];
	_ =	sdelay $0x4  }
0x23b: {  	v62 =	vshll.u32 v11, $0x2  }
0x23c: {  	v11 =	vand.u32 $0x7, v11;
	v12 =	vand.u32 $0xFFFFFFE0, v62  }
0x23d: {  	v11 =	vor.u32 v11, v12  }
0x23e: {  	v12 =	vperm.xlane v11, v8;
	_ =	sdelay $0x1  }
0x23f: {  	v12 =	vadd.s32 v9, v12;
	_ =	sdelay $0x1  }
0x240: {  	v11 =	vperm.xlane v11, v10;
	_ =	sdelay $0x1  }
0x241: {  	s12 =	simm.s32 $0xC500;
	v11 =	vadd.s32 v9, v11  }
0x242: {  	[tilespmem:s12], [sflag:$0x2] =	stream.indirect_vreg.gather [hbm4b:s3+s2], $0x80, v12, vm0, $0xb8;
	[tilespmem:$0x10500] =	vst v63  }
0x243: {  	s13 =	simm.s32 $0xCD00  }
0x244: {  	[tilespmem:s13], [sflag:$0x2] =	stream.indirect_vreg.gather [hbm4b:s4+s2], $0x80, v12, vm0, $0xb8;
	[tilespmem:$0x10500] =	vst v63  }
0x245: {  	s16 =	simm.s32 $0xD500  }
0x246: {  	[tilespmem:s16], [sflag:$0x2] =	stream.indirect_vreg.gather [hbm4b:s3+s2], $0x80, v11, vm0, $0xb8;
	[tilespmem:$0x10500] =	vst v63  }
0x247: {  	s10 =	simm.s32 $0xDD00  }
0x248: {  	[tilespmem:s10], [sflag:$0x2] =	stream.indirect_vreg.gather [hbm4b:s4+s2], $0x80, v11, vm0, $0xb8;
	[tilespmem:$0x10500] =	vst v63  }
0x249: {  	v11 =	vld [tilespmem:$0x4B0];
	_ =	sdelay $0x4  }
0x24a: {  	v63 =	vshll.u32 v11, $0x2  }
0x24b: {  	v11 =	vand.u32 $0x7, v11;
	v12 =	vand.u32 $0xFFFFFFE0, v63  }
0x24c: {  	v11 =	vor.u32 v11, v12  }
0x24d: {  	v12 =	vperm.xlane v11, v8;
	_ =	sdelay $0x1  }
0x24e: {  	v12 =	vadd.s32 v9, v12;
	_ =	sdelay $0x1  }
0x24f: {  	v11 =	vperm.xlane v11, v10;
	_ =	sdelay $0x1  }
0x250: {  	s7 =	simm.s32 $0xE500;
	v11 =	vadd.s32 v9, v11  }
0x251: {  	[tilespmem:s7], [sflag:$0x2] =	stream.indirect_vreg.gather [hbm4b:s3+s2], $0x80, v12, vm0, $0xb8;
	[tilespmem:$0x10500] =	vst v63  }
0x252: {  	s8 =	simm.s32 $0xED00  }
0x253: {  	[tilespmem:s8], [sflag:$0x2] =	stream.indirect_vreg.gather [hbm4b:s4+s2], $0x80, v12, vm0, $0xb8;
	[tilespmem:$0x10500] =	vst v63  }
0x254: {  	s9 =	simm.s32 $0xF500  }
0x255: {  	[tilespmem:s9], [sflag:$0x2] =	stream.indirect_vreg.gather [hbm4b:s3+s2], $0x80, v11, vm0, $0xb8;
	[tilespmem:$0x10500] =	vst v63  }
0x256: {  	s28 =	simm.s32 $0xFD00  }
0x257: {  	[tilespmem:s28], [sflag:$0x2] =	stream.indirect_vreg.gather [hbm4b:s4+s2], $0x80, v11, vm0, $0xb8;
	[tilespmem:$0x10500] =	vst v63  }
0x258: {  	_ =	swait.ge [sflag:s22], $0x8000  }
0x259: {  	[sflag:s22] =	ssyncset.done $0x0  }
0x25a: {  	s30 =	rddreg [dreg:$0xb];
	[sflag:s22] =	ssyncadd.s32 $0xFFFF8000  }
0x25b: {  	[hbm4b:s30+s0] =	stream.strided.scatter [tilespmem:s23], [sflag:$0x3], $0x8000, s1, s0, $0x38;
	[tilespmem:$0x10500] =	vst v63  }
0x25c: {  	_ =	swait.ge [sflag:s6], $0x8000  }
0x25d: {  	[sflag:s6] =	ssyncset.done $0x0  }
0x25e: {  	[sflag:s6] =	ssyncadd.s32 $0xFFFF8000  }
0x25f: {  	_ =	swait.ge [sflag:s17], $0x8000  }
0x260: {  	p0 =	sne.s32 s5, $0x1;
	[sflag:s17] =	ssyncset.done $0x0  }
.Ltmp0:
0x261: {  	s31 =	rddreg [dreg:$0xc];
	[sflag:s17] =	ssyncadd.s32 $0xFFFF8000;
	(pc) =	sbr.rel @p0 .LBB2_1-.Ltmp0, $4  }
0x262: {  	[hbm4b:s31+s0] =	stream.strided.scatter [tilespmem:s15], [sflag:$0x3], $0x8000, s1, s0, $0x38;
	[tilespmem:$0x10500] =	vst v63  }
0x263: {  	_ =	swait.ge [sflag:s6], $0x8000  }
0x264: {  	[sflag:s6] =	ssyncset.done $0x0  }
0x265: {  	s5 =	sadd.s32 $0xFFFFFFFF, s5;
	[sflag:s6] =	ssyncadd.s32 $0xFFFF8000  }
0x266: {  	_ =	sfence.sel $0x180000  }
0x267: {  	[bflag:$0x0] =	sbarrier.arrive $0xFFFF  }
0x268: {  	_ =	strace $0x90000047  }
0x269: {  	s0 =	stileid.u32;
	[bflag:$0x2] =	sbarrier.arrive $0xFFFF  }
0x26a: {  	p0 =	sne.s32 s0, $0x0;
	s0 =	rddreg [dreg:$0x2]  }
0x26b: {  	s0 =	sadd.s32 @!p0 $0x100000, s0  }
0x26c: {  	[sflag:s0] =	ssyncadd.tile.s32 @!p0 $0x1;
	_ =	shalt  }
.Lfunc_end2:
_tile_overlayer_lowered:
.L_overlay_start_2:
0x26d: {  	(tag) =	ssettag $0x2  }
0x26e: {  	s0 =	rddreg [dreg:$0x0];
	s2 =	stileid.u32  }
0x26f: {  	s1 =	rddreg [dreg:$0x1];
	p0 =	sne.s32 s2, $0x0  }
0x270: {  	s3 =	rddreg [dreg:$0x2];
	[bflag:$0x3] =	sbarrier.arrive $0xFFFF;
	s2 =	simm.s32 @!p0 $0x1C03  }
0x271: {  	[timem:s3], [sflag:s2] =	dma.local @!p0 [hbm:s0], s1  }
0x272: {  	s0 =	simm.s32 @!p0 $0x3  }
0x273: {  	_ =	swait.ge @!p0 [sflag:s0], s1  }
0x274: {  	s1 =	ssub.s32 @!p0 $0x0, s1;
	[sflag:s0] =	ssyncset.done @!p0 $0x0  }
0x275: {  	[sflag:s0] =	ssyncadd.s32 @!p0 s1  }
0x276: {  	[bflag:$0x3] =	sbarrier.arrive $0xFFFF  }
0x277: {  	_ =	shalt  }

// kernel: kernel.9.cloned.1.call-start
scs
__scs_entry_jumppad:
0x0: {  	(pc) =	sbr.rel $0x88, $3  }
0x1: {  	(tag) =	ssettag $0x0;
	lr =	simm.s32 $0x1  }
0x2: {  	[smem:$0x3F9D] =	sst lr;
	_ =	strace $0xD0000000  }
0x3: {  	_ = 	snop  }
0x4: {  	_ = 	snop  }
0x5: {  	_ = 	snop  }
0x6: {  	_ = 	snop  }
0x7: {  	_ = 	snop  }
__scs_overlays_trampoline_lowered:
0x8: {  	[smem:$0x3FAC] =	sst s0  }
0x9: {  	[smem:$0x3FAD] =	sst s1  }
0xa: {  	[smem:$0x3FAE] =	sst s2  }
0xb: {  	[smem:$0x3FAF] =	sst s3  }
0xc: {  	[smem:$0x3FB0] =	sst s4  }
0xd: {  	[smem:$0x3FB1] =	sst s5  }
0xe: {  	[smem:$0x3FB2] =	sst s6  }
0xf: {  	[smem:$0x3FB3] =	sst s7  }
0x10: {  	[smem:$0x3FB4] =	sst s8  }
0x11: {  	[smem:$0x3FB5] =	sst s9;
	s0 =	simm.s32 @!p0 $0x0  }
0x12: {  	s1 =	sld [smem:$0x3F9B];
	s0 =	simm.s32 @p0 $0x1  }
0x13: {  	[smem:$0x3FB6] =	sst s0;
	s0 =	simm.s32 @!p1 $0x0  }
0x14: {  	s2 =	sld [smem:$0x3F9A];
	s0 =	simm.s32 @p1 $0x1  }
0x15: {  	[smem:$0x3FB7] =	sst s0;
	s0 =	simm.s32 @!p2 $0x0  }
0x16: {  	s3 =	sld [smem:$0x3FDB];
	s0 =	simm.s32 @p2 $0x1  }
0x17: {  	s4 =	simm.s32 $0x1BF5;
	[smem:$0x3FB9] =	sst s0  }
0x18: {  	s0 =	sld [smem:$0x3F9C];
	_ =	swait.ge [sflag:s4], $0x0  }
0x19: {  	s7 =	sld [smem:$0x3F9D]  }
0x1a: {  	s8 =	sadd.s32 $0xFFFFE003, lr  }
0x1b: {  	s9 =	sadd.s32 $0xFFFFFEF7, lr;
	s5 =	simm.s32 $0xFFFFFFFF;
	p2 =	slt.u32 s8, $0xFFFFF086  }
0x1c: {  	p1 =	slt.u32 s9, $0xF7A;
	s5 =	simm.s32 @!p2 $0x0  }
0x1d: {  	s5 =	simm.s32 @p1 $0x1;
	p0 =	seq.s32 s7, s2  }
0x1e: {  	s7 =	smul.u32 @!p0 $0xF7A, s2;
	p2 =	seq.s32 @!p0 s5, $0x0  }
0x1f: {  	s9 =	smul.u32 $0xF7A, s1;
	s8 =	simm.s32 @!p0 $0x1BF5;
	p2 =	por !p2, p0  }
0x20: {  	[sflag:s8] =	ssyncset.s32 @!p0 $0xFFFFF086;
	s6 =	sadd.s32 @!p0 s3, s7;
	s7 =	simm.s32 @!p0 $0x108  }
0x21: {  	s3 =	sadd.s32 s3, s9;
	s6 =	sadd.s32 @!p0 $0x88, s6;
	s7 =	simm.s32 @p2 $0x1082  }
0x22: {  	[simem:s7], [sflag:s8] =	dma.local @!p0 [hbm:s6], $0xF7A  }
0x23: {  	s9 =	sor.u32 $0xD0000000, s2;
	s6 =	simm.s32 $0x108;
	_ =	swait.ge @!p0 [sflag:s8], $0x0  }
0x24: {  	s3 =	sadd.s32 $0x88, s3;
	s6 =	simm.s32 @!p1 $0x1082;
	[sflag:s4] =	ssyncset.s32 $0xFFFFF086  }
0x25: {  	[simem:s6], [sflag:s4] =	dma.local [hbm:s3], $0xF7A  }
0x26: {  	[smem:$0x3F9D] =	sst s1;
	(tag) =	ssettag s2;
	_ =	strace s9  }
0x27: {  	s1 =	sld [smem:$0x3FAD]  }
0x28: {  	s2 =	sld [smem:$0x3FAE]  }
0x29: {  	s4 =	sld [smem:$0x3FB0]  }
0x2a: {  	p0 =	seq.s32 s5, $0x0;
	s5 =	sld [smem:$0x3FB1]  }
0x2b: {  	s6 =	sld [smem:$0x3FB2]  }
0x2c: {  	s7 =	sld [smem:$0x3FB3]  }
0x2d: {  	s3 =	simm.s32 $0x108;
	s8 =	sld [smem:$0x3FB4]  }
0x2e: {  	s3 =	simm.s32 @!p0 $0x1082;
	s9 =	sld [smem:$0x3FB5]  }
0x2f: {  	lr =	sadd.s32 s0, s3;
	s0 =	sld [smem:$0x3FAC]  }
0x30: {  	s3 =	sld [smem:$0x3FAF]  }
0x31: {  	[smem:$0x3FB8] =	sst s10  }
0x32: {  	s10 =	sld [smem:$0x3FB6];
	_ =	sdelay $0x3  }
0x33: {  	p0 =	seq.s32 s10, $0x1;
	s10 =	sld [smem:$0x3FB8];
	_ =	sdelay $0x3  }
0x34: {  	[smem:$0x3FB8] =	sst s10  }
0x35: {  	s10 =	sld [smem:$0x3FB7];
	_ =	sdelay $0x3  }
0x36: {  	p1 =	seq.s32 s10, $0x1;
	s10 =	sld [smem:$0x3FB8];
	_ =	sdelay $0x3  }
0x37: {  	[smem:$0x3FB8] =	sst s10  }
0x38: {  	s10 =	sld [smem:$0x3FB9]  }
0x39: {  	_ = 	snop;
	(pc) =	sbr.ind lr, $3  }
0x3a: {  	_ = 	snop  }
0x3b: {  	_ = 	snop  }
0x3c: {  	p2 =	seq.s32 s10, $0x1;
	s10 =	sld [smem:$0x3FB8]  }
0x3d: {  	_ =	shalt  }
0x3e: {  	_ =	shalt  }
0x3f: {  	_ =	shalt  }
0x40: {  	_ =	shalt  }
0x41: {  	_ =	shalt  }
0x42: {  	_ =	shalt  }
0x43: {  	_ =	shalt  }
0x44: {  	_ =	shalt  }
0x45: {  	_ =	shalt  }
0x46: {  	_ =	shalt  }
0x47: {  	_ =	shalt  }
0x48: {  	_ =	shalt  }
0x49: {  	_ =	shalt  }
0x4a: {  	_ =	shalt  }
0x4b: {  	_ =	shalt  }
0x4c: {  	_ =	shalt  }
0x4d: {  	_ =	shalt  }
0x4e: {  	_ =	shalt  }
0x4f: {  	_ =	shalt  }
0x50: {  	_ =	shalt  }
0x51: {  	_ =	shalt  }
0x52: {  	_ =	shalt  }
0x53: {  	_ =	shalt  }
0x54: {  	_ =	shalt  }
0x55: {  	_ =	shalt  }
0x56: {  	_ =	shalt  }
0x57: {  	_ =	shalt  }
0x58: {  	_ =	shalt  }
0x59: {  	_ =	shalt  }
0x5a: {  	_ =	shalt  }
0x5b: {  	_ =	shalt  }
0x5c: {  	_ =	shalt  }
0x5d: {  	_ =	shalt  }
0x5e: {  	_ =	shalt  }
0x5f: {  	_ =	shalt  }
0x60: {  	_ =	shalt  }
0x61: {  	_ =	shalt  }
0x62: {  	_ =	shalt  }
0x63: {  	_ =	shalt  }
0x64: {  	_ =	shalt  }
0x65: {  	_ =	shalt  }
0x66: {  	_ =	shalt  }
0x67: {  	_ =	shalt  }
0x68: {  	_ =	shalt  }
0x69: {  	_ =	shalt  }
0x6a: {  	_ =	shalt  }
0x6b: {  	_ =	shalt  }
0x6c: {  	_ =	shalt  }
0x6d: {  	_ =	shalt  }
0x6e: {  	_ =	shalt  }
0x6f: {  	_ =	shalt  }
0x70: {  	_ =	shalt  }
0x71: {  	_ =	shalt  }
0x72: {  	_ =	shalt  }
0x73: {  	_ =	shalt  }
0x74: {  	_ =	shalt  }
0x75: {  	_ =	shalt  }
0x76: {  	_ =	shalt  }
0x77: {  	_ =	shalt  }
0x78: {  	_ =	shalt  }
0x79: {  	_ =	shalt  }
0x7a: {  	_ =	shalt  }
0x7b: {  	_ =	shalt  }
0x7c: {  	_ =	shalt  }
0x7d: {  	_ =	shalt  }
0x7e: {  	_ =	shalt  }
0x7f: {  	_ =	shalt  }
0x80: {  	_ =	shalt  }
0x81: {  	_ =	shalt  }
0x82: {  	_ =	shalt  }
0x83: {  	_ =	shalt  }
0x84: {  	_ =	shalt  }
0x85: {  	_ =	shalt  }
0x86: {  	_ =	shalt  }
0x87: {  	_ =	shalt  }
.Lfunc_end0:
.L_simem_size_0:
called_computation.1_lowered:
.L_overlay_start_0:
0x88: {  	s2 =	sld [smem:$0x3FD9]  }
0x89: {  	s3 =	sld [smem:$0x3FFE];
	_ =	sdelay $0x1  }
0x8a: {  	s1 =	srdreg.scid  }
0x8b: {  	s0 =	sand.u32 $0x1, s1  }
0x8c: {  	s17 =	sshll.u32 s0, $0xA;
	s2 =	sadd.s32 s3, s2  }
0x8d: {  	s2 =	sadd.s32 s2, s17  }
0x8e: {  	[smem:$0x3FC4] =	sst s2  }
0x8f: {  	_ = 	snop  }
0x90: {  	(tm) =	ssettm $0x1  }
0x91: {  	s18 =	sld [smem:$0x3FFB];
	_ =	sdelay $0x3  }
0x92: {  	_ =	strace s18  }
0x93: {  	s2 =	sld [smem:$0x3FFC];
	_ =	sdelay $0x3  }
0x94: {  	_ =	strace s2  }
0x95: {  	s2 =	sld [smem:$0x3FFD];
	_ =	sdelay $0x3  }
0x96: {  	_ =	strace s2  }
0x97: {  	_ =	strace $0x8FFFFFFF  }
0x98: {  	s19 =	sld [smem:$0x3FDB];
	_ =	sdelay $0x1  }
0x99: {  	s20 =	simm.s32 $_scs_section_size  }
0x9a: {  	s4 =	simm.s32 $_size__tile_overlayer_lowered;
	s5 =	simm.s32 $_tile_overlayer_lowered  }
0x9b: {  	s6 =	simm.s32 $0x1BFF;
	s21 =	sshll.u32 s5, $0x1;
	s3 =	sadd.s32 s20, s19  }
0x9c: {  	s22 =	simm.s32 $0x0;
	s4 =	sshll.u32 s4, $0x1;
	s5 =	sadd.s32 s21, s3  }
0x9d: {  	[timem:s22], [sflag:s6] =	dma.local [hbm:s5], s4  }
0x9e: {  	_ =	swait.ge [sflag:s6], s4  }
0x9f: {  	s4 =	ssub.s32 $0x0, s4;
	[sflag:s6] =	ssyncset.done $0x0  }
0xa0: {  	[sflag:s6] =	ssyncadd.s32 s4;
	_ =	sdelay $0x1  }
0xa1: {  	s23 =	simm.s32 $0x1B8B  }
0xa2: {  	_ =	swait.ge [sflag:s23], $0x1  }
0xa3: {  	[sflag:s23] =	ssyncset.done $0x0  }
0xa4: {  	[sflag:s23] =	ssyncadd.s32 $0xFFFFFFFF  }
0xa5: {  	s4 =	sld [smem:$0x0]  }
0xa6: {  	s5 =	sand.u32 $0xFFFFFFFE, s1  }
0xa7: {  	p0 =	sne.s32 s1, s5  }
0xa8: {  	s5 =	sshll.u32 @p0 s5, $0xE  }
0xa9: {  	s5 =	sadd.s32 @p0 $0x11B8D, s5;
	s6 =	sshll.u32 @p0 s4, $0x11  }
0xaa: {  	s5 =	sor.u32 @p0 s6, s5  }
0xab: {  	[sflag:s5] =	ssyncadd.remote.s32 @p0 $0x1;
	_ =	sdelay $0x1  }
0xac: {  	s5 =	simm.s32 @p0 $0x1B8D  }
0xad: {  	_ =	swait.eq @p0 [sflag:s5], $0x1  }
0xae: {  	[sflag:s5] =	ssyncadd.s32 @p0 $0xFFFFFFFF  }
0xaf: {  	s6 =	sshll.u32 @!p0 s1, $0xE  }
0xb0: {  	s6 =	sor.u32 @!p0 $0x4000, s6;
	s5 =	simm.s32 @!p0 $0x1B8D  }
0xb1: {  	s4 =	sshll.u32 @!p0 s4, $0x11;
	s6 =	sadd.s32 @!p0 $0x11B8D, s6;
	_ =	swait.eq @!p0 [sflag:s5], $0x1  }
0xb2: {  	s4 =	sor.u32 @!p0 s4, s6;
	[sflag:s5] =	ssyncadd.s32 @!p0 $0xFFFFFFFF  }
0xb3: {  	s25 =	simm.s32 $0x1B8E;
	s24 =	sld [smem:$0x3FFE];
	[sflag:s4] =	ssyncadd.remote.s32 @!p0 $0x1  }
0xb4: {  	s26 =	simm.s32 $execute0_lowered;
	[smem:$0x3FD2] =	sst s25  }
0xb5: {  	s5 =	sshll.u32 s26, $0x1;
	_ =	strace $0x80000049;
	[dreg:$0x1] =	wrdreg $0xFFFFFFFF  }
0xb6: {  	s28 =	simm.s32 $_size_execute0_lowered;
	s3 =	sadd.s32 s3, s5;
	[dreg:$0x0] =	wrdreg $0x0  }
0xb7: {  	s5 =	sshll.u32 s28, $0x1;
	[dreg:$0x2] =	wrdreg s3  }
0xb8: {  	[dreg:$0x3] =	wrdreg s5  }
0xb9: {  	[dreg:$0x4] =	wrdreg $0xC0  }
0xba: {  	_ =	task [dreg:s22], $0x5FFFF  }
0xbb: {  	[dreg:$0x1] =	wrdreg $0xFFFFFFFF  }
0xbc: {  	[dreg:$0x0] =	wrdreg $0x60  }
0xbd: {  	[dreg:$0x2] =	wrdreg s24  }
0xbe: {  	[dreg:$0x3] =	wrdreg $0xA  }
0xbf: {  	_ =	task.clear_ibuf [dreg:s22], $0x4FFFF;
	_ =	strace $0x90000049  }
0xc0: {  	s29 =	simm.s32 $0xA;
	_ =	strace $0x8000004B  }
0xc1: {  	_ =	swait.ge [sflag:s29], $0x1  }
0xc2: {  	[sflag:s29] =	ssyncadd.s32 $0xFFFFFFFF  }
0xc3: {  	_ =	strace $0x9000004B  }
0xc4: {  	_ =	sfence  }
0xc5: {  	s30 =	sld [smem:$0x0];
	_ =	sdelay $0x2  }
0xc6: {  	s31 =	sshll.u32 s1, $0xD;
	s1 =	sshrl.u32 s1, $0x2  }
0xc7: {  	s4 =	sand.u32 $0x4000, s31;
	s1 =	sadd.s32 s1, s30  }
0xc8: {  	s0 =	sor.u32 s4, s0;
	s1 =	sshll.u32 s1, $0x11  }
0xc9: {  	s0 =	sor.u32 s1, s0  }
0xca: {  	s0 =	sadd.s32 $0x8F2B, s0  }
0xcb: {  	[sflag:s0] =	ssyncadd.remote.s32 $0x1  }
0xcc: {  	_ =	sfence.sel $0xFFFF  }
0xcd: {  	[dreg:$0x0] =	wrdreg $0xFFFFFFFF;
	(pc) =	sbr.abs _section_cstart, $3  }
0xce: {  	[dreg:$0x1] =	wrdreg $0xFFFFFFFF  }
0xcf: {  	_ =	task.clear_ibuf [dreg:s22], $0x2FFFF;
	_ =	strace $0x9FFFFFFF  }
0xd0: {  	(tm) =	ssettm $0x7FFFFFFF  }
0xd1: {  	_ =	shalt  }
tec
execute0_lowered:
.L_overlay_start_1:
0x0: {  	(tag) =	ssettag $0x1  }
0x1: {  	s0 =	srdreg.scid  }
0x2: {  	s1 =	stileid.u32;
	s0 =	sand.u32 $0x1, s0  }
0x3: {  	s1 =	sshll.u32 s1, $0x8;
	s2 =	sshll.u32 s0, $0x7  }
0x4: {  	s4 =	rddreg [dreg:$0x0];
	s3 =	sor.u32 s2, s1  }
0x5: {  	s31 =	simm.s32 $0x80;
	s2 =	simm.s32 $0x0;
	s5 =	sshrl.u32 s3, $0x3  }
0x6: {  	[smem:$0x7FF] =	sst s2;
	s3 =	sshll.u32 s3, $0x8;
	s5 =	sadd.s32 s5, s4  }
0x7: {  	_ =	strace $0x8000004A;
	[dreg:$0xc] =	wrdreg s31;
	s6 =	sadd.s32 $0x202A00, s5  }
0x8: {  	s7 =	sadd.s32 s3, s4;
	s20 =	sadd.s32 $0x202800, s5;
	[dreg:$0x2] =	wrdreg s6  }
0x9: {  	s17 =	simm.s32 $0x2;
	s21 =	sadd.s32 $0x202C00, s7;
	[dreg:$0x3] =	wrdreg s20  }
0xa: {  	s15 =	simm.s32 $0x8500;
	s22 =	sadd.s32 $0x202E00, s7;
	[dreg:$0x4] =	wrdreg s21  }
0xb: {  	s0 =	ssub.s32 $0x2, s0;
	s23 =	sadd.s32 $0x203000, s7;
	[dreg:$0x5] =	wrdreg s22  }
0xc: {  	s26 =	sshrl.u32 s0, $0x1;
	s24 =	sadd.s32 $0x203200, s7;
	[dreg:$0x6] =	wrdreg s23  }
0xd: {  	s1 =	sor.u32 $0x1000, s1;
	s25 =	sadd.s32 $0x206C00, s7;
	[dreg:$0x7] =	wrdreg s24  }
0xe: {  	s0 =	ssub.s32 s0, s26;
	s28 =	sadd.s32 $0x206E00, s7;
	[dreg:$0x8] =	wrdreg s25  }
0xf: {  	v0 =	vmov s1;
	s1 =	simm.s32 $0x4000;
	s29 =	sadd.s32 $0x207000, s7;
	[dreg:$0x9] =	wrdreg s28  }
0x10: {  	v3 =	vlaneseq.u32;
	vm0 =	vmmov $0xffff;
	s3 =	sadd.s32 $0x2800, s4;
	s30 =	sadd.s32 $0x207200, s7;
	[dreg:$0xa] =	wrdreg s29  }
0x11: {  	v1 =	vand.u32 $0x7, v3;
	v2 =	vshrl.u32 v3, $0x3;
	s4 =	sadd.s32 $0x2900, s4;
	v0 =	vand.u32 $0xFFFFFE00, v0;
	s5 =	smax.u32 s0, $0x1;
	[dreg:$0xb] =	wrdreg s30  }
0x12: {  	v3 =	vor.u32 $0x8, v3;
	v2 =	vmul.u32 $0x8, v2;
	v0 =	vbroadcast v0, $0x0;
	s6 =	simm.s32 $0x3;
	s22 =	simm.s32 $0x1;
	s23 =	simm.s32 $0x500  }
.LBB2_1:
0x13: {  	s18 =	rddreg [dreg:$0x2]  }
0x14: {  	[tilespmem:s2], [sflag:$0x3] =	stream.linear.gather [hbm4b:s18+s2], $0x80, $0x38;
	[tilespmem:$0x10500] =	vst v63  }
0x15: {  	_ =	swait.ge [sflag:s6], $0x80  }
0x16: {  	s30 =	rddreg [dreg:$0x3];
	[sflag:s6] =	ssyncset.done $0x0  }
0x17: {  	s19 =	rddreg [dreg:$0xc];
	[sflag:s6] =	ssyncadd.s32 $0xFFFFFF80  }
0x18: {  	[tilespmem:s19], [sflag:$0x3] =	stream.linear.gather [hbm4b:s30+s2], $0x80, $0x38;
	[tilespmem:$0x10500] =	vst v63  }
0x19: {  	_ =	swait.ge [sflag:s6], $0x80  }
0x1a: {  	[sflag:s6] =	ssyncset.done $0x0  }
0x1b: {  	[sflag:s6] =	ssyncadd.s32 $0xFFFFFF80  }
0x1c: {  	v4 =	vld [tilespmem:$0x80]  }
0x1d: {  	v5 =	vld [tilespmem:$0x0]  }
0x1e: {  	v7 =	vld [tilespmem:$0x10]  }
0x1f: {  	v9 =	vld [tilespmem:$0x90]  }
0x20: {  	v11 =	vld [tilespmem:$0x20]  }
0x21: {  	v13 =	vld [tilespmem:$0xA0]  }
0x22: {  	v16 =	vld [tilespmem:$0xB0]  }
0x23: {  	v17 =	vld [tilespmem:$0x30]  }
0x24: {  	v61 =	vld [tilespmem:$0x40]  }
0x25: {  	v18 =	vld [tilespmem:$0xC0]  }
0x26: {  	v27 =	vld [tilespmem:$0xD0];
	v6 =	vadd.s32 v0, v4;
	v4 =	vadd.s32 $0x1, v4  }
0x27: {  	v31 =	vld [tilespmem:$0x50];
	v8 =	vadd.s32 $0xFFFFFFFF, v5;
	v5 =	vadd.s32 v0, v5;
	v10 =	vadd.s32 $0xFFFFFFFF, v7  }
0x28: {  	v39 =	vld [tilespmem:$0x60];
	v12 =	vadd.s32 v0, v9;
	v9 =	vadd.s32 $0x1, v9;
	v7 =	vadd.s32 v0, v7  }
0x29: {  	v44 =	vld [tilespmem:$0xE0];
	v14 =	vadd.s32 $0xFFFFFFFF, v11;
	v15 =	vadd.s32 $0x1, v13;
	v13 =	vadd.s32 v0, v13  }
0x2a: {  	v11 =	vadd.s32 v0, v11;
	v59 =	vadd.s32 v0, v16;
	v60 =	vadd.s32 $0x1, v16  }
0x2b: {  	v63 =	vadd.s32 $0xFFFFFFFF, v17;
	v26 =	vadd.s32 $0xFFFFFFFF, v61;
	v28 =	vadd.s32 v0, v18  }
0x2c: {  	v29 =	vadd.s32 $0x1, v18;
	v30 =	vadd.s32 v0, v61;
	v38 =	vadd.s32 v0, v27  }
0x2d: {  	v42 =	vadd.s32 $0x1, v27;
	v43 =	vadd.s32 $0xFFFFFFFF, v31;
	v48 =	vadd.s32 $0xFFFFFFFF, v39  }
0x2e: {  	v53 =	vadd.s32 $0x1, v44;
	v6 =	vshll.u32 v6, $0x1;
	vm1 =	vlt.s32 v4, $0x1FF  }
0x2f: {  	v5 =	vshll.u32 v5, $0x1;
	v12 =	vshll.u32 v12, $0x1;
	v7 =	vshll.u32 v7, $0x1  }
0x30: {  	v50 =	vld [tilespmem:$0x70];
	v13 =	vshll.u32 v13, $0x1;
	v11 =	vshll.u32 v11, $0x1;
	v62 =	vshll.u32 v59, $0x1  }
0x31: {  	v32 =	vshll.u32 v28, $0x1;
	v33 =	vshll.u32 v30, $0x1;
	v41 =	vshll.u32 v38, $0x1  }
0x32: {  	v4 =	vnsel vm1, $0x1FF, v4;
	vm1 =	vgt.s32 v8, $0x0;
	v5 =	vor.u32 $0x1, v5  }
0x33: {  	v7 =	vor.u32 $0x1, v7;
	v56 =	vor.u32 $0x1, v11;
	[tilespmem:$0x120] =	vst v13;
	v13 =	vadd.s32 v0, v39  }
0x34: {  	v8 =	vnsel vm1, $0x0, v8;
	v4 =	vadd.s32 v0, v4;
	vm1 =	vgt.s32 v10, $0x0  }
0x35: {  	[tilespmem:$0x220] =	vst v56;
	v52 =	vshll.u32 v13, $0x1;
	v56 =	vadd.s32 $0xFFFFFFFF, v50;
	v8 =	vadd.s32 v0, v8  }
0x36: {  	v4 =	vshll.u32 v4, $0x1;
	v10 =	vnsel vm1, $0x0, v10;
	vm1 =	vlt.s32 v9, $0x1FF  }
0x37: {  	[tilespmem:$0x100] =	vst v6;
	v8 =	vshll.u32 v8, $0x1;
	v4 =	vor.u32 $0x1, v4;
	v9 =	vnsel vm1, $0x1FF, v9  }
0x38: {  	[tilespmem:$0x110] =	vst v12;
	v49 =	vld [tilespmem:$0x100];
	v10 =	vadd.s32 v0, v10;
	vm1 =	vgt.s32 v14, $0x0;
	v9 =	vadd.s32 v0, v9  }
0x39: {  	v10 =	vshll.u32 v10, $0x1;
	v14 =	vnsel vm1, $0x0, v14;
	vm1 =	vlt.s32 v15, $0x1FF;
	[tilespmem:$0x300] =	vst v8  }
0x3a: {  	[tilespmem:$0x400] =	vst v4;
	v4 =	vadd.s32 v0, v17;
	v8 =	vor.u32 $0x1, v52;
	v9 =	vshll.u32 v9, $0x1  }
0x3b: {  	[tilespmem:$0x130] =	vst v62;
	v15 =	vnsel vm1, $0x1FF, v15;
	v14 =	vadd.s32 v0, v14;
	vm1 =	vlt.s32 v60, $0x1FF  }
0x3c: {  	v51 =	vld [tilespmem:$0xF0];
	[tilespmem:$0x180] =	vst v32;
	v4 =	vshll.u32 v4, $0x1;
	v9 =	vor.u32 $0x1, v9;
	v15 =	vadd.s32 v0, v15  }
0x3d: {  	[tilespmem:$0x190] =	vst v41;
	v57 =	vshll.u32 v14, $0x1;
	v4 =	vor.u32 $0x1, v4;
	v55 =	vshll.u32 v49, $0x2  }
0x3e: {  	v58 =	vshll.u32 v15, $0x1;
	v15 =	vnsel vm1, $0x1FF, v60;
	vm1 =	vgt.s32 v63, $0x0;
	[tilespmem:$0x410] =	vst v9  }
0x3f: {  	v9 =	vor.u32 $0x1, v33;
	[tilespmem:$0x230] =	vst v4;
	v4 =	vadd.s32 v0, v31;
	v11 =	vand.u32 $0xFFFFFFE0, v55  }
0x40: {  	[tilespmem:$0x200] =	vst v5;
	v5 =	vor.u32 $0x1, v58;
	v21 =	vnsel vm1, $0x0, v63;
	v22 =	vadd.s32 v0, v15  }
0x41: {  	[tilespmem:$0x210] =	vst v7;
	vm1 =	vgt.s32 v26, $0x0;
	v4 =	vshll.u32 v4, $0x1;
	v58 =	vadd.s32 $0x1, v51  }
0x42: {  	[tilespmem:$0x280] =	vst v9;
	v9 =	vadd.s32 v0, v50;
	v23 =	vadd.s32 v0, v21;
	v24 =	vshll.u32 v22, $0x1  }
0x43: {  	[tilespmem:$0x310] =	vst v10;
	v12 =	vnsel vm1, $0x0, v26;
	vm1 =	vlt.s32 v29, $0x1FF;
	v4 =	vor.u32 $0x1, v4  }
0x44: {  	[tilespmem:$0x2A0] =	vst v8;
	v7 =	vshll.u32 v23, $0x1;
	v25 =	vor.u32 $0x1, v24;
	v34 =	vnsel vm1, $0x1FF, v29  }
0x45: {  	[tilespmem:$0x320] =	vst v57;
	v35 =	vadd.s32 v0, v12;
	vm1 =	vlt.s32 v42, $0x1FF;
	v12 =	vand.u32 $0x7, v49  }
0x46: {  	[tilespmem:$0x420] =	vst v5;
	v36 =	vadd.s32 v0, v34;
	v5 =	vshll.u32 v35, $0x1;
	v45 =	vnsel vm1, $0x1FF, v42  }
0x47: {  	[tilespmem:$0x290] =	vst v4;
	vm1 =	vgt.s32 v43, $0x0;
	v57 =	vor.u32 v12, v11;
	v37 =	vshll.u32 v36, $0x1  }
0x48: {  	[tilespmem:$0x330] =	vst v7;
	v46 =	vnsel vm1, $0x0, v43;
	v7 =	vadd.s32 v0, v45;
	vm1 =	vgt.s32 v48, $0x0  }
0x49: {  	[tilespmem:$0x380] =	vst v5;
	v5 =	vadd.s32 v0, v44;
	v60 =	vperm.xlane v57, v1;
	v40 =	vor.u32 $0x1, v37  }
0x4a: {  	[tilespmem:$0x430] =	vst v25;
	v47 =	vadd.s32 v0, v46;
	v7 =	vshll.u32 v7, $0x1;
	v10 =	vnsel vm1, $0x0, v48  }
0x4b: {  	v5 =	vshll.u32 v5, $0x1;
	vm1 =	vlt.s32 v53, $0x1FF;
	v6 =	vshll.u32 v47, $0x1;
	[tilespmem:$0x480] =	vst v40  }
0x4c: {  	v7 =	vor.u32 $0x1, v7;
	v10 =	vadd.s32 v0, v10;
	v54 =	vnsel vm1, $0x1FF, v53;
	[tilespmem:$0x1A0] =	vst v5  }
0x4d: {  	vm1 =	vgt.s32 v56, $0x0;
	v61 =	vadd.s32 v2, v60;
	[tilespmem:$0x390] =	vst v6;
	v5 =	vadd.s32 v0, v54  }
0x4e: {  	v4 =	vshll.u32 v10, $0x1;
	[tilespmem:$0x490] =	vst v7;
	v6 =	vnsel vm1, $0x0, v56;
	v5 =	vshll.u32 v5, $0x1  }
0x4f: {  	vm1 =	vlt.s32 v58, $0x1FF;
	[tilespmem:$0x3A0] =	vst v4;
	v4 =	vor.u32 $0x1, v5;
	v5 =	vadd.s32 v0, v51  }
0x50: {  	v59 =	vnsel vm1, $0x1FF, v58;
	[tilespmem:$0x4A0] =	vst v4;
	v4 =	vshll.u32 v5, $0x1;
	v5 =	vshll.u32 v9, $0x1  }
0x51: {  	v62 =	vadd.s32 v0, v59;
	[tilespmem:$0x1B0] =	vst v4;
	v4 =	vor.u32 $0x1, v5;
	v5 =	vadd.s32 v0, v6  }
0x52: {  	v63 =	vperm.xlane v57, v3;
	[tilespmem:$0x2B0] =	vst v4;
	v4 =	vshll.u32 v5, $0x1;
	v5 =	vshll.u32 v62, $0x1  }
0x53: {  	v5 =	vor.u32 $0x1, v5;
	[tilespmem:$0x3B0] =	vst v4  }
0x54: {  	v4 =	vadd.s32 v2, v63;
	[tilespmem:$0x4B0] =	vst v5  }
0x55: {  	[tilespmem:s23], [sflag:$0x1] =	stream.indirect_vreg.gather [hbm4b:s3+s2], $0x80, v61, vm0, $0xb8;
	[tilespmem:$0x10500] =	vst v63  }
0x56: {  	s0 =	simm.s32 $0xD00  }
0x57: {  	[tilespmem:s0], [sflag:$0x1] =	stream.indirect_vreg.gather [hbm4b:s4+s2], $0x80, v61, vm0, $0xb8;
	[tilespmem:$0x10500] =	vst v63  }
0x58: {  	s31 =	simm.s32 $0x1500  }
0x59: {  	[tilespmem:s31], [sflag:$0x1] =	stream.indirect_vreg.gather [hbm4b:s3+s2], $0x80, v4, vm0, $0xb8;
	[tilespmem:$0x10500] =	vst v63  }
0x5a: {  	s7 =	simm.s32 $0x1D00  }
0x5b: {  	[tilespmem:s7], [sflag:$0x1] =	stream.indirect_vreg.gather [hbm4b:s4+s2], $0x80, v4, vm0, $0xb8;
	[tilespmem:$0x10500] =	vst v63  }
0x5c: {  	v4 =	vld [tilespmem:$0x110];
	_ =	sdelay $0x4  }
0x5d: {  	v5 =	vshll.u32 v4, $0x2  }
0x5e: {  	v4 =	vand.u32 $0x7, v4;
	v5 =	vand.u32 $0xFFFFFFE0, v5  }
0x5f: {  	v4 =	vor.u32 v4, v5  }
0x60: {  	v5 =	vperm.xlane v4, v1;
	_ =	sdelay $0x1  }
0x61: {  	v5 =	vadd.s32 v2, v5;
	_ =	sdelay $0x1  }
0x62: {  	v4 =	vperm.xlane v4, v3;
	_ =	sdelay $0x1  }
0x63: {  	s8 =	simm.s32 $0x2500;
	v4 =	vadd.s32 v2, v4  }
0x64: {  	[tilespmem:s8], [sflag:$0x1] =	stream.indirect_vreg.gather [hbm4b:s3+s2], $0x80, v5, vm0, $0xb8;
	[tilespmem:$0x10500] =	vst v63  }
0x65: {  	s9 =	simm.s32 $0x2D00  }
0x66: {  	[tilespmem:s9], [sflag:$0x1] =	stream.indirect_vreg.gather [hbm4b:s4+s2], $0x80, v5, vm0, $0xb8;
	[tilespmem:$0x10500] =	vst v63  }
0x67: {  	s10 =	simm.s32 $0x3500  }
0x68: {  	[tilespmem:s10], [sflag:$0x1] =	stream.indirect_vreg.gather [hbm4b:s3+s2], $0x80, v4, vm0, $0xb8;
	[tilespmem:$0x10500] =	vst v63  }
0x69: {  	s12 =	simm.s32 $0x3D00  }
0x6a: {  	[tilespmem:s12], [sflag:$0x1] =	stream.indirect_vreg.gather [hbm4b:s4+s2], $0x80, v4, vm0, $0xb8;
	[tilespmem:$0x10500] =	vst v63  }
0x6b: {  	v4 =	vld [tilespmem:$0x120];
	_ =	sdelay $0x4  }
0x6c: {  	v5 =	vshll.u32 v4, $0x2  }
0x6d: {  	v4 =	vand.u32 $0x7, v4;
	v5 =	vand.u32 $0xFFFFFFE0, v5  }
0x6e: {  	v4 =	vor.u32 v4, v5  }
0x6f: {  	v5 =	vperm.xlane v4, v1;
	_ =	sdelay $0x1  }
0x70: {  	v5 =	vadd.s32 v2, v5;
	_ =	sdelay $0x1  }
0x71: {  	v4 =	vperm.xlane v4, v3;
	_ =	sdelay $0x1  }
0x72: {  	s14 =	simm.s32 $0x4500;
	v4 =	vadd.s32 v2, v4  }
0x73: {  	[tilespmem:s14], [sflag:$0x1] =	stream.indirect_vreg.gather [hbm4b:s3+s2], $0x80, v5, vm0, $0xb8;
	[tilespmem:$0x10500] =	vst v63  }
0x74: {  	s16 =	simm.s32 $0x4D00  }
0x75: {  	[tilespmem:s16], [sflag:$0x1] =	stream.indirect_vreg.gather [hbm4b:s4+s2], $0x80, v5, vm0, $0xb8;
	[tilespmem:$0x10500] =	vst v63  }
0x76: {  	s18 =	simm.s32 $0x5500  }
0x77: {  	[tilespmem:s18], [sflag:$0x1] =	stream.indirect_vreg.gather [hbm4b:s3+s2], $0x80, v4, vm0, $0xb8;
	[tilespmem:$0x10500] =	vst v63  }
0x78: {  	s19 =	simm.s32 $0x5D00  }
0x79: {  	[tilespmem:s19], [sflag:$0x1] =	stream.indirect_vreg.gather [hbm4b:s4+s2], $0x80, v4, vm0, $0xb8;
	[tilespmem:$0x10500] =	vst v63  }
0x7a: {  	v4 =	vld [tilespmem:$0x130];
	_ =	sdelay $0x4  }
0x7b: {  	v5 =	vshll.u32 v4, $0x2  }
0x7c: {  	v4 =	vand.u32 $0x7, v4;
	v5 =	vand.u32 $0xFFFFFFE0, v5  }
0x7d: {  	v4 =	vor.u32 v4, v5  }
0x7e: {  	v5 =	vperm.xlane v4, v1;
	_ =	sdelay $0x1  }
0x7f: {  	v5 =	vadd.s32 v2, v5;
	_ =	sdelay $0x1  }
0x80: {  	v4 =	vperm.xlane v4, v3;
	_ =	sdelay $0x1  }
0x81: {  	s31 =	simm.s32 $0x6500;
	v4 =	vadd.s32 v2, v4  }
0x82: {  	[tilespmem:s31], [sflag:$0x1] =	stream.indirect_vreg.gather [hbm4b:s3+s2], $0x80, v5, vm0, $0xb8;
	[tilespmem:$0x10500] =	vst v63  }
0x83: {  	s7 =	simm.s32 $0x6D00  }
0x84: {  	[tilespmem:s7], [sflag:$0x1] =	stream.indirect_vreg.gather [hbm4b:s4+s2], $0x80, v5, vm0, $0xb8;
	[tilespmem:$0x10500] =	vst v63  }
0x85: {  	s8 =	simm.s32 $0x7500  }
0x86: {  	[tilespmem:s8], [sflag:$0x1] =	stream.indirect_vreg.gather [hbm4b:s3+s2], $0x80, v4, vm0, $0xb8;
	[tilespmem:$0x10500] =	vst v63  }
0x87: {  	s9 =	simm.s32 $0x7D00  }
0x88: {  	[tilespmem:s9], [sflag:$0x1] =	stream.indirect_vreg.gather [hbm4b:s4+s2], $0x80, v4, vm0, $0xb8;
	[tilespmem:$0x10500] =	vst v63  }
0x89: {  	v4 =	vld [tilespmem:$0x200];
	_ =	sdelay $0x4  }
0x8a: {  	v5 =	vshll.u32 v4, $0x2  }
0x8b: {  	v4 =	vand.u32 $0x7, v4;
	v5 =	vand.u32 $0xFFFFFFE0, v5  }
0x8c: {  	v4 =	vor.u32 v4, v5  }
0x8d: {  	v5 =	vperm.xlane v4, v1;
	_ =	sdelay $0x1  }
0x8e: {  	v5 =	vadd.s32 v2, v5;
	_ =	sdelay $0x1  }
0x8f: {  	v4 =	vperm.xlane v4, v3;
	_ =	sdelay $0x1  }
0x90: {  	v4 =	vadd.s32 v2, v4  }
0x91: {  	[tilespmem:s15], [sflag:$0x2] =	stream.indirect_vreg.gather [hbm4b:s3+s2], $0x80, v5, vm0, $0xb8;
	[tilespmem:$0x10500] =	vst v63  }
0x92: {  	s10 =	simm.s32 $0x8D00  }
0x93: {  	[tilespmem:s10], [sflag:$0x2] =	stream.indirect_vreg.gather [hbm4b:s4+s2], $0x80, v5, vm0, $0xb8;
	[tilespmem:$0x10500] =	vst v63  }
0x94: {  	s12 =	simm.s32 $0x9500  }
0x95: {  	[tilespmem:s12], [sflag:$0x2] =	stream.indirect_vreg.gather [hbm4b:s3+s2], $0x80, v4, vm0, $0xb8;
	[tilespmem:$0x10500] =	vst v63  }
0x96: {  	s18 =	simm.s32 $0x9D00  }
0x97: {  	[tilespmem:s18], [sflag:$0x2] =	stream.indirect_vreg.gather [hbm4b:s4+s2], $0x80, v4, vm0, $0xb8;
	[tilespmem:$0x10500] =	vst v63  }
0x98: {  	v4 =	vld [tilespmem:$0x210];
	_ =	sdelay $0x4  }
0x99: {  	v5 =	vshll.u32 v4, $0x2  }
0x9a: {  	v4 =	vand.u32 $0x7, v4;
	v5 =	vand.u32 $0xFFFFFFE0, v5  }
0x9b: {  	v4 =	vor.u32 v4, v5  }
0x9c: {  	v5 =	vperm.xlane v4, v1;
	_ =	sdelay $0x1  }
0x9d: {  	v5 =	vadd.s32 v2, v5;
	_ =	sdelay $0x1  }
0x9e: {  	v4 =	vperm.xlane v4, v3;
	_ =	sdelay $0x1  }
0x9f: {  	s19 =	simm.s32 $0xA500;
	v4 =	vadd.s32 v2, v4  }
0xa0: {  	[tilespmem:s19], [sflag:$0x2] =	stream.indirect_vreg.gather [hbm4b:s3+s2], $0x80, v5, vm0, $0xb8;
	[tilespmem:$0x10500] =	vst v63  }
0xa1: {  	s31 =	simm.s32 $0xAD00  }
0xa2: {  	[tilespmem:s31], [sflag:$0x2] =	stream.indirect_vreg.gather [hbm4b:s4+s2], $0x80, v5, vm0, $0xb8;
	[tilespmem:$0x10500] =	vst v63  }
0xa3: {  	s9 =	simm.s32 $0xB500  }
0xa4: {  	[tilespmem:s9], [sflag:$0x2] =	stream.indirect_vreg.gather [hbm4b:s3+s2], $0x80, v4, vm0, $0xb8;
	[tilespmem:$0x10500] =	vst v63  }
0xa5: {  	s12 =	simm.s32 $0xBD00  }
0xa6: {  	[tilespmem:s12], [sflag:$0x2] =	stream.indirect_vreg.gather [hbm4b:s4+s2], $0x80, v4, vm0, $0xb8;
	[tilespmem:$0x10500] =	vst v63  }
0xa7: {  	v4 =	vld [tilespmem:$0x220];
	_ =	sdelay $0x4  }
0xa8: {  	v5 =	vshll.u32 v4, $0x2  }
0xa9: {  	v4 =	vand.u32 $0x7, v4;
	v5 =	vand.u32 $0xFFFFFFE0, v5  }
0xaa: {  	v4 =	vor.u32 v4, v5  }
0xab: {  	v5 =	vperm.xlane v4, v1;
	_ =	sdelay $0x1  }
0xac: {  	v5 =	vadd.s32 v2, v5;
	_ =	sdelay $0x1  }
0xad: {  	v4 =	vperm.xlane v4, v3;
	_ =	sdelay $0x1  }
0xae: {  	s18 =	simm.s32 $0xC500;
	v4 =	vadd.s32 v2, v4  }
0xaf: {  	[tilespmem:s18], [sflag:$0x2] =	stream.indirect_vreg.gather [hbm4b:s3+s2], $0x80, v5, vm0, $0xb8;
	[tilespmem:$0x10500] =	vst v63  }
0xb0: {  	s19 =	simm.s32 $0xCD00  }
0xb1: {  	[tilespmem:s19], [sflag:$0x2] =	stream.indirect_vreg.gather [hbm4b:s4+s2], $0x80, v5, vm0, $0xb8;
	[tilespmem:$0x10500] =	vst v63  }
0xb2: {  	s31 =	simm.s32 $0xD500  }
0xb3: {  	[tilespmem:s31], [sflag:$0x2] =	stream.indirect_vreg.gather [hbm4b:s3+s2], $0x80, v4, vm0, $0xb8;
	[tilespmem:$0x10500] =	vst v63  }
0xb4: {  	s18 =	simm.s32 $0xDD00  }
0xb5: {  	[tilespmem:s18], [sflag:$0x2] =	stream.indirect_vreg.gather [hbm4b:s4+s2], $0x80, v4, vm0, $0xb8;
	[tilespmem:$0x10500] =	vst v63  }
0xb6: {  	v4 =	vld [tilespmem:$0x230];
	_ =	sdelay $0x4  }
0xb7: {  	v5 =	vshll.u32 v4, $0x2  }
0xb8: {  	v4 =	vand.u32 $0x7, v4;
	v5 =	vand.u32 $0xFFFFFFE0, v5  }
0xb9: {  	v4 =	vor.u32 v4, v5  }
0xba: {  	v5 =	vperm.xlane v4, v1;
	_ =	sdelay $0x1  }
0xbb: {  	v5 =	vadd.s32 v2, v5;
	_ =	sdelay $0x1  }
0xbc: {  	v4 =	vperm.xlane v4, v3;
	_ =	sdelay $0x1  }
0xbd: {  	s19 =	simm.s32 $0xE500;
	v4 =	vadd.s32 v2, v4  }
0xbe: {  	[tilespmem:s19], [sflag:$0x2] =	stream.indirect_vreg.gather [hbm4b:s3+s2], $0x80, v5, vm0, $0xb8;
	[tilespmem:$0x10500] =	vst v63  }
0xbf: {  	s31 =	simm.s32 $0xED00  }
0xc0: {  	[tilespmem:s31], [sflag:$0x2] =	stream.indirect_vreg.gather [hbm4b:s4+s2], $0x80, v5, vm0, $0xb8;
	[tilespmem:$0x10500] =	vst v63  }
0xc1: {  	s18 =	simm.s32 $0xF500  }
0xc2: {  	[tilespmem:s18], [sflag:$0x2] =	stream.indirect_vreg.gather [hbm4b:s3+s2], $0x80, v4, vm0, $0xb8;
	[tilespmem:$0x10500] =	vst v63  }
0xc3: {  	s19 =	simm.s32 $0xFD00  }
0xc4: {  	[tilespmem:s19], [sflag:$0x2] =	stream.indirect_vreg.gather [hbm4b:s4+s2], $0x80, v4, vm0, $0xb8;
	[tilespmem:$0x10500] =	vst v63  }
0xc5: {  	_ =	swait.ge [sflag:s22], $0x8000  }
0xc6: {  	[sflag:s22] =	ssyncset.done $0x0  }
0xc7: {  	s0 =	simm.s32 $0x1000;
	s31 =	rddreg [dreg:$0x4];
	[sflag:s22] =	ssyncadd.s32 $0xFFFF8000  }
0xc8: {  	[hbm4b:s31+s0] =	stream.strided.scatter [tilespmem:s23], [sflag:$0x3], $0x8000, s1, s0, $0x38;
	[tilespmem:$0x10500] =	vst v63  }
0xc9: {  	_ =	swait.ge [sflag:s6], $0x8000  }
0xca: {  	[sflag:s6] =	ssyncset.done $0x0  }
0xcb: {  	[sflag:s6] =	ssyncadd.s32 $0xFFFF8000  }
0xcc: {  	v4 =	vld [tilespmem:$0x300];
	_ =	sdelay $0x4  }
0xcd: {  	v5 =	vshll.u32 v4, $0x2  }
0xce: {  	v4 =	vand.u32 $0x7, v4;
	v5 =	vand.u32 $0xFFFFFFE0, v5  }
0xcf: {  	v4 =	vor.u32 v4, v5  }
0xd0: {  	v5 =	vperm.xlane v4, v1;
	_ =	sdelay $0x1  }
0xd1: {  	v5 =	vadd.s32 v2, v5;
	_ =	sdelay $0x1  }
0xd2: {  	v4 =	vperm.xlane v4, v3;
	_ =	sdelay $0x1  }
0xd3: {  	v4 =	vadd.s32 v2, v4  }
0xd4: {  	[tilespmem:s23], [sflag:$0x1] =	stream.indirect_vreg.gather [hbm4b:s3+s2], $0x80, v5, vm0, $0xb8;
	[tilespmem:$0x10500] =	vst v63  }
0xd5: {  	s11 =	simm.s32 $0xD00  }
0xd6: {  	[tilespmem:s11], [sflag:$0x1] =	stream.indirect_vreg.gather [hbm4b:s4+s2], $0x80, v5, vm0, $0xb8;
	[tilespmem:$0x10500] =	vst v63  }
0xd7: {  	s13 =	simm.s32 $0x1500  }
0xd8: {  	[tilespmem:s13], [sflag:$0x1] =	stream.indirect_vreg.gather [hbm4b:s3+s2], $0x80, v4, vm0, $0xb8;
	[tilespmem:$0x10500] =	vst v63  }
0xd9: {  	s21 =	simm.s32 $0x1D00  }
0xda: {  	[tilespmem:s21], [sflag:$0x1] =	stream.indirect_vreg.gather [hbm4b:s4+s2], $0x80, v4, vm0, $0xb8;
	[tilespmem:$0x10500] =	vst v63  }
0xdb: {  	v4 =	vld [tilespmem:$0x310];
	_ =	sdelay $0x4  }
0xdc: {  	v5 =	vshll.u32 v4, $0x2  }
0xdd: {  	v4 =	vand.u32 $0x7, v4;
	v5 =	vand.u32 $0xFFFFFFE0, v5  }
0xde: {  	v4 =	vor.u32 v4, v5  }
0xdf: {  	v5 =	vperm.xlane v4, v1;
	_ =	sdelay $0x1  }
0xe0: {  	v5 =	vadd.s32 v2, v5;
	_ =	sdelay $0x1  }
0xe1: {  	v4 =	vperm.xlane v4, v3;
	_ =	sdelay $0x1  }
0xe2: {  	s20 =	simm.s32 $0x2500;
	v4 =	vadd.s32 v2, v4  }
0xe3: {  	[tilespmem:s20], [sflag:$0x1] =	stream.indirect_vreg.gather [hbm4b:s3+s2], $0x80, v5, vm0, $0xb8;
	[tilespmem:$0x10500] =	vst v63  }
0xe4: {  	s24 =	simm.s32 $0x2D00  }
0xe5: {  	[tilespmem:s24], [sflag:$0x1] =	stream.indirect_vreg.gather [hbm4b:s4+s2], $0x80, v5, vm0, $0xb8;
	[tilespmem:$0x10500] =	vst v63  }
0xe6: {  	s25 =	simm.s32 $0x3500  }
0xe7: {  	[tilespmem:s25], [sflag:$0x1] =	stream.indirect_vreg.gather [hbm4b:s3+s2], $0x80, v4, vm0, $0xb8;
	[tilespmem:$0x10500] =	vst v63  }
0xe8: {  	s26 =	simm.s32 $0x3D00  }
0xe9: {  	[tilespmem:s26], [sflag:$0x1] =	stream.indirect_vreg.gather [hbm4b:s4+s2], $0x80, v4, vm0, $0xb8;
	[tilespmem:$0x10500] =	vst v63  }
0xea: {  	v4 =	vld [tilespmem:$0x320];
	_ =	sdelay $0x4  }
0xeb: {  	v5 =	vshll.u32 v4, $0x2  }
0xec: {  	v4 =	vand.u32 $0x7, v4;
	v5 =	vand.u32 $0xFFFFFFE0, v5  }
0xed: {  	v4 =	vor.u32 v4, v5  }
0xee: {  	v5 =	vperm.xlane v4, v1;
	_ =	sdelay $0x1  }
0xef: {  	v5 =	vadd.s32 v2, v5;
	_ =	sdelay $0x1  }
0xf0: {  	v4 =	vperm.xlane v4, v3;
	_ =	sdelay $0x1  }
0xf1: {  	s28 =	simm.s32 $0x4500;
	v4 =	vadd.s32 v2, v4  }
0xf2: {  	[tilespmem:s28], [sflag:$0x1] =	stream.indirect_vreg.gather [hbm4b:s3+s2], $0x80, v5, vm0, $0xb8;
	[tilespmem:$0x10500] =	vst v63  }
0xf3: {  	s29 =	simm.s32 $0x4D00  }
0xf4: {  	[tilespmem:s29], [sflag:$0x1] =	stream.indirect_vreg.gather [hbm4b:s4+s2], $0x80, v5, vm0, $0xb8;
	[tilespmem:$0x10500] =	vst v63  }
0xf5: {  	s30 =	simm.s32 $0x5500  }
0xf6: {  	[tilespmem:s30], [sflag:$0x1] =	stream.indirect_vreg.gather [hbm4b:s3+s2], $0x80, v4, vm0, $0xb8;
	[tilespmem:$0x10500] =	vst v63  }
0xf7: {  	s30 =	simm.s32 $0x5D00  }
0xf8: {  	[tilespmem:s30], [sflag:$0x1] =	stream.indirect_vreg.gather [hbm4b:s4+s2], $0x80, v4, vm0, $0xb8;
	[tilespmem:$0x10500] =	vst v63  }
0xf9: {  	v4 =	vld [tilespmem:$0x330];
	_ =	sdelay $0x4  }
0xfa: {  	v5 =	vshll.u32 v4, $0x2  }
0xfb: {  	v4 =	vand.u32 $0x7, v4;
	v5 =	vand.u32 $0xFFFFFFE0, v5  }
0xfc: {  	v4 =	vor.u32 v4, v5  }
0xfd: {  	v5 =	vperm.xlane v4, v1;
	_ =	sdelay $0x1  }
0xfe: {  	v5 =	vadd.s32 v2, v5;
	_ =	sdelay $0x1  }
0xff: {  	v4 =	vperm.xlane v4, v3;
	_ =	sdelay $0x1  }
0x100: {  	s14 =	simm.s32 $0x6500;
	v4 =	vadd.s32 v2, v4  }
0x101: {  	[tilespmem:s14], [sflag:$0x1] =	stream.indirect_vreg.gather [hbm4b:s3+s2], $0x80, v5, vm0, $0xb8;
	[tilespmem:$0x10500] =	vst v63  }
0x102: {  	s16 =	simm.s32 $0x6D00  }
0x103: {  	[tilespmem:s16], [sflag:$0x1] =	stream.indirect_vreg.gather [hbm4b:s4+s2], $0x80, v5, vm0, $0xb8;
	[tilespmem:$0x10500] =	vst v63  }
0x104: {  	s20 =	simm.s32 $0x7500  }
0x105: {  	[tilespmem:s20], [sflag:$0x1] =	stream.indirect_vreg.gather [hbm4b:s3+s2], $0x80, v4, vm0, $0xb8;
	[tilespmem:$0x10500] =	vst v63  }
0x106: {  	s21 =	simm.s32 $0x7D00  }
0x107: {  	[tilespmem:s21], [sflag:$0x1] =	stream.indirect_vreg.gather [hbm4b:s4+s2], $0x80, v4, vm0, $0xb8;
	[tilespmem:$0x10500] =	vst v63  }
0x108: {  	_ =	swait.ge [sflag:s17], $0x8000  }
0x109: {  	[sflag:s17] =	ssyncset.done $0x0  }
0x10a: {  	s16 =	rddreg [dreg:$0x5];
	[sflag:s17] =	ssyncadd.s32 $0xFFFF8000  }
0x10b: {  	[hbm4b:s16+s0] =	stream.strided.scatter [tilespmem:s15], [sflag:$0x3], $0x8000, s1, s0, $0x38;
	[tilespmem:$0x10500] =	vst v63  }
0x10c: {  	_ =	swait.ge [sflag:s6], $0x8000  }
0x10d: {  	[sflag:s6] =	ssyncset.done $0x0  }
0x10e: {  	[sflag:s6] =	ssyncadd.s32 $0xFFFF8000  }
0x10f: {  	v4 =	vld [tilespmem:$0x400];
	_ =	sdelay $0x4  }
0x110: {  	v5 =	vshll.u32 v4, $0x2  }
0x111: {  	v4 =	vand.u32 $0x7, v4;
	v5 =	vand.u32 $0xFFFFFFE0, v5  }
0x112: {  	v4 =	vor.u32 v4, v5  }
0x113: {  	v5 =	vperm.xlane v4, v1;
	_ =	sdelay $0x1  }
0x114: {  	v5 =	vadd.s32 v2, v5;
	_ =	sdelay $0x1  }
0x115: {  	v4 =	vperm.xlane v4, v3;
	_ =	sdelay $0x1  }
0x116: {  	v4 =	vadd.s32 v2, v4  }
0x117: {  	[tilespmem:s15], [sflag:$0x2] =	stream.indirect_vreg.gather [hbm4b:s3+s2], $0x80, v5, vm0, $0xb8;
	[tilespmem:$0x10500] =	vst v63  }
0x118: {  	s14 =	simm.s32 $0x8D00  }
0x119: {  	[tilespmem:s14], [sflag:$0x2] =	stream.indirect_vreg.gather [hbm4b:s4+s2], $0x80, v5, vm0, $0xb8;
	[tilespmem:$0x10500] =	vst v63  }
0x11a: {  	s7 =	simm.s32 $0x9500  }
0x11b: {  	[tilespmem:s7], [sflag:$0x2] =	stream.indirect_vreg.gather [hbm4b:s3+s2], $0x80, v4, vm0, $0xb8;
	[tilespmem:$0x10500] =	vst v63  }
0x11c: {  	s10 =	simm.s32 $0x9D00  }
0x11d: {  	[tilespmem:s10], [sflag:$0x2] =	stream.indirect_vreg.gather [hbm4b:s4+s2], $0x80, v4, vm0, $0xb8;
	[tilespmem:$0x10500] =	vst v63  }
0x11e: {  	v4 =	vld [tilespmem:$0x410];
	_ =	sdelay $0x4  }
0x11f: {  	v5 =	vshll.u32 v4, $0x2  }
0x120: {  	v4 =	vand.u32 $0x7, v4;
	v5 =	vand.u32 $0xFFFFFFE0, v5  }
0x121: {  	v4 =	vor.u32 v4, v5  }
0x122: {  	v5 =	vperm.xlane v4, v1;
	_ =	sdelay $0x1  }
0x123: {  	v5 =	vadd.s32 v2, v5;
	_ =	sdelay $0x1  }
0x124: {  	v4 =	vperm.xlane v4, v3;
	_ =	sdelay $0x1  }
0x125: {  	s8 =	simm.s32 $0xA500;
	v4 =	vadd.s32 v2, v4  }
0x126: {  	[tilespmem:s8], [sflag:$0x2] =	stream.indirect_vreg.gather [hbm4b:s3+s2], $0x80, v5, vm0, $0xb8;
	[tilespmem:$0x10500] =	vst v63  }
0x127: {  	s11 =	simm.s32 $0xAD00  }
0x128: {  	[tilespmem:s11], [sflag:$0x2] =	stream.indirect_vreg.gather [hbm4b:s4+s2], $0x80, v5, vm0, $0xb8;
	[tilespmem:$0x10500] =	vst v63  }
0x129: {  	s9 =	simm.s32 $0xB500  }
0x12a: {  	[tilespmem:s9], [sflag:$0x2] =	stream.indirect_vreg.gather [hbm4b:s3+s2], $0x80, v4, vm0, $0xb8;
	[tilespmem:$0x10500] =	vst v63  }
0x12b: {  	s12 =	simm.s32 $0xBD00  }
0x12c: {  	[tilespmem:s12], [sflag:$0x2] =	stream.indirect_vreg.gather [hbm4b:s4+s2], $0x80, v4, vm0, $0xb8;
	[tilespmem:$0x10500] =	vst v63  }
0x12d: {  	v4 =	vld [tilespmem:$0x420];
	_ =	sdelay $0x4  }
0x12e: {  	v5 =	vshll.u32 v4, $0x2  }
0x12f: {  	v4 =	vand.u32 $0x7, v4;
	v5 =	vand.u32 $0xFFFFFFE0, v5  }
0x130: {  	v4 =	vor.u32 v4, v5  }
0x131: {  	v5 =	vperm.xlane v4, v1;
	_ =	sdelay $0x1  }
0x132: {  	v5 =	vadd.s32 v2, v5;
	_ =	sdelay $0x1  }
0x133: {  	v4 =	vperm.xlane v4, v3;
	_ =	sdelay $0x1  }
0x134: {  	s12 =	simm.s32 $0xC500;
	v4 =	vadd.s32 v2, v4  }
0x135: {  	[tilespmem:s12], [sflag:$0x2] =	stream.indirect_vreg.gather [hbm4b:s3+s2], $0x80, v5, vm0, $0xb8;
	[tilespmem:$0x10500] =	vst v63  }
0x136: {  	s13 =	simm.s32 $0xCD00  }
0x137: {  	[tilespmem:s13], [sflag:$0x2] =	stream.indirect_vreg.gather [hbm4b:s4+s2], $0x80, v5, vm0, $0xb8;
	[tilespmem:$0x10500] =	vst v63  }
0x138: {  	s16 =	simm.s32 $0xD500  }
0x139: {  	[tilespmem:s16], [sflag:$0x2] =	stream.indirect_vreg.gather [hbm4b:s3+s2], $0x80, v4, vm0, $0xb8;
	[tilespmem:$0x10500] =	vst v63  }
0x13a: {  	s10 =	simm.s32 $0xDD00  }
0x13b: {  	[tilespmem:s10], [sflag:$0x2] =	stream.indirect_vreg.gather [hbm4b:s4+s2], $0x80, v4, vm0, $0xb8;
	[tilespmem:$0x10500] =	vst v63  }
0x13c: {  	v4 =	vld [tilespmem:$0x430];
	_ =	sdelay $0x4  }
0x13d: {  	v5 =	vshll.u32 v4, $0x2  }
0x13e: {  	v4 =	vand.u32 $0x7, v4;
	v5 =	vand.u32 $0xFFFFFFE0, v5  }
0x13f: {  	v4 =	vor.u32 v4, v5  }
0x140: {  	v5 =	vperm.xlane v4, v1;
	_ =	sdelay $0x1  }
0x141: {  	v5 =	vadd.s32 v2, v5;
	_ =	sdelay $0x1  }
0x142: {  	v4 =	vperm.xlane v4, v3;
	_ =	sdelay $0x1  }
0x143: {  	s7 =	simm.s32 $0xE500;
	v4 =	vadd.s32 v2, v4  }
0x144: {  	[tilespmem:s7], [sflag:$0x2] =	stream.indirect_vreg.gather [hbm4b:s3+s2], $0x80, v5, vm0, $0xb8;
	[tilespmem:$0x10500] =	vst v63  }
0x145: {  	s8 =	simm.s32 $0xED00  }
0x146: {  	[tilespmem:s8], [sflag:$0x2] =	stream.indirect_vreg.gather [hbm4b:s4+s2], $0x80, v5, vm0, $0xb8;
	[tilespmem:$0x10500] =	vst v63  }
0x147: {  	s9 =	simm.s32 $0xF500  }
0x148: {  	[tilespmem:s9], [sflag:$0x2] =	stream.indirect_vreg.gather [hbm4b:s3+s2], $0x80, v4, vm0, $0xb8;
	[tilespmem:$0x10500] =	vst v63  }
0x149: {  	s19 =	simm.s32 $0xFD00  }
0x14a: {  	[tilespmem:s19], [sflag:$0x2] =	stream.indirect_vreg.gather [hbm4b:s4+s2], $0x80, v4, vm0, $0xb8;
	[tilespmem:$0x10500] =	vst v63  }
0x14b: {  	_ =	swait.ge [sflag:s22], $0x8000  }
0x14c: {  	[sflag:s22] =	ssyncset.done $0x0  }
0x14d: {  	s19 =	rddreg [dreg:$0x6];
	[sflag:s22] =	ssyncadd.s32 $0xFFFF8000  }
0x14e: {  	[hbm4b:s19+s0] =	stream.strided.scatter [tilespmem:s23], [sflag:$0x3], $0x8000, s1, s0, $0x38;
	[tilespmem:$0x10500] =	vst v63  }
0x14f: {  	_ =	swait.ge [sflag:s6], $0x8000  }
0x150: {  	[sflag:s6] =	ssyncset.done $0x0  }
0x151: {  	[sflag:s6] =	ssyncadd.s32 $0xFFFF8000  }
0x152: {  	v4 =	vld [tilespmem:$0x180];
	_ =	sdelay $0x4  }
0x153: {  	v5 =	vshll.u32 v4, $0x2  }
0x154: {  	v4 =	vand.u32 $0x7, v4;
	v5 =	vand.u32 $0xFFFFFFE0, v5  }
0x155: {  	v4 =	vor.u32 v4, v5  }
0x156: {  	v5 =	vperm.xlane v4, v1;
	_ =	sdelay $0x1  }
0x157: {  	v5 =	vadd.s32 v2, v5;
	_ =	sdelay $0x1  }
0x158: {  	v4 =	vperm.xlane v4, v3;
	_ =	sdelay $0x1  }
0x159: {  	v4 =	vadd.s32 v2, v4  }
0x15a: {  	[tilespmem:s23], [sflag:$0x1] =	stream.indirect_vreg.gather [hbm4b:s3+s2], $0x80, v5, vm0, $0xb8;
	[tilespmem:$0x10500] =	vst v63  }
0x15b: {  	s31 =	simm.s32 $0xD00  }
0x15c: {  	[tilespmem:s31], [sflag:$0x1] =	stream.indirect_vreg.gather [hbm4b:s4+s2], $0x80, v5, vm0, $0xb8;
	[tilespmem:$0x10500] =	vst v63  }
0x15d: {  	s19 =	simm.s32 $0x1500  }
0x15e: {  	[tilespmem:s19], [sflag:$0x1] =	stream.indirect_vreg.gather [hbm4b:s3+s2], $0x80, v4, vm0, $0xb8;
	[tilespmem:$0x10500] =	vst v63  }
0x15f: {  	s19 =	simm.s32 $0x1D00  }
0x160: {  	[tilespmem:s19], [sflag:$0x1] =	stream.indirect_vreg.gather [hbm4b:s4+s2], $0x80, v4, vm0, $0xb8;
	[tilespmem:$0x10500] =	vst v63  }
0x161: {  	v4 =	vld [tilespmem:$0x190];
	_ =	sdelay $0x4  }
0x162: {  	v5 =	vshll.u32 v4, $0x2  }
0x163: {  	v4 =	vand.u32 $0x7, v4;
	v5 =	vand.u32 $0xFFFFFFE0, v5  }
0x164: {  	v4 =	vor.u32 v4, v5  }
0x165: {  	v5 =	vperm.xlane v4, v1;
	_ =	sdelay $0x1  }
0x166: {  	v5 =	vadd.s32 v2, v5;
	_ =	sdelay $0x1  }
0x167: {  	v4 =	vperm.xlane v4, v3;
	_ =	sdelay $0x1  }
0x168: {  	s19 =	simm.s32 $0x2500;
	v4 =	vadd.s32 v2, v4  }
0x169: {  	[tilespmem:s19], [sflag:$0x1] =	stream.indirect_vreg.gather [hbm4b:s3+s2], $0x80, v5, vm0, $0xb8;
	[tilespmem:$0x10500] =	vst v63  }
0x16a: {  	s19 =	simm.s32 $0x2D00  }
0x16b: {  	[tilespmem:s19], [sflag:$0x1] =	stream.indirect_vreg.gather [hbm4b:s4+s2], $0x80, v5, vm0, $0xb8;
	[tilespmem:$0x10500] =	vst v63  }
0x16c: {  	s19 =	simm.s32 $0x3500  }
0x16d: {  	[tilespmem:s19], [sflag:$0x1] =	stream.indirect_vreg.gather [hbm4b:s3+s2], $0x80, v4, vm0, $0xb8;
	[tilespmem:$0x10500] =	vst v63  }
0x16e: {  	s19 =	simm.s32 $0x3D00  }
0x16f: {  	[tilespmem:s19], [sflag:$0x1] =	stream.indirect_vreg.gather [hbm4b:s4+s2], $0x80, v4, vm0, $0xb8;
	[tilespmem:$0x10500] =	vst v63  }
0x170: {  	v4 =	vld [tilespmem:$0x1A0];
	_ =	sdelay $0x4  }
0x171: {  	v5 =	vshll.u32 v4, $0x2  }
0x172: {  	v4 =	vand.u32 $0x7, v4;
	v5 =	vand.u32 $0xFFFFFFE0, v5  }
0x173: {  	v4 =	vor.u32 v4, v5  }
0x174: {  	v5 =	vperm.xlane v4, v1;
	_ =	sdelay $0x1  }
0x175: {  	v5 =	vadd.s32 v2, v5;
	_ =	sdelay $0x1  }
0x176: {  	v4 =	vperm.xlane v4, v3;
	_ =	sdelay $0x1  }
0x177: {  	s19 =	simm.s32 $0x4500;
	v4 =	vadd.s32 v2, v4  }
0x178: {  	[tilespmem:s19], [sflag:$0x1] =	stream.indirect_vreg.gather [hbm4b:s3+s2], $0x80, v5, vm0, $0xb8;
	[tilespmem:$0x10500] =	vst v63  }
0x179: {  	s19 =	simm.s32 $0x4D00  }
0x17a: {  	[tilespmem:s19], [sflag:$0x1] =	stream.indirect_vreg.gather [hbm4b:s4+s2], $0x80, v5, vm0, $0xb8;
	[tilespmem:$0x10500] =	vst v63  }
0x17b: {  	s19 =	simm.s32 $0x5500  }
0x17c: {  	[tilespmem:s19], [sflag:$0x1] =	stream.indirect_vreg.gather [hbm4b:s3+s2], $0x80, v4, vm0, $0xb8;
	[tilespmem:$0x10500] =	vst v63  }
0x17d: {  	_ = 	snop  }
0x17e: {  	[tilespmem:s30], [sflag:$0x1] =	stream.indirect_vreg.gather [hbm4b:s4+s2], $0x80, v4, vm0, $0xb8;
	[tilespmem:$0x10500] =	vst v63  }
0x17f: {  	v4 =	vld [tilespmem:$0x1B0];
	_ =	sdelay $0x4  }
0x180: {  	v5 =	vshll.u32 v4, $0x2  }
0x181: {  	v4 =	vand.u32 $0x7, v4;
	v5 =	vand.u32 $0xFFFFFFE0, v5  }
0x182: {  	v4 =	vor.u32 v4, v5  }
0x183: {  	v5 =	vperm.xlane v4, v1;
	_ =	sdelay $0x1  }
0x184: {  	v5 =	vadd.s32 v2, v5;
	_ =	sdelay $0x1  }
0x185: {  	v4 =	vperm.xlane v4, v3;
	_ =	sdelay $0x1  }
0x186: {  	s19 =	simm.s32 $0x6500;
	v4 =	vadd.s32 v2, v4  }
0x187: {  	[tilespmem:s19], [sflag:$0x1] =	stream.indirect_vreg.gather [hbm4b:s3+s2], $0x80, v5, vm0, $0xb8;
	[tilespmem:$0x10500] =	vst v63  }
0x188: {  	s19 =	simm.s32 $0x6D00  }
0x189: {  	[tilespmem:s19], [sflag:$0x1] =	stream.indirect_vreg.gather [hbm4b:s4+s2], $0x80, v5, vm0, $0xb8;
	[tilespmem:$0x10500] =	vst v63  }
0x18a: {  	_ = 	snop  }
0x18b: {  	[tilespmem:s20], [sflag:$0x1] =	stream.indirect_vreg.gather [hbm4b:s3+s2], $0x80, v4, vm0, $0xb8;
	[tilespmem:$0x10500] =	vst v63  }
0x18c: {  	_ = 	snop  }
0x18d: {  	[tilespmem:s21], [sflag:$0x1] =	stream.indirect_vreg.gather [hbm4b:s4+s2], $0x80, v4, vm0, $0xb8;
	[tilespmem:$0x10500] =	vst v63  }
0x18e: {  	_ =	swait.ge [sflag:s17], $0x8000  }
0x18f: {  	[sflag:s17] =	ssyncset.done $0x0  }
0x190: {  	s21 =	rddreg [dreg:$0x7];
	[sflag:s17] =	ssyncadd.s32 $0xFFFF8000  }
0x191: {  	[hbm4b:s21+s0] =	stream.strided.scatter [tilespmem:s15], [sflag:$0x3], $0x8000, s1, s0, $0x38;
	[tilespmem:$0x10500] =	vst v63  }
0x192: {  	_ =	swait.ge [sflag:s6], $0x8000  }
0x193: {  	[sflag:s6] =	ssyncset.done $0x0  }
0x194: {  	[sflag:s6] =	ssyncadd.s32 $0xFFFF8000  }
0x195: {  	v4 =	vld [tilespmem:$0x280];
	_ =	sdelay $0x4  }
0x196: {  	v5 =	vshll.u32 v4, $0x2  }
0x197: {  	v4 =	vand.u32 $0x7, v4;
	v5 =	vand.u32 $0xFFFFFFE0, v5  }
0x198: {  	v4 =	vor.u32 v4, v5  }
0x199: {  	v5 =	vperm.xlane v4, v1;
	_ =	sdelay $0x1  }
0x19a: {  	v5 =	vadd.s32 v2, v5;
	_ =	sdelay $0x1  }
0x19b: {  	v4 =	vperm.xlane v4, v3;
	_ =	sdelay $0x1  }
0x19c: {  	v4 =	vadd.s32 v2, v4  }
0x19d: {  	[tilespmem:s15], [sflag:$0x2] =	stream.indirect_vreg.gather [hbm4b:s3+s2], $0x80, v5, vm0, $0xb8;
	[tilespmem:$0x10500] =	vst v63  }
0x19e: {  	_ = 	snop  }
0x19f: {  	[tilespmem:s14], [sflag:$0x2] =	stream.indirect_vreg.gather [hbm4b:s4+s2], $0x80, v5, vm0, $0xb8;
	[tilespmem:$0x10500] =	vst v63  }
0x1a0: {  	s24 =	simm.s32 $0x9500  }
0x1a1: {  	[tilespmem:s24], [sflag:$0x2] =	stream.indirect_vreg.gather [hbm4b:s3+s2], $0x80, v4, vm0, $0xb8;
	[tilespmem:$0x10500] =	vst v63  }
0x1a2: {  	s29 =	simm.s32 $0x9D00  }
0x1a3: {  	[tilespmem:s29], [sflag:$0x2] =	stream.indirect_vreg.gather [hbm4b:s4+s2], $0x80, v4, vm0, $0xb8;
	[tilespmem:$0x10500] =	vst v63  }
0x1a4: {  	v4 =	vld [tilespmem:$0x290];
	_ =	sdelay $0x4  }
0x1a5: {  	v5 =	vshll.u32 v4, $0x2  }
0x1a6: {  	v4 =	vand.u32 $0x7, v4;
	v5 =	vand.u32 $0xFFFFFFE0, v5  }
0x1a7: {  	v4 =	vor.u32 v4, v5  }
0x1a8: {  	v5 =	vperm.xlane v4, v1;
	_ =	sdelay $0x1  }
0x1a9: {  	v5 =	vadd.s32 v2, v5;
	_ =	sdelay $0x1  }
0x1aa: {  	v4 =	vperm.xlane v4, v3;
	_ =	sdelay $0x1  }
0x1ab: {  	s21 =	simm.s32 $0xA500;
	v4 =	vadd.s32 v2, v4  }
0x1ac: {  	[tilespmem:s21], [sflag:$0x2] =	stream.indirect_vreg.gather [hbm4b:s3+s2], $0x80, v5, vm0, $0xb8;
	[tilespmem:$0x10500] =	vst v63  }
0x1ad: {  	_ = 	snop  }
0x1ae: {  	[tilespmem:s11], [sflag:$0x2] =	stream.indirect_vreg.gather [hbm4b:s4+s2], $0x80, v5, vm0, $0xb8;
	[tilespmem:$0x10500] =	vst v63  }
0x1af: {  	s25 =	simm.s32 $0xB500  }
0x1b0: {  	[tilespmem:s25], [sflag:$0x2] =	stream.indirect_vreg.gather [hbm4b:s3+s2], $0x80, v4, vm0, $0xb8;
	[tilespmem:$0x10500] =	vst v63  }
0x1b1: {  	s26 =	simm.s32 $0xBD00  }
0x1b2: {  	[tilespmem:s26], [sflag:$0x2] =	stream.indirect_vreg.gather [hbm4b:s4+s2], $0x80, v4, vm0, $0xb8;
	[tilespmem:$0x10500] =	vst v63  }
0x1b3: {  	v4 =	vld [tilespmem:$0x2A0];
	_ =	sdelay $0x4  }
0x1b4: {  	v5 =	vshll.u32 v4, $0x2  }
0x1b5: {  	v4 =	vand.u32 $0x7, v4;
	v5 =	vand.u32 $0xFFFFFFE0, v5  }
0x1b6: {  	v4 =	vor.u32 v4, v5  }
0x1b7: {  	v5 =	vperm.xlane v4, v1;
	_ =	sdelay $0x1  }
0x1b8: {  	v5 =	vadd.s32 v2, v5;
	_ =	sdelay $0x1  }
0x1b9: {  	v4 =	vperm.xlane v4, v3;
	_ =	sdelay $0x1  }
0x1ba: {  	v4 =	vadd.s32 v2, v4  }
0x1bb: {  	[tilespmem:s12], [sflag:$0x2] =	stream.indirect_vreg.gather [hbm4b:s3+s2], $0x80, v5, vm0, $0xb8;
	[tilespmem:$0x10500] =	vst v63  }
0x1bc: {  	_ = 	snop  }
0x1bd: {  	[tilespmem:s13], [sflag:$0x2] =	stream.indirect_vreg.gather [hbm4b:s4+s2], $0x80, v5, vm0, $0xb8;
	[tilespmem:$0x10500] =	vst v63  }
0x1be: {  	_ = 	snop  }
0x1bf: {  	[tilespmem:s16], [sflag:$0x2] =	stream.indirect_vreg.gather [hbm4b:s3+s2], $0x80, v4, vm0, $0xb8;
	[tilespmem:$0x10500] =	vst v63  }
0x1c0: {  	_ = 	snop  }
0x1c1: {  	[tilespmem:s10], [sflag:$0x2] =	stream.indirect_vreg.gather [hbm4b:s4+s2], $0x80, v4, vm0, $0xb8;
	[tilespmem:$0x10500] =	vst v63  }
0x1c2: {  	v4 =	vld [tilespmem:$0x2B0];
	_ =	sdelay $0x4  }
0x1c3: {  	v5 =	vshll.u32 v4, $0x2  }
0x1c4: {  	v4 =	vand.u32 $0x7, v4;
	v5 =	vand.u32 $0xFFFFFFE0, v5  }
0x1c5: {  	v4 =	vor.u32 v4, v5  }
0x1c6: {  	v5 =	vperm.xlane v4, v1;
	_ =	sdelay $0x1  }
0x1c7: {  	v5 =	vadd.s32 v2, v5;
	_ =	sdelay $0x1  }
0x1c8: {  	v4 =	vperm.xlane v4, v3;
	_ =	sdelay $0x1  }
0x1c9: {  	v4 =	vadd.s32 v2, v4  }
0x1ca: {  	[tilespmem:s7], [sflag:$0x2] =	stream.indirect_vreg.gather [hbm4b:s3+s2], $0x80, v5, vm0, $0xb8;
	[tilespmem:$0x10500] =	vst v63  }
0x1cb: {  	_ = 	snop  }
0x1cc: {  	[tilespmem:s8], [sflag:$0x2] =	stream.indirect_vreg.gather [hbm4b:s4+s2], $0x80, v5, vm0, $0xb8;
	[tilespmem:$0x10500] =	vst v63  }
0x1cd: {  	_ = 	snop  }
0x1ce: {  	[tilespmem:s9], [sflag:$0x2] =	stream.indirect_vreg.gather [hbm4b:s3+s2], $0x80, v4, vm0, $0xb8;
	[tilespmem:$0x10500] =	vst v63  }
0x1cf: {  	s28 =	simm.s32 $0xFD00  }
0x1d0: {  	[tilespmem:s28], [sflag:$0x2] =	stream.indirect_vreg.gather [hbm4b:s4+s2], $0x80, v4, vm0, $0xb8;
	[tilespmem:$0x10500] =	vst v63  }
0x1d1: {  	_ =	swait.ge [sflag:s22], $0x8000  }
0x1d2: {  	[sflag:s22] =	ssyncset.done $0x0  }
0x1d3: {  	s18 =	rddreg [dreg:$0x8];
	[sflag:s22] =	ssyncadd.s32 $0xFFFF8000  }
0x1d4: {  	[hbm4b:s18+s0] =	stream.strided.scatter [tilespmem:s23], [sflag:$0x3], $0x8000, s1, s0, $0x38;
	[tilespmem:$0x10500] =	vst v63  }
0x1d5: {  	_ =	swait.ge [sflag:s6], $0x8000  }
0x1d6: {  	[sflag:s6] =	ssyncset.done $0x0  }
0x1d7: {  	[sflag:s6] =	ssyncadd.s32 $0xFFFF8000  }
0x1d8: {  	v4 =	vld [tilespmem:$0x380];
	_ =	sdelay $0x4  }
0x1d9: {  	v5 =	vshll.u32 v4, $0x2  }
0x1da: {  	v4 =	vand.u32 $0x7, v4;
	v5 =	vand.u32 $0xFFFFFFE0, v5  }
0x1db: {  	v4 =	vor.u32 v4, v5  }
0x1dc: {  	v5 =	vperm.xlane v4, v1;
	_ =	sdelay $0x1  }
0x1dd: {  	v5 =	vadd.s32 v2, v5;
	_ =	sdelay $0x1  }
0x1de: {  	v4 =	vperm.xlane v4, v3;
	_ =	sdelay $0x1  }
0x1df: {  	v4 =	vadd.s32 v2, v4  }
0x1e0: {  	[tilespmem:s23], [sflag:$0x1] =	stream.indirect_vreg.gather [hbm4b:s3+s2], $0x80, v5, vm0, $0xb8;
	[tilespmem:$0x10500] =	vst v63  }
0x1e1: {  	s31 =	simm.s32 $0xD00  }
0x1e2: {  	[tilespmem:s31], [sflag:$0x1] =	stream.indirect_vreg.gather [hbm4b:s4+s2], $0x80, v5, vm0, $0xb8;
	[tilespmem:$0x10500] =	vst v63  }
0x1e3: {  	s31 =	simm.s32 $0x1500  }
0x1e4: {  	[tilespmem:s31], [sflag:$0x1] =	stream.indirect_vreg.gather [hbm4b:s3+s2], $0x80, v4, vm0, $0xb8;
	[tilespmem:$0x10500] =	vst v63  }
0x1e5: {  	s31 =	simm.s32 $0x1D00  }
0x1e6: {  	[tilespmem:s31], [sflag:$0x1] =	stream.indirect_vreg.gather [hbm4b:s4+s2], $0x80, v4, vm0, $0xb8;
	[tilespmem:$0x10500] =	vst v63  }
0x1e7: {  	v4 =	vld [tilespmem:$0x390];
	_ =	sdelay $0x4  }
0x1e8: {  	v5 =	vshll.u32 v4, $0x2  }
0x1e9: {  	v4 =	vand.u32 $0x7, v4;
	v5 =	vand.u32 $0xFFFFFFE0, v5  }
0x1ea: {  	v4 =	vor.u32 v4, v5  }
0x1eb: {  	v5 =	vperm.xlane v4, v1;
	_ =	sdelay $0x1  }
0x1ec: {  	v5 =	vadd.s32 v2, v5;
	_ =	sdelay $0x1  }
0x1ed: {  	v4 =	vperm.xlane v4, v3;
	_ =	sdelay $0x1  }
0x1ee: {  	s31 =	simm.s32 $0x2500;
	v4 =	vadd.s32 v2, v4  }
0x1ef: {  	[tilespmem:s31], [sflag:$0x1] =	stream.indirect_vreg.gather [hbm4b:s3+s2], $0x80, v5, vm0, $0xb8;
	[tilespmem:$0x10500] =	vst v63  }
0x1f0: {  	s31 =	simm.s32 $0x2D00  }
0x1f1: {  	[tilespmem:s31], [sflag:$0x1] =	stream.indirect_vreg.gather [hbm4b:s4+s2], $0x80, v5, vm0, $0xb8;
	[tilespmem:$0x10500] =	vst v63  }
0x1f2: {  	s31 =	simm.s32 $0x3500  }
0x1f3: {  	[tilespmem:s31], [sflag:$0x1] =	stream.indirect_vreg.gather [hbm4b:s3+s2], $0x80, v4, vm0, $0xb8;
	[tilespmem:$0x10500] =	vst v63  }
0x1f4: {  	s31 =	simm.s32 $0x3D00  }
0x1f5: {  	[tilespmem:s31], [sflag:$0x1] =	stream.indirect_vreg.gather [hbm4b:s4+s2], $0x80, v4, vm0, $0xb8;
	[tilespmem:$0x10500] =	vst v63  }
0x1f6: {  	v4 =	vld [tilespmem:$0x3A0];
	_ =	sdelay $0x4  }
0x1f7: {  	v5 =	vshll.u32 v4, $0x2  }
0x1f8: {  	v4 =	vand.u32 $0x7, v4;
	v5 =	vand.u32 $0xFFFFFFE0, v5  }
0x1f9: {  	v4 =	vor.u32 v4, v5  }
0x1fa: {  	v5 =	vperm.xlane v4, v1;
	_ =	sdelay $0x1  }
0x1fb: {  	v5 =	vadd.s32 v2, v5;
	_ =	sdelay $0x1  }
0x1fc: {  	v4 =	vperm.xlane v4, v3;
	_ =	sdelay $0x1  }
0x1fd: {  	s31 =	simm.s32 $0x4500;
	v4 =	vadd.s32 v2, v4  }
0x1fe: {  	[tilespmem:s31], [sflag:$0x1] =	stream.indirect_vreg.gather [hbm4b:s3+s2], $0x80, v5, vm0, $0xb8;
	[tilespmem:$0x10500] =	vst v63  }
0x1ff: {  	s31 =	simm.s32 $0x4D00  }
0x200: {  	[tilespmem:s31], [sflag:$0x1] =	stream.indirect_vreg.gather [hbm4b:s4+s2], $0x80, v5, vm0, $0xb8;
	[tilespmem:$0x10500] =	vst v63  }
0x201: {  	s31 =	simm.s32 $0x5500  }
0x202: {  	[tilespmem:s31], [sflag:$0x1] =	stream.indirect_vreg.gather [hbm4b:s3+s2], $0x80, v4, vm0, $0xb8;
	[tilespmem:$0x10500] =	vst v63  }
0x203: {  	s30 =	simm.s32 $0x5D00  }
0x204: {  	[tilespmem:s30], [sflag:$0x1] =	stream.indirect_vreg.gather [hbm4b:s4+s2], $0x80, v4, vm0, $0xb8;
	[tilespmem:$0x10500] =	vst v63  }
0x205: {  	v4 =	vld [tilespmem:$0x3B0];
	_ =	sdelay $0x4  }
0x206: {  	v5 =	vshll.u32 v4, $0x2  }
0x207: {  	v4 =	vand.u32 $0x7, v4;
	v5 =	vand.u32 $0xFFFFFFE0, v5  }
0x208: {  	v4 =	vor.u32 v4, v5  }
0x209: {  	v5 =	vperm.xlane v4, v1;
	_ =	sdelay $0x1  }
0x20a: {  	v5 =	vadd.s32 v2, v5;
	_ =	sdelay $0x1  }
0x20b: {  	v4 =	vperm.xlane v4, v3;
	_ =	sdelay $0x1  }
0x20c: {  	s30 =	simm.s32 $0x6500;
	v4 =	vadd.s32 v2, v4  }
0x20d: {  	[tilespmem:s30], [sflag:$0x1] =	stream.indirect_vreg.gather [hbm4b:s3+s2], $0x80, v5, vm0, $0xb8;
	[tilespmem:$0x10500] =	vst v63  }
0x20e: {  	s31 =	simm.s32 $0x6D00  }
0x20f: {  	[tilespmem:s31], [sflag:$0x1] =	stream.indirect_vreg.gather [hbm4b:s4+s2], $0x80, v5, vm0, $0xb8;
	[tilespmem:$0x10500] =	vst v63  }
0x210: {  	s19 =	simm.s32 $0x7500  }
0x211: {  	[tilespmem:s19], [sflag:$0x1] =	stream.indirect_vreg.gather [hbm4b:s3+s2], $0x80, v4, vm0, $0xb8;
	[tilespmem:$0x10500] =	vst v63  }
0x212: {  	s20 =	simm.s32 $0x7D00  }
0x213: {  	[tilespmem:s20], [sflag:$0x1] =	stream.indirect_vreg.gather [hbm4b:s4+s2], $0x80, v4, vm0, $0xb8;
	[tilespmem:$0x10500] =	vst v63  }
0x214: {  	_ =	swait.ge [sflag:s17], $0x8000  }
0x215: {  	[sflag:s17] =	ssyncset.done $0x0  }
0x216: {  	s20 =	rddreg [dreg:$0x9];
	[sflag:s17] =	ssyncadd.s32 $0xFFFF8000  }
0x217: {  	[hbm4b:s20+s0] =	stream.strided.scatter [tilespmem:s15], [sflag:$0x3], $0x8000, s1, s0, $0x38;
	[tilespmem:$0x10500] =	vst v63  }
0x218: {  	_ =	swait.ge [sflag:s6], $0x8000  }
0x219: {  	[sflag:s6] =	ssyncset.done $0x0  }
0x21a: {  	[sflag:s6] =	ssyncadd.s32 $0xFFFF8000  }
0x21b: {  	v4 =	vld [tilespmem:$0x480];
	_ =	sdelay $0x4  }
0x21c: {  	v5 =	vshll.u32 v4, $0x2  }
0x21d: {  	v4 =	vand.u32 $0x7, v4;
	v5 =	vand.u32 $0xFFFFFFE0, v5  }
0x21e: {  	v4 =	vor.u32 v4, v5  }
0x21f: {  	v5 =	vperm.xlane v4, v1;
	_ =	sdelay $0x1  }
0x220: {  	v5 =	vadd.s32 v2, v5;
	_ =	sdelay $0x1  }
0x221: {  	v4 =	vperm.xlane v4, v3;
	_ =	sdelay $0x1  }
0x222: {  	v4 =	vadd.s32 v2, v4  }
0x223: {  	[tilespmem:s15], [sflag:$0x2] =	stream.indirect_vreg.gather [hbm4b:s3+s2], $0x80, v5, vm0, $0xb8;
	[tilespmem:$0x10500] =	vst v63  }
0x224: {  	s14 =	simm.s32 $0x8D00  }
0x225: {  	[tilespmem:s14], [sflag:$0x2] =	stream.indirect_vreg.gather [hbm4b:s4+s2], $0x80, v5, vm0, $0xb8;
	[tilespmem:$0x10500] =	vst v63  }
0x226: {  	s24 =	simm.s32 $0x9500  }
0x227: {  	[tilespmem:s24], [sflag:$0x2] =	stream.indirect_vreg.gather [hbm4b:s3+s2], $0x80, v4, vm0, $0xb8;
	[tilespmem:$0x10500] =	vst v63  }
0x228: {  	s29 =	simm.s32 $0x9D00  }
0x229: {  	[tilespmem:s29], [sflag:$0x2] =	stream.indirect_vreg.gather [hbm4b:s4+s2], $0x80, v4, vm0, $0xb8;
	[tilespmem:$0x10500] =	vst v63  }
0x22a: {  	v4 =	vld [tilespmem:$0x490];
	_ =	sdelay $0x4  }
0x22b: {  	v5 =	vshll.u32 v4, $0x2  }
0x22c: {  	v4 =	vand.u32 $0x7, v4;
	v5 =	vand.u32 $0xFFFFFFE0, v5  }
0x22d: {  	v4 =	vor.u32 v4, v5  }
0x22e: {  	v5 =	vperm.xlane v4, v1;
	_ =	sdelay $0x1  }
0x22f: {  	v5 =	vadd.s32 v2, v5;
	_ =	sdelay $0x1  }
0x230: {  	v4 =	vperm.xlane v4, v3;
	_ =	sdelay $0x1  }
0x231: {  	s21 =	simm.s32 $0xA500;
	v4 =	vadd.s32 v2, v4  }
0x232: {  	[tilespmem:s21], [sflag:$0x2] =	stream.indirect_vreg.gather [hbm4b:s3+s2], $0x80, v5, vm0, $0xb8;
	[tilespmem:$0x10500] =	vst v63  }
0x233: {  	s11 =	simm.s32 $0xAD00  }
0x234: {  	[tilespmem:s11], [sflag:$0x2] =	stream.indirect_vreg.gather [hbm4b:s4+s2], $0x80, v5, vm0, $0xb8;
	[tilespmem:$0x10500] =	vst v63  }
0x235: {  	s25 =	simm.s32 $0xB500  }
0x236: {  	[tilespmem:s25], [sflag:$0x2] =	stream.indirect_vreg.gather [hbm4b:s3+s2], $0x80, v4, vm0, $0xb8;
	[tilespmem:$0x10500] =	vst v63  }
0x237: {  	s26 =	simm.s32 $0xBD00  }
0x238: {  	[tilespmem:s26], [sflag:$0x2] =	stream.indirect_vreg.gather [hbm4b:s4+s2], $0x80, v4, vm0, $0xb8;
	[tilespmem:$0x10500] =	vst v63  }
0x239: {  	v4 =	vld [tilespmem:$0x4A0];
	_ =	sdelay $0x4  }
0x23a: {  	v5 =	vshll.u32 v4, $0x2  }
0x23b: {  	v4 =	vand.u32 $0x7, v4;
	v5 =	vand.u32 $0xFFFFFFE0, v5  }
0x23c: {  	v4 =	vor.u32 v4, v5  }
0x23d: {  	v5 =	vperm.xlane v4, v1;
	_ =	sdelay $0x1  }
0x23e: {  	v5 =	vadd.s32 v2, v5;
	_ =	sdelay $0x1  }
0x23f: {  	v4 =	vperm.xlane v4, v3;
	_ =	sdelay $0x1  }
0x240: {  	s12 =	simm.s32 $0xC500;
	v4 =	vadd.s32 v2, v4  }
0x241: {  	[tilespmem:s12], [sflag:$0x2] =	stream.indirect_vreg.gather [hbm4b:s3+s2], $0x80, v5, vm0, $0xb8;
	[tilespmem:$0x10500] =	vst v63  }
0x242: {  	s13 =	simm.s32 $0xCD00  }
0x243: {  	[tilespmem:s13], [sflag:$0x2] =	stream.indirect_vreg.gather [hbm4b:s4+s2], $0x80, v5, vm0, $0xb8;
	[tilespmem:$0x10500] =	vst v63  }
0x244: {  	s16 =	simm.s32 $0xD500  }
0x245: {  	[tilespmem:s16], [sflag:$0x2] =	stream.indirect_vreg.gather [hbm4b:s3+s2], $0x80, v4, vm0, $0xb8;
	[tilespmem:$0x10500] =	vst v63  }
0x246: {  	s10 =	simm.s32 $0xDD00  }
0x247: {  	[tilespmem:s10], [sflag:$0x2] =	stream.indirect_vreg.gather [hbm4b:s4+s2], $0x80, v4, vm0, $0xb8;
	[tilespmem:$0x10500] =	vst v63  }
0x248: {  	v4 =	vld [tilespmem:$0x4B0];
	_ =	sdelay $0x4  }
0x249: {  	v5 =	vshll.u32 v4, $0x2  }
0x24a: {  	v4 =	vand.u32 $0x7, v4;
	v5 =	vand.u32 $0xFFFFFFE0, v5  }
0x24b: {  	v4 =	vor.u32 v4, v5  }
0x24c: {  	v5 =	vperm.xlane v4, v1;
	_ =	sdelay $0x1  }
0x24d: {  	v5 =	vadd.s32 v2, v5;
	_ =	sdelay $0x1  }
0x24e: {  	v4 =	vperm.xlane v4, v3;
	_ =	sdelay $0x1  }
0x24f: {  	s7 =	simm.s32 $0xE500;
	v4 =	vadd.s32 v2, v4  }
0x250: {  	[tilespmem:s7], [sflag:$0x2] =	stream.indirect_vreg.gather [hbm4b:s3+s2], $0x80, v5, vm0, $0xb8;
	[tilespmem:$0x10500] =	vst v63  }
0x251: {  	s8 =	simm.s32 $0xED00  }
0x252: {  	[tilespmem:s8], [sflag:$0x2] =	stream.indirect_vreg.gather [hbm4b:s4+s2], $0x80, v5, vm0, $0xb8;
	[tilespmem:$0x10500] =	vst v63  }
0x253: {  	s9 =	simm.s32 $0xF500  }
0x254: {  	[tilespmem:s9], [sflag:$0x2] =	stream.indirect_vreg.gather [hbm4b:s3+s2], $0x80, v4, vm0, $0xb8;
	[tilespmem:$0x10500] =	vst v63  }
0x255: {  	s28 =	simm.s32 $0xFD00  }
0x256: {  	[tilespmem:s28], [sflag:$0x2] =	stream.indirect_vreg.gather [hbm4b:s4+s2], $0x80, v4, vm0, $0xb8;
	[tilespmem:$0x10500] =	vst v63  }
0x257: {  	_ =	swait.ge [sflag:s22], $0x8000  }
0x258: {  	[sflag:s22] =	ssyncset.done $0x0  }
0x259: {  	s30 =	rddreg [dreg:$0xa];
	[sflag:s22] =	ssyncadd.s32 $0xFFFF8000  }
0x25a: {  	[hbm4b:s30+s0] =	stream.strided.scatter [tilespmem:s23], [sflag:$0x3], $0x8000, s1, s0, $0x38;
	[tilespmem:$0x10500] =	vst v63  }
0x25b: {  	_ =	swait.ge [sflag:s6], $0x8000  }
0x25c: {  	[sflag:s6] =	ssyncset.done $0x0  }
0x25d: {  	[sflag:s6] =	ssyncadd.s32 $0xFFFF8000  }
0x25e: {  	_ =	swait.ge [sflag:s17], $0x8000  }
0x25f: {  	p0 =	sne.s32 s5, $0x1;
	[sflag:s17] =	ssyncset.done $0x0  }
.Ltmp0:
0x260: {  	s31 =	rddreg [dreg:$0xb];
	[sflag:s17] =	ssyncadd.s32 $0xFFFF8000;
	(pc) =	sbr.rel @p0 .LBB2_1-.Ltmp0, $4  }
0x261: {  	[hbm4b:s31+s0] =	stream.strided.scatter [tilespmem:s15], [sflag:$0x3], $0x8000, s1, s0, $0x38;
	[tilespmem:$0x10500] =	vst v63  }
0x262: {  	_ =	swait.ge [sflag:s6], $0x8000  }
0x263: {  	[sflag:s6] =	ssyncset.done $0x0  }
0x264: {  	s5 =	sadd.s32 $0xFFFFFFFF, s5;
	[sflag:s6] =	ssyncadd.s32 $0xFFFF8000  }
0x265: {  	_ =	sfence.sel $0x180000  }
0x266: {  	[bflag:$0x0] =	sbarrier.arrive $0xFFFF  }
0x267: {  	_ =	strace $0x9000004A  }
0x268: {  	s0 =	stileid.u32;
	[bflag:$0x2] =	sbarrier.arrive $0xFFFF  }
0x269: {  	p0 =	sne.s32 s0, $0x0;
	s0 =	rddreg [dreg:$0x1]  }
0x26a: {  	s0 =	sadd.s32 @!p0 $0x100000, s0  }
0x26b: {  	[sflag:s0] =	ssyncadd.tile.s32 @!p0 $0x1;
	_ =	shalt  }
.Lfunc_end2:
_tile_overlayer_lowered:
.L_overlay_start_2:
0x26c: {  	(tag) =	ssettag $0x2  }
0x26d: {  	s0 =	rddreg [dreg:$0x0];
	s2 =	stileid.u32  }
0x26e: {  	s1 =	rddreg [dreg:$0x1];
	p0 =	sne.s32 s2, $0x0  }
0x26f: {  	s3 =	rddreg [dreg:$0x2];
	[bflag:$0x3] =	sbarrier.arrive $0xFFFF;
	s2 =	simm.s32 @!p0 $0x1C03  }
0x270: {  	[timem:s3], [sflag:s2] =	dma.local @!p0 [hbm:s0], s1  }
0x271: {  	s0 =	simm.s32 @!p0 $0x3  }
0x272: {  	_ =	swait.ge @!p0 [sflag:s0], s1  }
0x273: {  	s1 =	ssub.s32 @!p0 $0x0, s1;
	[sflag:s0] =	ssyncset.done @!p0 $0x0  }
0x274: {  	[sflag:s0] =	ssyncadd.s32 @!p0 s1  }
0x275: {  	[bflag:$0x3] =	sbarrier.arrive $0xFFFF  }
0x276: {  	_ =	shalt  }

</sc_bundles>
